<compile_context>
chip_gen: v7x
topology: tpu7x:2x2x1
jax: 0.10.2.dev20260603
libtpu: 0.0.44.dev20260713+nightly
codegen_flags: <defaults>
</compile_context>

<pallas_src>
import functools
import math

import jax
import jax.numpy as jnp
from jax import lax
from jax.experimental import pallas as pl
from jax.experimental.pallas import tpu as pltpu
from jax.experimental.pallas import tpu_sc as plsc

N_NODES = 10000
E = 320000
D_HEAD = 32
INV_SCALE = 1.0 / math.sqrt(D_HEAD)

NPAD = 10240
DUMMY = 10200
TBL = 4 * NPAD
SLICE = TBL // 16
NT = 16
EPAD = 327680
EPT = EPAD // NT
C = 2560

BM1 = 2560
BM2 = 1280


def _p1_body(x_ref, wqk_ref, bqk_ref, rep_ref, aT_ref):
    x = x_ref[...]
    qk = jnp.dot(x, wqk_ref[...], preferred_element_type=jnp.float32) + bqk_ref[...]
    r_in = qk[:, 0:128] * qk[:, 128:256]
    r_out = qk[:, 256:384] * qk[:, 384:512]
    r_all = jnp.concatenate([r_in, r_out], axis=1)
    aT = lax.dot_general(rep_ref[...], r_all, (((1,), (1,)), ((), ())),
                         preferred_element_type=jnp.float32)
    aT_ref[...] = aT * INV_SCALE


def _p2_body(x_ref, wv_ref, bv_ref, rep_ref, wTi_ref, wTo_ref, w13_ref, w24_ref,
             bo_ref, out_ref):
    x = x_ref[...]
    v = jnp.dot(x, wv_ref[...], preferred_element_type=jnp.float32) + bv_ref[...]
    rep4 = rep_ref[...]
    wbc_in = lax.dot_general(wTi_ref[...], rep4, (((0,), (0,)), ((), ())),
                             preferred_element_type=jnp.float32)
    wbc_out = lax.dot_general(wTo_ref[...], rep4, (((0,), (0,)), ((), ())),
                              preferred_element_type=jnp.float32)
    o = v * jnp.concatenate([wbc_in, wbc_out], axis=1)
    z = jnp.dot(o, w24_ref[...], preferred_element_type=jnp.float32)
    up = jnp.roll(z, -1, axis=0)
    dn = jnp.roll(z, 1, axis=0)
    row = lax.broadcasted_iota(jnp.int32, (BM2, 1), 0)
    zsw = jnp.where((row % 2) == 0, up, dn)
    out_ref[...] = (
        jnp.dot(o, w13_ref[...], preferred_element_type=jnp.float32)
        + zsw + bo_ref[...])


def _softmax_sc_body(aT_hbm, seg_hbm, wTi_hbm, wTo_hbm,
                     table_v, seg_v, a_v, w_v, tmp_v, acc_v, sp_tabs, sp_fin):
    c = lax.axis_index("c")
    s = lax.axis_index("s")
    seg_off0 = (1 - c) * EPAD
    arow0 = c * 4
    nch = EPT // C

    zero16 = jnp.zeros((16,), jnp.float32)

    @plsc.parallel_loop(0, TBL, step=16, unroll=8)
    def _(i):
        table_v[pl.ds(i, 16)] = zero16

    def load_chunk(k):
        base = pl.multiple_of(s * EPT + k * C, 128)
        pltpu.sync_copy(seg_hbm.at[pl.ds(pl.multiple_of(seg_off0 + base, 128), C)],
                        seg_v)
        pltpu.sync_copy(aT_hbm.at[:, pl.ds(base, C)], a_v)
        return base

    def sk(k, _):
        load_chunk(k)

        @plsc.parallel_loop(0, C, step=16, unroll=4)
        def _(i):
            sg = seg_v[pl.ds(i, 16)]
            for h in range(4):
                e = jnp.exp(a_v[arow0 + h, pl.ds(i, 16)])
                plsc.addupdate_scatter(table_v, [sg + (h * NPAD)], e)
        return 0
    lax.fori_loop(0, nch, sk, 0)

    pltpu.sync_copy(table_v, sp_tabs.at[pl.ds(pl.multiple_of(s * TBL, 128), TBL)])
    plsc.subcore_barrier()
    pltpu.sync_copy(sp_tabs.at[pl.ds(pl.multiple_of(s * SLICE, 128), SLICE)],
                    acc_v)
    for t in range(1, NT):
        pltpu.sync_copy(
            sp_tabs.at[pl.ds(pl.multiple_of(t * TBL + s * SLICE, 128), SLICE)],
            tmp_v)

        @plsc.parallel_loop(0, SLICE, step=16, unroll=4)
        def _(i):
            acc_v[pl.ds(i, 16)] = acc_v[pl.ds(i, 16)] + tmp_v[pl.ds(i, 16)]
    pltpu.sync_copy(acc_v, sp_fin.at[pl.ds(pl.multiple_of(s * SLICE, 128), SLICE)])
    plsc.subcore_barrier()
    pltpu.sync_copy(sp_fin, table_v)

    def gk(k, _):
        base = load_chunk(k)

        @plsc.parallel_loop(0, C, step=16, unroll=4)
        def _(i):
            sg = seg_v[pl.ds(i, 16)]
            for h in range(4):
                e = jnp.exp(a_v[arow0 + h, pl.ds(i, 16)])
                ssum = plsc.load_gather(table_v, [sg + (h * NPAD)])
                w_v[h, pl.ds(i, 16)] = e / (ssum + 1e-16)

        @pl.when(c == 0)
        def _():
            pltpu.sync_copy(w_v, wTi_hbm.at[:, pl.ds(base, C)])

        @pl.when(c == 1)
        def _():
            pltpu.sync_copy(w_v, wTo_hbm.at[:, pl.ds(base, C)])
        return 0
    lax.fori_loop(0, nch, gk, 0)


@functools.lru_cache(maxsize=1)
def _make_softmax_sc():
    mesh = plsc.VectorSubcoreMesh(core_axis_name="c", subcore_axis_name="s")
    return pl.kernel(
        _softmax_sc_body,
        mesh=mesh,
        compiler_params=pltpu.CompilerParams(needs_layout_passes=False),
        out_type=[jax.ShapeDtypeStruct((4, EPAD), jnp.float32),
                  jax.ShapeDtypeStruct((4, EPAD), jnp.float32)],
        scratch_types=[
            pltpu.VMEM((TBL,), jnp.float32),
            pltpu.VMEM((C,), jnp.int32),
            pltpu.VMEM((8, C), jnp.float32),
            pltpu.VMEM((4, C), jnp.float32),
            pltpu.VMEM((SLICE,), jnp.float32),
            pltpu.VMEM((SLICE,), jnp.float32),
            pltpu.VMEM_SHARED((NT * TBL,), jnp.float32),
            pltpu.VMEM_SHARED((TBL,), jnp.float32),
        ],
    )


def _rep8():
    return (jnp.arange(256)[None, :] // 32 == jnp.arange(8)[:, None]).astype(jnp.float32)


def kernel(edge_attr, edge_index, num_nodes,
           W_v_in, b_v_in, W_q_in, b_q_in, W_k_in, b_k_in,
           W_v_out, b_v_out, W_q_out, b_q_out, W_k_out, b_k_out, W_o, b_o):
    del num_nodes
    rep = _rep8()
    rep4 = rep[:4, :128]
    wqk = jnp.concatenate([W_q_in, W_k_in, W_q_out, W_k_out], axis=1)
    bqk = jnp.concatenate([b_q_in, b_k_in, b_q_out, b_k_out])[None, :]
    wv = jnp.concatenate([W_v_in, W_v_out], axis=1)
    bv = jnp.concatenate([b_v_in, b_v_out])[None, :]
    w13 = jnp.concatenate([W_o[0:128], W_o[256:384]], axis=0)
    w24 = jnp.concatenate([W_o[128:256], W_o[384:512]], axis=0)

    nblk = E // BM1
    aT = pl.pallas_call(
        _p1_body,
        grid=(EPAD // BM1,),
        in_specs=[
            pl.BlockSpec((BM1, 128), lambda i: (jnp.minimum(i, nblk - 1), 0)),
            pl.BlockSpec((128, 512), lambda i: (0, 0)),
            pl.BlockSpec((1, 512), lambda i: (0, 0)),
            pl.BlockSpec((8, 256), lambda i: (0, 0)),
        ],
        out_specs=pl.BlockSpec((8, BM1), lambda i: (0, i)),
        out_shape=jax.ShapeDtypeStruct((8, EPAD), jnp.float32),
    )(edge_attr, wqk, bqk, rep)

    pad = jnp.full((EPAD - E,), DUMMY, jnp.int32)
    seg_all = jnp.concatenate(
        [edge_index[0], pad, edge_index[1], pad])

    wT_in, wT_out = _make_softmax_sc()(aT, seg_all)

    out = pl.pallas_call(
        _p2_body,
        grid=(E // BM2,),
        in_specs=[
            pl.BlockSpec((BM2, 128), lambda i: (i, 0)),
            pl.BlockSpec((128, 256), lambda i: (0, 0)),
            pl.BlockSpec((1, 256), lambda i: (0, 0)),
            pl.BlockSpec((4, 128), lambda i: (0, 0)),
            pl.BlockSpec((4, BM2), lambda i: (0, i)),
            pl.BlockSpec((4, BM2), lambda i: (0, i)),
            pl.BlockSpec((256, 128), lambda i: (0, 0)),
            pl.BlockSpec((256, 128), lambda i: (0, 0)),
            pl.BlockSpec((1, 128), lambda i: (0, 0)),
        ],
        out_specs=pl.BlockSpec((BM2, 128), lambda i: (i, 0)),
        out_shape=jax.ShapeDtypeStruct((E, 128), jnp.float32),
    )(edge_attr, wv, bv, rep4, wT_in, wT_out, w13, w24, b_o[None, :])
    return out

# --- scband reference (transcript-rebuilt; emitter-appended) ---
"""Pipeline reference for scband-greatlayer-nodeless-34282428957244 (READ-ONLY COPY).

The authoritative reference and input builder live on the scoring server;
editing this copy changes nothing except your own understanding.
"""

import math
import jax, jax.numpy as jnp
import numpy as np

N_NODES = 10000
E = 320000
DIM_IN = 128
HEADS = 4
DIM_OUT = 32
HD = HEADS * DIM_OUT


def _linear_params(key, fan_in, fan_out):
    k1, k2 = jax.random.split(key)
    bound = 1.0 / math.sqrt(fan_in)
    W = jax.random.uniform(k1, (fan_in, fan_out), dtype=jnp.float32, minval=-bound, maxval=bound)
    b = jax.random.uniform(k2, (fan_out,), dtype=jnp.float32, minval=-bound, maxval=bound)
    return W, b


def setup_inputs(seed: int = 0) -> dict:
    key = jax.random.key(seed)
    ks = jax.random.split(key, 10)
    inp = {}
    inp["edge_attr"] = jax.random.normal(ks[0], (E, DIM_IN), dtype=jnp.float32)
    inp["edge_index"] = jax.random.randint(ks[1], (2, E), 0, N_NODES, dtype=jnp.int32)
    inp["num_nodes"] = N_NODES
    names = ["v_in", "q_in", "k_in", "v_out", "q_out", "k_out"]
    for i, nm in enumerate(names):
        W, b = _linear_params(ks[2 + i], DIM_IN, HD)
        inp["W_" + nm] = W
        inp["b_" + nm] = b
    Wo, bo = _linear_params(ks[8], HD * 4, HD)
    inp["W_o"] = Wo
    inp["b_o"] = bo
    return inp


def _segment_softmax(alpha, seg, num_segments):
    # alpha: [E, H], seg: [E]
    m = jax.ops.segment_max(alpha, seg, num_segments=num_segments)
    alpha = alpha - m[seg]
    e = jnp.exp(alpha)
    s = jax.ops.segment_sum(e, seg, num_segments=num_segments)
    return e / (s[seg] + 1e-16)


def reference(edge_attr, edge_index, num_nodes, W_v_in, b_v_in, W_q_in, b_q_in, W_k_in, b_k_in,
              W_v_out, b_v_out, W_q_out, b_q_out, W_k_out, b_k_out, W_o, b_o):
    h, d = HEADS, DIM_OUT
    scale = math.sqrt(d)

    values_in = (edge_attr @ W_v_in + b_v_in).reshape(-1, h, d)
    queries_in = (edge_attr @ W_q_in + b_q_in).reshape(-1, h, d)
    keys_in = (edge_attr @ W_k_in + b_k_in).reshape(-1, h, d)
    alpha_in = (queries_in * keys_in).sum(axis=-1) / scale
    alpha_in = _segment_softmax(alpha_in, edge_index[1], N_NODES)
    out_in = values_in * alpha_in[:, :, None]

    values_out = (edge_attr @ W_v_out + b_v_out).reshape(-1, h, d)
    queries_out = (edge_attr @ W_q_out + b_q_out).reshape(-1, h, d)
    keys_out = (edge_attr @ W_k_out + b_k_out).reshape(-1, h, d)
    alpha_out = (queries_out * keys_out).sum(axis=-1) / scale
    alpha_out = _segment_softmax(alpha_out, edge_index[0], N_NODES)
    out_out = values_out * alpha_out[:, :, None]

    out_in = out_in.reshape(-1, h * d)
    out_out = out_out.reshape(-1, h * d)

    n_edges = edge_index.shape[1]
    inv = jnp.arange(n_edges).reshape(-1, 2)[:, ::-1].reshape(-1)
    edge_agg = jnp.concatenate((out_in, out_in[inv], out_out, out_out[inv]), axis=1)
    edge_agg = edge_agg @ W_o + b_o
    edge_agg = edge_agg + (jnp.asarray(num_nodes) * 0).astype(edge_agg.dtype)
    return edge_agg

if __name__ == "__main__":
    import jax
    _d = setup_inputs()
    print(jax.jit(kernel)(*tuple(_d.values())))

</pallas_src>

<mosaic_0001>
#map = affine_map<(d0, d1) -> (0, 0)>
#map1 = affine_map<(d0, d1) -> (0)>
module attributes {stable_mosaic.version = 14 : i64} {
  func.func @_softmax_sc_body(%arg0: i32, %arg1: i32, %arg2: memref<8x327680xf32, #tpu.memory_space<hbm>>, %arg3: memref<655360xi32, #tpu.memory_space<hbm>>, %arg4: memref<4x327680xf32, #tpu.memory_space<hbm>>, %arg5: memref<4x327680xf32, #tpu.memory_space<hbm>>, %arg6: memref<40960xf32, #tpu.memory_space<vmem>>, %arg7: memref<2560xi32, #tpu.memory_space<vmem>>, %arg8: memref<8x2560xf32, #tpu.memory_space<vmem>>, %arg9: memref<4x2560xf32, #tpu.memory_space<vmem>>, %arg10: memref<2560xf32, #tpu.memory_space<vmem>>, %arg11: memref<2560xf32, #tpu.memory_space<vmem>>, %arg12: memref<655360xf32, #tpu.memory_space<vmem_shared>>, %arg13: memref<40960xf32, #tpu.memory_space<vmem_shared>>) attributes {dimension_semantics = [#tpu.dimension_semantics<core_parallel>, #tpu.dimension_semantics<subcore_parallel>], iteration_bounds = array<i64: 2, 16>, scalar_prefetch = 0 : i64, scratch_operands = 8 : i64, tpu.core_type = #tpu.core_type<sc_vector_subcore>, window_params = [{transform_indices = #map}, {transform_indices = #map1}, {transform_indices = #map}, {transform_indices = #map}]} {
    %sub3A = arith.constant 1 : i32
    %sub3A_0 = arith.subi %sub3A, %arg0 : i32
    %mul3A = arith.constant 327680 : i32
    %mul3A_1 = arith.muli %sub3A_0, %mul3A : i32
    %mul3A_2 = arith.constant 4 : i32
    %mul3A_3 = arith.muli %arg0, %mul3A_2 : i32
    %broadcast_in_dim3A = arith.constant 0.000000e+00 : f32
    %broadcast_in_dim3A_4 = vector.broadcast %broadcast_in_dim3A : f32 to vector<16xf32>
    %parallel_loop3A = arith.constant 0 : i32
    %parallel_loop3A_5 = arith.constant 40960 : i32
    %parallel_loop3A_6 = arith.constant 16 : i32
    scf.for %parallel_loop3A_148 = %parallel_loop3A to %parallel_loop3A_5 step %parallel_loop3A_6  : i32 {
      %parallel_loop3A_149 = arith.index_cast %parallel_loop3A_148 : i32 to index
      %parallel_loop3A_150 = tpu.vector_load %arg6[%parallel_loop3A_149] {strides = array<i32>} : memref<40960xf32, #tpu.memory_space<vmem>>, vector<16xf32>,
      tpu.vector_store %arg6[%parallel_loop3A_149], %broadcast_in_dim3A_4 {strides = array<i32>} : memref<40960xf32, #tpu.memory_space<vmem>>, vector<16xf32>,
    } {sc.loop_unroll_factor = 8 : i64, sc.parallel_access}
    %scan3A = arith.constant 0 : i32
    %scan3A_7 = arith.constant 0 : i32
    %scan3A_8 = arith.constant 8 : i32
    %scan3A_9 = arith.addi %scan3A_7, %scan3A_8 : i32
    %scan3A_10 = arith.constant 1 : i32
    %scan3A_11 = scf.for %scan3A_148 = %scan3A_7 to %scan3A_9 step %scan3A_10 iter_args(%scan3A_149 = %scan3A) -> (i32)  : i32 {
      %mul3A_150 = arith.constant 20480 : i32
      %mul3A_151 = arith.muli %arg1, %mul3A_150 : i32
      %mul3A_152 = arith.constant 2560 : i32
      %mul3A_153 = arith.muli %scan3A_148, %mul3A_152 : i32
      %add3A_154 = arith.addi %mul3A_151, %mul3A_153 : i32
      %multiple_of3A_155 = tpu.assume_multiple %add3A_154, 128 : i32
      %add3A_156 = arith.addi %mul3A_1, %multiple_of3A_155 : i32
      %multiple_of3A_157 = tpu.assume_multiple %add3A_156, 128 : i32
      "tpu.region"() ({
        %run_scoped3A = tpu.sem_alloc : memref<!tpu.dma_semaphore, #tpu.memory_space<semaphore_mem>>
        %dma_start3A = tpu.memref_slice %arg3[%multiple_of3A_157] : memref<655360xi32, #tpu.memory_space<hbm>> -> memref<2560xi32, #tpu.memory_space<hbm>>
        %dma_start3A_162 = tpu.memref_slice %arg3[%multiple_of3A_157] : memref<655360xi32, #tpu.memory_space<hbm>> -> memref<2560xi32, #tpu.memory_space<hbm>>
        tpu.enqueue_dma source(%dma_start3A_162 : memref<2560xi32, #tpu.memory_space<hbm>>) target(%arg7 : memref<2560xi32, #tpu.memory_space<vmem>>) target_semaphore(%run_scoped3A : memref<!tpu.dma_semaphore, #tpu.memory_space<semaphore_mem>>)
        %dma_wait3A = tpu.memref_slice %arg3[%multiple_of3A_157] : memref<655360xi32, #tpu.memory_space<hbm>> -> memref<2560xi32, #tpu.memory_space<hbm>>
        %dma_wait3A_163 = tpu.memref_slice %arg3[%multiple_of3A_157] : memref<655360xi32, #tpu.memory_space<hbm>> -> memref<2560xi32, #tpu.memory_space<hbm>>
        tpu.wait_dma2 semaphore(%run_scoped3A : memref<!tpu.dma_semaphore, #tpu.memory_space<semaphore_mem>>) src(%dma_wait3A_163 : memref<2560xi32, #tpu.memory_space<hbm>>) dst(%arg7 : memref<2560xi32, #tpu.memory_space<vmem>>)
        tpu.yield
      }) : () -> ()
      "tpu.region"() ({
        %run_scoped3A = tpu.sem_alloc : memref<!tpu.dma_semaphore, #tpu.memory_space<semaphore_mem>>
        %dma_start3A = arith.constant 0 : i32
        %dma_start3A_162 = tpu.memref_slice %arg2[%dma_start3A, %multiple_of3A_155] : memref<8x327680xf32, #tpu.memory_space<hbm>> -> memref<8x2560xf32, #tpu.memory_space<hbm>>
        %dma_start3A_163 = arith.constant 0 : i32
        %dma_start3A_164 = tpu.memref_slice %arg2[%dma_start3A_163, %multiple_of3A_155] : memref<8x327680xf32, #tpu.memory_space<hbm>> -> memref<8x2560xf32, #tpu.memory_space<hbm>>
        tpu.enqueue_dma source(%dma_start3A_164 : memref<8x2560xf32, #tpu.memory_space<hbm>>) target(%arg8 : memref<8x2560xf32, #tpu.memory_space<vmem>>) target_semaphore(%run_scoped3A : memref<!tpu.dma_semaphore, #tpu.memory_space<semaphore_mem>>)
        %dma_wait3A = arith.constant 0 : i32
        %dma_wait3A_165 = tpu.memref_slice %arg2[%dma_wait3A, %multiple_of3A_155] : memref<8x327680xf32, #tpu.memory_space<hbm>> -> memref<8x2560xf32, #tpu.memory_space<hbm>>
        %dma_wait3A_166 = arith.constant 0 : i32
        %dma_wait3A_167 = tpu.memref_slice %arg2[%dma_wait3A_166, %multiple_of3A_155] : memref<8x327680xf32, #tpu.memory_space<hbm>> -> memref<8x2560xf32, #tpu.memory_space<hbm>>
        tpu.wait_dma2 semaphore(%run_scoped3A : memref<!tpu.dma_semaphore, #tpu.memory_space<semaphore_mem>>) src(%dma_wait3A_167 : memref<8x2560xf32, #tpu.memory_space<hbm>>) dst(%arg8 : memref<8x2560xf32, #tpu.memory_space<vmem>>)
        tpu.yield
      }) : () -> ()
      %parallel_loop3A_158 = arith.constant 0 : i32
      %parallel_loop3A_159 = arith.constant 2560 : i32
      %parallel_loop3A_160 = arith.constant 16 : i32
      scf.for %parallel_loop3A_162 = %parallel_loop3A_158 to %parallel_loop3A_159 step %parallel_loop3A_160  : i32 {
        %parallel_loop3A_163 = arith.index_cast %parallel_loop3A_162 : i32 to index
        %parallel_loop3A_164 = tpu.vector_load %arg7[%parallel_loop3A_163] {strides = array<i32>} : memref<2560xi32, #tpu.memory_space<vmem>>, vector<16xi32>,
        %parallel_loop3A_165 = arith.constant 0 : i32
        %parallel_loop3A_166 = arith.addi %mul3A_3, %parallel_loop3A_165 : i32
        %parallel_loop3A_167 = arith.index_cast %parallel_loop3A_166 : i32 to index
        %parallel_loop3A_168 = arith.index_cast %parallel_loop3A_162 : i32 to index
        %parallel_loop3A_169 = tpu.vector_load %arg8[%parallel_loop3A_167, %parallel_loop3A_168] {strides = array<i32>} : memref<8x2560xf32, #tpu.memory_space<vmem>>, vector<16xf32>,
        %parallel_loop3A_170 = math.exp %parallel_loop3A_169 : vector<16xf32>
        %parallel_loop3A_171 = arith.constant 0 : i32
        %parallel_loop3A_172 = vector.broadcast %parallel_loop3A_171 : i32 to vector<16xi32>
        %parallel_loop3A_173 = arith.addi %parallel_loop3A_164, %parallel_loop3A_172 : vector<16xi32>
        tpu.vector_store_idx %arg6[%parallel_loop3A_173], %parallel_loop3A_170 {add = true} : memref<40960xf32, #tpu.memory_space<vmem>>[vector<16xi32>], vector<16xf32>,
        %parallel_loop3A_174 = arith.constant 1 : i32
        %parallel_loop3A_175 = arith.addi %mul3A_3, %parallel_loop3A_174 : i32
        %parallel_loop3A_176 = arith.index_cast %parallel_loop3A_175 : i32 to index
        %parallel_loop3A_177 = arith.index_cast %parallel_loop3A_162 : i32 to index
        %parallel_loop3A_178 = tpu.vector_load %arg8[%parallel_loop3A_176, %parallel_loop3A_177] {strides = array<i32>} : memref<8x2560xf32, #tpu.memory_space<vmem>>, vector<16xf32>,
        %parallel_loop3A_179 = math.exp %parallel_loop3A_178 : vector<16xf32>
        %parallel_loop3A_180 = arith.constant 10240 : i32
        %parallel_loop3A_181 = vector.broadcast %parallel_loop3A_180 : i32 to vector<16xi32>
        %parallel_loop3A_182 = arith.addi %parallel_loop3A_164, %parallel_loop3A_181 : vector<16xi32>
        tpu.vector_store_idx %arg6[%parallel_loop3A_182], %parallel_loop3A_179 {add = true} : memref<40960xf32, #tpu.memory_space<vmem>>[vector<16xi32>], vector<16xf32>,
        %parallel_loop3A_183 = arith.constant 2 : i32
        %parallel_loop3A_184 = arith.addi %mul3A_3, %parallel_loop3A_183 : i32
        %parallel_loop3A_185 = arith.index_cast %parallel_loop3A_184 : i32 to index
        %parallel_loop3A_186 = arith.index_cast %parallel_loop3A_162 : i32 to index
        %parallel_loop3A_187 = tpu.vector_load %arg8[%parallel_loop3A_185, %parallel_loop3A_186] {strides = array<i32>} : memref<8x2560xf32, #tpu.memory_space<vmem>>, vector<16xf32>,
        %parallel_loop3A_188 = math.exp %parallel_loop3A_187 : vector<16xf32>
        %parallel_loop3A_189 = arith.constant 20480 : i32
        %parallel_loop3A_190 = vector.broadcast %parallel_loop3A_189 : i32 to vector<16xi32>
        %parallel_loop3A_191 = arith.addi %parallel_loop3A_164, %parallel_loop3A_190 : vector<16xi32>
        tpu.vector_store_idx %arg6[%parallel_loop3A_191], %parallel_loop3A_188 {add = true} : memref<40960xf32, #tpu.memory_space<vmem>>[vector<16xi32>], vector<16xf32>,
        %parallel_loop3A_192 = arith.constant 3 : i32
        %parallel_loop3A_193 = arith.addi %mul3A_3, %parallel_loop3A_192 : i32
        %parallel_loop3A_194 = arith.index_cast %parallel_loop3A_193 : i32 to index
        %parallel_loop3A_195 = arith.index_cast %parallel_loop3A_162 : i32 to index
        %parallel_loop3A_196 = tpu.vector_load %arg8[%parallel_loop3A_194, %parallel_loop3A_195] {strides = array<i32>} : memref<8x2560xf32, #tpu.memory_space<vmem>>, vector<16xf32>,
        %parallel_loop3A_197 = math.exp %parallel_loop3A_196 : vector<16xf32>
        %parallel_loop3A_198 = arith.constant 30720 : i32
        %parallel_loop3A_199 = vector.broadcast %parallel_loop3A_198 : i32 to vector<16xi32>
        %parallel_loop3A_200 = arith.addi %parallel_loop3A_164, %parallel_loop3A_199 : vector<16xi32>
        tpu.vector_store_idx %arg6[%parallel_loop3A_200], %parallel_loop3A_197 {add = true} : memref<40960xf32, #tpu.memory_space<vmem>>[vector<16xi32>], vector<16xf32>,
      } {sc.loop_unroll_factor = 4 : i64, sc.parallel_access}
      %scan3A_161 = arith.constant 0 : i32
      scf.yield %scan3A_161 : i32
    }
    %scan3A_12 = arith.constant 8 : i32
    %mul3A_13 = arith.constant 40960 : i32
    %mul3A_14 = arith.muli %arg1, %mul3A_13 : i32
    %multiple_of3A = tpu.assume_multiple %mul3A_14, 128 : i32
    "tpu.region"() ({
      %run_scoped3A = tpu.sem_alloc : memref<!tpu.dma_semaphore, #tpu.memory_space<semaphore_mem>>
      %dma_start3A = tpu.memref_slice %arg12[%multiple_of3A] : memref<655360xf32, #tpu.memory_space<vmem_shared>> -> memref<40960xf32, #tpu.memory_space<vmem_shared>>
      %dma_start3A_148 = tpu.memref_slice %arg12[%multiple_of3A] : memref<655360xf32, #tpu.memory_space<vmem_shared>> -> memref<40960xf32, #tpu.memory_space<vmem_shared>>
      tpu.enqueue_dma source(%arg6 : memref<40960xf32, #tpu.memory_space<vmem>>) target(%dma_start3A_148 : memref<40960xf32, #tpu.memory_space<vmem_shared>>) target_semaphore(%run_scoped3A : memref<!tpu.dma_semaphore, #tpu.memory_space<semaphore_mem>>)
      %dma_wait3A = tpu.memref_slice %arg12[%multiple_of3A] : memref<655360xf32, #tpu.memory_space<vmem_shared>> -> memref<40960xf32, #tpu.memory_space<vmem_shared>>
      %dma_wait3A_149 = tpu.memref_slice %arg12[%multiple_of3A] : memref<655360xf32, #tpu.memory_space<vmem_shared>> -> memref<40960xf32, #tpu.memory_space<vmem_shared>>
      tpu.wait_dma2 semaphore(%run_scoped3A : memref<!tpu.dma_semaphore, #tpu.memory_space<semaphore_mem>>) src(%arg6 : memref<40960xf32, #tpu.memory_space<vmem>>) dst(%dma_wait3A_149 : memref<40960xf32, #tpu.memory_space<vmem_shared>>)
      tpu.yield
    }) : () -> ()
    %barrier3A = arith.constant 0 : index
    tpu.barrier barrier_id(%barrier3A)
    %mul3A_15 = arith.constant 2560 : i32
    %mul3A_16 = arith.muli %arg1, %mul3A_15 : i32
    %multiple_of3A_17 = tpu.assume_multiple %mul3A_16, 128 : i32
    "tpu.region"() ({
      %run_scoped3A = tpu.sem_alloc : memref<!tpu.dma_semaphore, #tpu.memory_space<semaphore_mem>>
      %dma_start3A = tpu.memref_slice %arg12[%multiple_of3A_17] : memref<655360xf32, #tpu.memory_space<vmem_shared>> -> memref<2560xf32, #tpu.memory_space<vmem_shared>>
      %dma_start3A_148 = tpu.memref_slice %arg12[%multiple_of3A_17] : memref<655360xf32, #tpu.memory_space<vmem_shared>> -> memref<2560xf32, #tpu.memory_space<vmem_shared>>
      tpu.enqueue_dma source(%dma_start3A_148 : memref<2560xf32, #tpu.memory_space<vmem_shared>>) target(%arg11 : memref<2560xf32, #tpu.memory_space<vmem>>) target_semaphore(%run_scoped3A : memref<!tpu.dma_semaphore, #tpu.memory_space<semaphore_mem>>)
      %dma_wait3A = tpu.memref_slice %arg12[%multiple_of3A_17] : memref<655360xf32, #tpu.memory_space<vmem_shared>> -> memref<2560xf32, #tpu.memory_space<vmem_shared>>
      %dma_wait3A_149 = tpu.memref_slice %arg12[%multiple_of3A_17] : memref<655360xf32, #tpu.memory_space<vmem_shared>> -> memref<2560xf32, #tpu.memory_space<vmem_shared>>
      tpu.wait_dma2 semaphore(%run_scoped3A : memref<!tpu.dma_semaphore, #tpu.memory_space<semaphore_mem>>) src(%dma_wait3A_149 : memref<2560xf32, #tpu.memory_space<vmem_shared>>) dst(%arg11 : memref<2560xf32, #tpu.memory_space<vmem>>)
      tpu.yield
    }) : () -> ()
    %mul3A_18 = arith.constant 2560 : i32
    %mul3A_19 = arith.muli %arg1, %mul3A_18 : i32
    %add3A = arith.constant 40960 : i32
    %add3A_20 = arith.addi %add3A, %mul3A_19 : i32
    %multiple_of3A_21 = tpu.assume_multiple %add3A_20, 128 : i32
    "tpu.region"() ({
      %run_scoped3A = tpu.sem_alloc : memref<!tpu.dma_semaphore, #tpu.memory_space<semaphore_mem>>
      %dma_start3A = tpu.memref_slice %arg12[%multiple_of3A_21] : memref<655360xf32, #tpu.memory_space<vmem_shared>> -> memref<2560xf32, #tpu.memory_space<vmem_shared>>
      %dma_start3A_148 = tpu.memref_slice %arg12[%multiple_of3A_21] : memref<655360xf32, #tpu.memory_space<vmem_shared>> -> memref<2560xf32, #tpu.memory_space<vmem_shared>>
      tpu.enqueue_dma source(%dma_start3A_148 : memref<2560xf32, #tpu.memory_space<vmem_shared>>) target(%arg10 : memref<2560xf32, #tpu.memory_space<vmem>>) target_semaphore(%run_scoped3A : memref<!tpu.dma_semaphore, #tpu.memory_space<semaphore_mem>>)
      %dma_wait3A = tpu.memref_slice %arg12[%multiple_of3A_21] : memref<655360xf32, #tpu.memory_space<vmem_shared>> -> memref<2560xf32, #tpu.memory_space<vmem_shared>>
      %dma_wait3A_149 = tpu.memref_slice %arg12[%multiple_of3A_21] : memref<655360xf32, #tpu.memory_space<vmem_shared>> -> memref<2560xf32, #tpu.memory_space<vmem_shared>>
      tpu.wait_dma2 semaphore(%run_scoped3A : memref<!tpu.dma_semaphore, #tpu.memory_space<semaphore_mem>>) src(%dma_wait3A_149 : memref<2560xf32, #tpu.memory_space<vmem_shared>>) dst(%arg10 : memref<2560xf32, #tpu.memory_space<vmem>>)
      tpu.yield
    }) : () -> ()
    %parallel_loop3A_22 = arith.constant 0 : i32
    %parallel_loop3A_23 = arith.constant 2560 : i32
    %parallel_loop3A_24 = arith.constant 16 : i32
    scf.for %parallel_loop3A_148 = %parallel_loop3A_22 to %parallel_loop3A_23 step %parallel_loop3A_24  : i32 {
      %parallel_loop3A_149 = arith.index_cast %parallel_loop3A_148 : i32 to index
      %parallel_loop3A_150 = tpu.vector_load %arg11[%parallel_loop3A_149] {strides = array<i32>} : memref<2560xf32, #tpu.memory_space<vmem>>, vector<16xf32>,
      %parallel_loop3A_151 = arith.index_cast %parallel_loop3A_148 : i32 to index
      %parallel_loop3A_152 = tpu.vector_load %arg10[%parallel_loop3A_151] {strides = array<i32>} : memref<2560xf32, #tpu.memory_space<vmem>>, vector<16xf32>,
      %parallel_loop3A_153 = arith.addf %parallel_loop3A_150, %parallel_loop3A_152 : vector<16xf32>
      %parallel_loop3A_154 = arith.index_cast %parallel_loop3A_148 : i32 to index
      %parallel_loop3A_155 = tpu.vector_load %arg11[%parallel_loop3A_154] {strides = array<i32>} : memref<2560xf32, #tpu.memory_space<vmem>>, vector<16xf32>,
      tpu.vector_store %arg11[%parallel_loop3A_154], %parallel_loop3A_153 {strides = array<i32>} : memref<2560xf32, #tpu.memory_space<vmem>>, vector<16xf32>,
    } {sc.loop_unroll_factor = 4 : i64, sc.parallel_access}
    %mul3A_25 = arith.constant 2560 : i32
    %mul3A_26 = arith.muli %arg1, %mul3A_25 : i32
    %add3A_27 = arith.constant 81920 : i32
    %add3A_28 = arith.addi %add3A_27, %mul3A_26 : i32
    %multiple_of3A_29 = tpu.assume_multiple %add3A_28, 128 : i32
    "tpu.region"() ({
      %run_scoped3A = tpu.sem_alloc : memref<!tpu.dma_semaphore, #tpu.memory_space<semaphore_mem>>
      %dma_start3A = tpu.memref_slice %arg12[%multiple_of3A_29] : memref<655360xf32, #tpu.memory_space<vmem_shared>> -> memref<2560xf32, #tpu.memory_space<vmem_shared>>
      %dma_start3A_148 = tpu.memref_slice %arg12[%multiple_of3A_29] : memref<655360xf32, #tpu.memory_space<vmem_shared>> -> memref<2560xf32, #tpu.memory_space<vmem_shared>>
      tpu.enqueue_dma source(%dma_start3A_148 : memref<2560xf32, #tpu.memory_space<vmem_shared>>) target(%arg10 : memref<2560xf32, #tpu.memory_space<vmem>>) target_semaphore(%run_scoped3A : memref<!tpu.dma_semaphore, #tpu.memory_space<semaphore_mem>>)
      %dma_wait3A = tpu.memref_slice %arg12[%multiple_of3A_29] : memref<655360xf32, #tpu.memory_space<vmem_shared>> -> memref<2560xf32, #tpu.memory_space<vmem_shared>>
      %dma_wait3A_149 = tpu.memref_slice %arg12[%multiple_of3A_29] : memref<655360xf32, #tpu.memory_space<vmem_shared>> -> memref<2560xf32, #tpu.memory_space<vmem_shared>>
      tpu.wait_dma2 semaphore(%run_scoped3A : memref<!tpu.dma_semaphore, #tpu.memory_space<semaphore_mem>>) src(%dma_wait3A_149 : memref<2560xf32, #tpu.memory_space<vmem_shared>>) dst(%arg10 : memref<2560xf32, #tpu.memory_space<vmem>>)
      tpu.yield
    }) : () -> ()
    %parallel_loop3A_30 = arith.constant 0 : i32
    %parallel_loop3A_31 = arith.constant 2560 : i32
    %parallel_loop3A_32 = arith.constant 16 : i32
    scf.for %parallel_loop3A_148 = %parallel_loop3A_30 to %parallel_loop3A_31 step %parallel_loop3A_32  : i32 {
      %parallel_loop3A_149 = arith.index_cast %parallel_loop3A_148 : i32 to index
      %parallel_loop3A_150 = tpu.vector_load %arg11[%parallel_loop3A_149] {strides = array<i32>} : memref<2560xf32, #tpu.memory_space<vmem>>, vector<16xf32>,
      %parallel_loop3A_151 = arith.index_cast %parallel_loop3A_148 : i32 to index
      %parallel_loop3A_152 = tpu.vector_load %arg10[%parallel_loop3A_151] {strides = array<i32>} : memref<2560xf32, #tpu.memory_space<vmem>>, vector<16xf32>,
      %parallel_loop3A_153 = arith.addf %parallel_loop3A_150, %parallel_loop3A_152 : vector<16xf32>
      %parallel_loop3A_154 = arith.index_cast %parallel_loop3A_148 : i32 to index
      %parallel_loop3A_155 = tpu.vector_load %arg11[%parallel_loop3A_154] {strides = array<i32>} : memref<2560xf32, #tpu.memory_space<vmem>>, vector<16xf32>,
      tpu.vector_store %arg11[%parallel_loop3A_154], %parallel_loop3A_153 {strides = array<i32>} : memref<2560xf32, #tpu.memory_space<vmem>>, vector<16xf32>,
    } {sc.loop_unroll_factor = 4 : i64, sc.parallel_access}
    %mul3A_33 = arith.constant 2560 : i32
    %mul3A_34 = arith.muli %arg1, %mul3A_33 : i32
    %add3A_35 = arith.constant 122880 : i32
    %add3A_36 = arith.addi %add3A_35, %mul3A_34 : i32
    %multiple_of3A_37 = tpu.assume_multiple %add3A_36, 128 : i32
    "tpu.region"() ({
      %run_scoped3A = tpu.sem_alloc : memref<!tpu.dma_semaphore, #tpu.memory_space<semaphore_mem>>
      %dma_start3A = tpu.memref_slice %arg12[%multiple_of3A_37] : memref<655360xf32, #tpu.memory_space<vmem_shared>> -> memref<2560xf32, #tpu.memory_space<vmem_shared>>
      %dma_start3A_148 = tpu.memref_slice %arg12[%multiple_of3A_37] : memref<655360xf32, #tpu.memory_space<vmem_shared>> -> memref<2560xf32, #tpu.memory_space<vmem_shared>>
      tpu.enqueue_dma source(%dma_start3A_148 : memref<2560xf32, #tpu.memory_space<vmem_shared>>) target(%arg10 : memref<2560xf32, #tpu.memory_space<vmem>>) target_semaphore(%run_scoped3A : memref<!tpu.dma_semaphore, #tpu.memory_space<semaphore_mem>>)
      %dma_wait3A = tpu.memref_slice %arg12[%multiple_of3A_37] : memref<655360xf32, #tpu.memory_space<vmem_shared>> -> memref<2560xf32, #tpu.memory_space<vmem_shared>>
      %dma_wait3A_149 = tpu.memref_slice %arg12[%multiple_of3A_37] : memref<655360xf32, #tpu.memory_space<vmem_shared>> -> memref<2560xf32, #tpu.memory_space<vmem_shared>>
      tpu.wait_dma2 semaphore(%run_scoped3A : memref<!tpu.dma_semaphore, #tpu.memory_space<semaphore_mem>>) src(%dma_wait3A_149 : memref<2560xf32, #tpu.memory_space<vmem_shared>>) dst(%arg10 : memref<2560xf32, #tpu.memory_space<vmem>>)
      tpu.yield
    }) : () -> ()
    %parallel_loop3A_38 = arith.constant 0 : i32
    %parallel_loop3A_39 = arith.constant 2560 : i32
    %parallel_loop3A_40 = arith.constant 16 : i32
    scf.for %parallel_loop3A_148 = %parallel_loop3A_38 to %parallel_loop3A_39 step %parallel_loop3A_40  : i32 {
      %parallel_loop3A_149 = arith.index_cast %parallel_loop3A_148 : i32 to index
      %parallel_loop3A_150 = tpu.vector_load %arg11[%parallel_loop3A_149] {strides = array<i32>} : memref<2560xf32, #tpu.memory_space<vmem>>, vector<16xf32>,
      %parallel_loop3A_151 = arith.index_cast %parallel_loop3A_148 : i32 to index
      %parallel_loop3A_152 = tpu.vector_load %arg10[%parallel_loop3A_151] {strides = array<i32>} : memref<2560xf32, #tpu.memory_space<vmem>>, vector<16xf32>,
      %parallel_loop3A_153 = arith.addf %parallel_loop3A_150, %parallel_loop3A_152 : vector<16xf32>
      %parallel_loop3A_154 = arith.index_cast %parallel_loop3A_148 : i32 to index
      %parallel_loop3A_155 = tpu.vector_load %arg11[%parallel_loop3A_154] {strides = array<i32>} : memref<2560xf32, #tpu.memory_space<vmem>>, vector<16xf32>,
      tpu.vector_store %arg11[%parallel_loop3A_154], %parallel_loop3A_153 {strides = array<i32>} : memref<2560xf32, #tpu.memory_space<vmem>>, vector<16xf32>,
    } {sc.loop_unroll_factor = 4 : i64, sc.parallel_access}
    %mul3A_41 = arith.constant 2560 : i32
    %mul3A_42 = arith.muli %arg1, %mul3A_41 : i32
    %add3A_43 = arith.constant 163840 : i32
    %add3A_44 = arith.addi %add3A_43, %mul3A_42 : i32
    %multiple_of3A_45 = tpu.assume_multiple %add3A_44, 128 : i32
    "tpu.region"() ({
      %run_scoped3A = tpu.sem_alloc : memref<!tpu.dma_semaphore, #tpu.memory_space<semaphore_mem>>
      %dma_start3A = tpu.memref_slice %arg12[%multiple_of3A_45] : memref<655360xf32, #tpu.memory_space<vmem_shared>> -> memref<2560xf32, #tpu.memory_space<vmem_shared>>
      %dma_start3A_148 = tpu.memref_slice %arg12[%multiple_of3A_45] : memref<655360xf32, #tpu.memory_space<vmem_shared>> -> memref<2560xf32, #tpu.memory_space<vmem_shared>>
      tpu.enqueue_dma source(%dma_start3A_148 : memref<2560xf32, #tpu.memory_space<vmem_shared>>) target(%arg10 : memref<2560xf32, #tpu.memory_space<vmem>>) target_semaphore(%run_scoped3A : memref<!tpu.dma_semaphore, #tpu.memory_space<semaphore_mem>>)
      %dma_wait3A = tpu.memref_slice %arg12[%multiple_of3A_45] : memref<655360xf32, #tpu.memory_space<vmem_shared>> -> memref<2560xf32, #tpu.memory_space<vmem_shared>>
      %dma_wait3A_149 = tpu.memref_slice %arg12[%multiple_of3A_45] : memref<655360xf32, #tpu.memory_space<vmem_shared>> -> memref<2560xf32, #tpu.memory_space<vmem_shared>>
      tpu.wait_dma2 semaphore(%run_scoped3A : memref<!tpu.dma_semaphore, #tpu.memory_space<semaphore_mem>>) src(%dma_wait3A_149 : memref<2560xf32, #tpu.memory_space<vmem_shared>>) dst(%arg10 : memref<2560xf32, #tpu.memory_space<vmem>>)
      tpu.yield
    }) : () -> ()
    %parallel_loop3A_46 = arith.constant 0 : i32
    %parallel_loop3A_47 = arith.constant 2560 : i32
    %parallel_loop3A_48 = arith.constant 16 : i32
    scf.for %parallel_loop3A_148 = %parallel_loop3A_46 to %parallel_loop3A_47 step %parallel_loop3A_48  : i32 {
      %parallel_loop3A_149 = arith.index_cast %parallel_loop3A_148 : i32 to index
      %parallel_loop3A_150 = tpu.vector_load %arg11[%parallel_loop3A_149] {strides = array<i32>} : memref<2560xf32, #tpu.memory_space<vmem>>, vector<16xf32>,
      %parallel_loop3A_151 = arith.index_cast %parallel_loop3A_148 : i32 to index
      %parallel_loop3A_152 = tpu.vector_load %arg10[%parallel_loop3A_151] {strides = array<i32>} : memref<2560xf32, #tpu.memory_space<vmem>>, vector<16xf32>,
      %parallel_loop3A_153 = arith.addf %parallel_loop3A_150, %parallel_loop3A_152 : vector<16xf32>
      %parallel_loop3A_154 = arith.index_cast %parallel_loop3A_148 : i32 to index
      %parallel_loop3A_155 = tpu.vector_load %arg11[%parallel_loop3A_154] {strides = array<i32>} : memref<2560xf32, #tpu.memory_space<vmem>>, vector<16xf32>,
      tpu.vector_store %arg11[%parallel_loop3A_154], %parallel_loop3A_153 {strides = array<i32>} : memref<2560xf32, #tpu.memory_space<vmem>>, vector<16xf32>,
    } {sc.loop_unroll_factor = 4 : i64, sc.parallel_access}
    %mul3A_49 = arith.constant 2560 : i32
    %mul3A_50 = arith.muli %arg1, %mul3A_49 : i32
    %add3A_51 = arith.constant 204800 : i32
    %add3A_52 = arith.addi %add3A_51, %mul3A_50 : i32
    %multiple_of3A_53 = tpu.assume_multiple %add3A_52, 128 : i32
    "tpu.region"() ({
      %run_scoped3A = tpu.sem_alloc : memref<!tpu.dma_semaphore, #tpu.memory_space<semaphore_mem>>
      %dma_start3A = tpu.memref_slice %arg12[%multiple_of3A_53] : memref<655360xf32, #tpu.memory_space<vmem_shared>> -> memref<2560xf32, #tpu.memory_space<vmem_shared>>
      %dma_start3A_148 = tpu.memref_slice %arg12[%multiple_of3A_53] : memref<655360xf32, #tpu.memory_space<vmem_shared>> -> memref<2560xf32, #tpu.memory_space<vmem_shared>>
      tpu.enqueue_dma source(%dma_start3A_148 : memref<2560xf32, #tpu.memory_space<vmem_shared>>) target(%arg10 : memref<2560xf32, #tpu.memory_space<vmem>>) target_semaphore(%run_scoped3A : memref<!tpu.dma_semaphore, #tpu.memory_space<semaphore_mem>>)
      %dma_wait3A = tpu.memref_slice %arg12[%multiple_of3A_53] : memref<655360xf32, #tpu.memory_space<vmem_shared>> -> memref<2560xf32, #tpu.memory_space<vmem_shared>>
      %dma_wait3A_149 = tpu.memref_slice %arg12[%multiple_of3A_53] : memref<655360xf32, #tpu.memory_space<vmem_shared>> -> memref<2560xf32, #tpu.memory_space<vmem_shared>>
      tpu.wait_dma2 semaphore(%run_scoped3A : memref<!tpu.dma_semaphore, #tpu.memory_space<semaphore_mem>>) src(%dma_wait3A_149 : memref<2560xf32, #tpu.memory_space<vmem_shared>>) dst(%arg10 : memref<2560xf32, #tpu.memory_space<vmem>>)
      tpu.yield
    }) : () -> ()
    %parallel_loop3A_54 = arith.constant 0 : i32
    %parallel_loop3A_55 = arith.constant 2560 : i32
    %parallel_loop3A_56 = arith.constant 16 : i32
    scf.for %parallel_loop3A_148 = %parallel_loop3A_54 to %parallel_loop3A_55 step %parallel_loop3A_56  : i32 {
      %parallel_loop3A_149 = arith.index_cast %parallel_loop3A_148 : i32 to index
      %parallel_loop3A_150 = tpu.vector_load %arg11[%parallel_loop3A_149] {strides = array<i32>} : memref<2560xf32, #tpu.memory_space<vmem>>, vector<16xf32>,
      %parallel_loop3A_151 = arith.index_cast %parallel_loop3A_148 : i32 to index
      %parallel_loop3A_152 = tpu.vector_load %arg10[%parallel_loop3A_151] {strides = array<i32>} : memref<2560xf32, #tpu.memory_space<vmem>>, vector<16xf32>,
      %parallel_loop3A_153 = arith.addf %parallel_loop3A_150, %parallel_loop3A_152 : vector<16xf32>
      %parallel_loop3A_154 = arith.index_cast %parallel_loop3A_148 : i32 to index
      %parallel_loop3A_155 = tpu.vector_load %arg11[%parallel_loop3A_154] {strides = array<i32>} : memref<2560xf32, #tpu.memory_space<vmem>>, vector<16xf32>,
      tpu.vector_store %arg11[%parallel_loop3A_154], %parallel_loop3A_153 {strides = array<i32>} : memref<2560xf32, #tpu.memory_space<vmem>>, vector<16xf32>,
    } {sc.loop_unroll_factor = 4 : i64, sc.parallel_access}
    %mul3A_57 = arith.constant 2560 : i32
    %mul3A_58 = arith.muli %arg1, %mul3A_57 : i32
    %add3A_59 = arith.constant 245760 : i32
    %add3A_60 = arith.addi %add3A_59, %mul3A_58 : i32
    %multiple_of3A_61 = tpu.assume_multiple %add3A_60, 128 : i32
    "tpu.region"() ({
      %run_scoped3A = tpu.sem_alloc : memref<!tpu.dma_semaphore, #tpu.memory_space<semaphore_mem>>
      %dma_start3A = tpu.memref_slice %arg12[%multiple_of3A_61] : memref<655360xf32, #tpu.memory_space<vmem_shared>> -> memref<2560xf32, #tpu.memory_space<vmem_shared>>
      %dma_start3A_148 = tpu.memref_slice %arg12[%multiple_of3A_61] : memref<655360xf32, #tpu.memory_space<vmem_shared>> -> memref<2560xf32, #tpu.memory_space<vmem_shared>>
      tpu.enqueue_dma source(%dma_start3A_148 : memref<2560xf32, #tpu.memory_space<vmem_shared>>) target(%arg10 : memref<2560xf32, #tpu.memory_space<vmem>>) target_semaphore(%run_scoped3A : memref<!tpu.dma_semaphore, #tpu.memory_space<semaphore_mem>>)
      %dma_wait3A = tpu.memref_slice %arg12[%multiple_of3A_61] : memref<655360xf32, #tpu.memory_space<vmem_shared>> -> memref<2560xf32, #tpu.memory_space<vmem_shared>>
      %dma_wait3A_149 = tpu.memref_slice %arg12[%multiple_of3A_61] : memref<655360xf32, #tpu.memory_space<vmem_shared>> -> memref<2560xf32, #tpu.memory_space<vmem_shared>>
      tpu.wait_dma2 semaphore(%run_scoped3A : memref<!tpu.dma_semaphore, #tpu.memory_space<semaphore_mem>>) src(%dma_wait3A_149 : memref<2560xf32, #tpu.memory_space<vmem_shared>>) dst(%arg10 : memref<2560xf32, #tpu.memory_space<vmem>>)
      tpu.yield
    }) : () -> ()
    %parallel_loop3A_62 = arith.constant 0 : i32
    %parallel_loop3A_63 = arith.constant 2560 : i32
    %parallel_loop3A_64 = arith.constant 16 : i32
    scf.for %parallel_loop3A_148 = %parallel_loop3A_62 to %parallel_loop3A_63 step %parallel_loop3A_64  : i32 {
      %parallel_loop3A_149 = arith.index_cast %parallel_loop3A_148 : i32 to index
      %parallel_loop3A_150 = tpu.vector_load %arg11[%parallel_loop3A_149] {strides = array<i32>} : memref<2560xf32, #tpu.memory_space<vmem>>, vector<16xf32>,
      %parallel_loop3A_151 = arith.index_cast %parallel_loop3A_148 : i32 to index
      %parallel_loop3A_152 = tpu.vector_load %arg10[%parallel_loop3A_151] {strides = array<i32>} : memref<2560xf32, #tpu.memory_space<vmem>>, vector<16xf32>,
      %parallel_loop3A_153 = arith.addf %parallel_loop3A_150, %parallel_loop3A_152 : vector<16xf32>
      %parallel_loop3A_154 = arith.index_cast %parallel_loop3A_148 : i32 to index
      %parallel_loop3A_155 = tpu.vector_load %arg11[%parallel_loop3A_154] {strides = array<i32>} : memref<2560xf32, #tpu.memory_space<vmem>>, vector<16xf32>,
      tpu.vector_store %arg11[%parallel_loop3A_154], %parallel_loop3A_153 {strides = array<i32>} : memref<2560xf32, #tpu.memory_space<vmem>>, vector<16xf32>,
    } {sc.loop_unroll_factor = 4 : i64, sc.parallel_access}
    %mul3A_65 = arith.constant 2560 : i32
    %mul3A_66 = arith.muli %arg1, %mul3A_65 : i32
    %add3A_67 = arith.constant 286720 : i32
    %add3A_68 = arith.addi %add3A_67, %mul3A_66 : i32
    %multiple_of3A_69 = tpu.assume_multiple %add3A_68, 128 : i32
    "tpu.region"() ({
      %run_scoped3A = tpu.sem_alloc : memref<!tpu.dma_semaphore, #tpu.memory_space<semaphore_mem>>
      %dma_start3A = tpu.memref_slice %arg12[%multiple_of3A_69] : memref<655360xf32, #tpu.memory_space<vmem_shared>> -> memref<2560xf32, #tpu.memory_space<vmem_shared>>
      %dma_start3A_148 = tpu.memref_slice %arg12[%multiple_of3A_69] : memref<655360xf32, #tpu.memory_space<vmem_shared>> -> memref<2560xf32, #tpu.memory_space<vmem_shared>>
      tpu.enqueue_dma source(%dma_start3A_148 : memref<2560xf32, #tpu.memory_space<vmem_shared>>) target(%arg10 : memref<2560xf32, #tpu.memory_space<vmem>>) target_semaphore(%run_scoped3A : memref<!tpu.dma_semaphore, #tpu.memory_space<semaphore_mem>>)
      %dma_wait3A = tpu.memref_slice %arg12[%multiple_of3A_69] : memref<655360xf32, #tpu.memory_space<vmem_shared>> -> memref<2560xf32, #tpu.memory_space<vmem_shared>>
      %dma_wait3A_149 = tpu.memref_slice %arg12[%multiple_of3A_69] : memref<655360xf32, #tpu.memory_space<vmem_shared>> -> memref<2560xf32, #tpu.memory_space<vmem_shared>>
      tpu.wait_dma2 semaphore(%run_scoped3A : memref<!tpu.dma_semaphore, #tpu.memory_space<semaphore_mem>>) src(%dma_wait3A_149 : memref<2560xf32, #tpu.memory_space<vmem_shared>>) dst(%arg10 : memref<2560xf32, #tpu.memory_space<vmem>>)
      tpu.yield
    }) : () -> ()
    %parallel_loop3A_70 = arith.constant 0 : i32
    %parallel_loop3A_71 = arith.constant 2560 : i32
    %parallel_loop3A_72 = arith.constant 16 : i32
    scf.for %parallel_loop3A_148 = %parallel_loop3A_70 to %parallel_loop3A_71 step %parallel_loop3A_72  : i32 {
      %parallel_loop3A_149 = arith.index_cast %parallel_loop3A_148 : i32 to index
      %parallel_loop3A_150 = tpu.vector_load %arg11[%parallel_loop3A_149] {strides = array<i32>} : memref<2560xf32, #tpu.memory_space<vmem>>, vector<16xf32>,
      %parallel_loop3A_151 = arith.index_cast %parallel_loop3A_148 : i32 to index
      %parallel_loop3A_152 = tpu.vector_load %arg10[%parallel_loop3A_151] {strides = array<i32>} : memref<2560xf32, #tpu.memory_space<vmem>>, vector<16xf32>,
      %parallel_loop3A_153 = arith.addf %parallel_loop3A_150, %parallel_loop3A_152 : vector<16xf32>
      %parallel_loop3A_154 = arith.index_cast %parallel_loop3A_148 : i32 to index
      %parallel_loop3A_155 = tpu.vector_load %arg11[%parallel_loop3A_154] {strides = array<i32>} : memref<2560xf32, #tpu.memory_space<vmem>>, vector<16xf32>,
      tpu.vector_store %arg11[%parallel_loop3A_154], %parallel_loop3A_153 {strides = array<i32>} : memref<2560xf32, #tpu.memory_space<vmem>>, vector<16xf32>,
    } {sc.loop_unroll_factor = 4 : i64, sc.parallel_access}
    %mul3A_73 = arith.constant 2560 : i32
    %mul3A_74 = arith.muli %arg1, %mul3A_73 : i32
    %add3A_75 = arith.constant 327680 : i32
    %add3A_76 = arith.addi %add3A_75, %mul3A_74 : i32
    %multiple_of3A_77 = tpu.assume_multiple %add3A_76, 128 : i32
    "tpu.region"() ({
      %run_scoped3A = tpu.sem_alloc : memref<!tpu.dma_semaphore, #tpu.memory_space<semaphore_mem>>
      %dma_start3A = tpu.memref_slice %arg12[%multiple_of3A_77] : memref<655360xf32, #tpu.memory_space<vmem_shared>> -> memref<2560xf32, #tpu.memory_space<vmem_shared>>
      %dma_start3A_148 = tpu.memref_slice %arg12[%multiple_of3A_77] : memref<655360xf32, #tpu.memory_space<vmem_shared>> -> memref<2560xf32, #tpu.memory_space<vmem_shared>>
      tpu.enqueue_dma source(%dma_start3A_148 : memref<2560xf32, #tpu.memory_space<vmem_shared>>) target(%arg10 : memref<2560xf32, #tpu.memory_space<vmem>>) target_semaphore(%run_scoped3A : memref<!tpu.dma_semaphore, #tpu.memory_space<semaphore_mem>>)
      %dma_wait3A = tpu.memref_slice %arg12[%multiple_of3A_77] : memref<655360xf32, #tpu.memory_space<vmem_shared>> -> memref<2560xf32, #tpu.memory_space<vmem_shared>>
      %dma_wait3A_149 = tpu.memref_slice %arg12[%multiple_of3A_77] : memref<655360xf32, #tpu.memory_space<vmem_shared>> -> memref<2560xf32, #tpu.memory_space<vmem_shared>>
      tpu.wait_dma2 semaphore(%run_scoped3A : memref<!tpu.dma_semaphore, #tpu.memory_space<semaphore_mem>>) src(%dma_wait3A_149 : memref<2560xf32, #tpu.memory_space<vmem_shared>>) dst(%arg10 : memref<2560xf32, #tpu.memory_space<vmem>>)
      tpu.yield
    }) : () -> ()
    %parallel_loop3A_78 = arith.constant 0 : i32
    %parallel_loop3A_79 = arith.constant 2560 : i32
    %parallel_loop3A_80 = arith.constant 16 : i32
    scf.for %parallel_loop3A_148 = %parallel_loop3A_78 to %parallel_loop3A_79 step %parallel_loop3A_80  : i32 {
      %parallel_loop3A_149 = arith.index_cast %parallel_loop3A_148 : i32 to index
      %parallel_loop3A_150 = tpu.vector_load %arg11[%parallel_loop3A_149] {strides = array<i32>} : memref<2560xf32, #tpu.memory_space<vmem>>, vector<16xf32>,
      %parallel_loop3A_151 = arith.index_cast %parallel_loop3A_148 : i32 to index
      %parallel_loop3A_152 = tpu.vector_load %arg10[%parallel_loop3A_151] {strides = array<i32>} : memref<2560xf32, #tpu.memory_space<vmem>>, vector<16xf32>,
      %parallel_loop3A_153 = arith.addf %parallel_loop3A_150, %parallel_loop3A_152 : vector<16xf32>
      %parallel_loop3A_154 = arith.index_cast %parallel_loop3A_148 : i32 to index
      %parallel_loop3A_155 = tpu.vector_load %arg11[%parallel_loop3A_154] {strides = array<i32>} : memref<2560xf32, #tpu.memory_space<vmem>>, vector<16xf32>,
      tpu.vector_store %arg11[%parallel_loop3A_154], %parallel_loop3A_153 {strides = array<i32>} : memref<2560xf32, #tpu.memory_space<vmem>>, vector<16xf32>,
    } {sc.loop_unroll_factor = 4 : i64, sc.parallel_access}
    %mul3A_81 = arith.constant 2560 : i32
    %mul3A_82 = arith.muli %arg1, %mul3A_81 : i32
    %add3A_83 = arith.constant 368640 : i32
    %add3A_84 = arith.addi %add3A_83, %mul3A_82 : i32
    %multiple_of3A_85 = tpu.assume_multiple %add3A_84, 128 : i32
    "tpu.region"() ({
      %run_scoped3A = tpu.sem_alloc : memref<!tpu.dma_semaphore, #tpu.memory_space<semaphore_mem>>
      %dma_start3A = tpu.memref_slice %arg12[%multiple_of3A_85] : memref<655360xf32, #tpu.memory_space<vmem_shared>> -> memref<2560xf32, #tpu.memory_space<vmem_shared>>
      %dma_start3A_148 = tpu.memref_slice %arg12[%multiple_of3A_85] : memref<655360xf32, #tpu.memory_space<vmem_shared>> -> memref<2560xf32, #tpu.memory_space<vmem_shared>>
      tpu.enqueue_dma source(%dma_start3A_148 : memref<2560xf32, #tpu.memory_space<vmem_shared>>) target(%arg10 : memref<2560xf32, #tpu.memory_space<vmem>>) target_semaphore(%run_scoped3A : memref<!tpu.dma_semaphore, #tpu.memory_space<semaphore_mem>>)
      %dma_wait3A = tpu.memref_slice %arg12[%multiple_of3A_85] : memref<655360xf32, #tpu.memory_space<vmem_shared>> -> memref<2560xf32, #tpu.memory_space<vmem_shared>>
      %dma_wait3A_149 = tpu.memref_slice %arg12[%multiple_of3A_85] : memref<655360xf32, #tpu.memory_space<vmem_shared>> -> memref<2560xf32, #tpu.memory_space<vmem_shared>>
      tpu.wait_dma2 semaphore(%run_scoped3A : memref<!tpu.dma_semaphore, #tpu.memory_space<semaphore_mem>>) src(%dma_wait3A_149 : memref<2560xf32, #tpu.memory_space<vmem_shared>>) dst(%arg10 : memref<2560xf32, #tpu.memory_space<vmem>>)
      tpu.yield
    }) : () -> ()
    %parallel_loop3A_86 = arith.constant 0 : i32
    %parallel_loop3A_87 = arith.constant 2560 : i32
    %parallel_loop3A_88 = arith.constant 16 : i32
    scf.for %parallel_loop3A_148 = %parallel_loop3A_86 to %parallel_loop3A_87 step %parallel_loop3A_88  : i32 {
      %parallel_loop3A_149 = arith.index_cast %parallel_loop3A_148 : i32 to index
      %parallel_loop3A_150 = tpu.vector_load %arg11[%parallel_loop3A_149] {strides = array<i32>} : memref<2560xf32, #tpu.memory_space<vmem>>, vector<16xf32>,
      %parallel_loop3A_151 = arith.index_cast %parallel_loop3A_148 : i32 to index
      %parallel_loop3A_152 = tpu.vector_load %arg10[%parallel_loop3A_151] {strides = array<i32>} : memref<2560xf32, #tpu.memory_space<vmem>>, vector<16xf32>,
      %parallel_loop3A_153 = arith.addf %parallel_loop3A_150, %parallel_loop3A_152 : vector<16xf32>
      %parallel_loop3A_154 = arith.index_cast %parallel_loop3A_148 : i32 to index
      %parallel_loop3A_155 = tpu.vector_load %arg11[%parallel_loop3A_154] {strides = array<i32>} : memref<2560xf32, #tpu.memory_space<vmem>>, vector<16xf32>,
      tpu.vector_store %arg11[%parallel_loop3A_154], %parallel_loop3A_153 {strides = array<i32>} : memref<2560xf32, #tpu.memory_space<vmem>>, vector<16xf32>,
    } {sc.loop_unroll_factor = 4 : i64, sc.parallel_access}
    %mul3A_89 = arith.constant 2560 : i32
    %mul3A_90 = arith.muli %arg1, %mul3A_89 : i32
    %add3A_91 = arith.constant 409600 : i32
    %add3A_92 = arith.addi %add3A_91, %mul3A_90 : i32
    %multiple_of3A_93 = tpu.assume_multiple %add3A_92, 128 : i32
    "tpu.region"() ({
      %run_scoped3A = tpu.sem_alloc : memref<!tpu.dma_semaphore, #tpu.memory_space<semaphore_mem>>
      %dma_start3A = tpu.memref_slice %arg12[%multiple_of3A_93] : memref<655360xf32, #tpu.memory_space<vmem_shared>> -> memref<2560xf32, #tpu.memory_space<vmem_shared>>
      %dma_start3A_148 = tpu.memref_slice %arg12[%multiple_of3A_93] : memref<655360xf32, #tpu.memory_space<vmem_shared>> -> memref<2560xf32, #tpu.memory_space<vmem_shared>>
      tpu.enqueue_dma source(%dma_start3A_148 : memref<2560xf32, #tpu.memory_space<vmem_shared>>) target(%arg10 : memref<2560xf32, #tpu.memory_space<vmem>>) target_semaphore(%run_scoped3A : memref<!tpu.dma_semaphore, #tpu.memory_space<semaphore_mem>>)
      %dma_wait3A = tpu.memref_slice %arg12[%multiple_of3A_93] : memref<655360xf32, #tpu.memory_space<vmem_shared>> -> memref<2560xf32, #tpu.memory_space<vmem_shared>>
      %dma_wait3A_149 = tpu.memref_slice %arg12[%multiple_of3A_93] : memref<655360xf32, #tpu.memory_space<vmem_shared>> -> memref<2560xf32, #tpu.memory_space<vmem_shared>>
      tpu.wait_dma2 semaphore(%run_scoped3A : memref<!tpu.dma_semaphore, #tpu.memory_space<semaphore_mem>>) src(%dma_wait3A_149 : memref<2560xf32, #tpu.memory_space<vmem_shared>>) dst(%arg10 : memref<2560xf32, #tpu.memory_space<vmem>>)
      tpu.yield
    }) : () -> ()
    %parallel_loop3A_94 = arith.constant 0 : i32
    %parallel_loop3A_95 = arith.constant 2560 : i32
    %parallel_loop3A_96 = arith.constant 16 : i32
    scf.for %parallel_loop3A_148 = %parallel_loop3A_94 to %parallel_loop3A_95 step %parallel_loop3A_96  : i32 {
      %parallel_loop3A_149 = arith.index_cast %parallel_loop3A_148 : i32 to index
      %parallel_loop3A_150 = tpu.vector_load %arg11[%parallel_loop3A_149] {strides = array<i32>} : memref<2560xf32, #tpu.memory_space<vmem>>, vector<16xf32>,
      %parallel_loop3A_151 = arith.index_cast %parallel_loop3A_148 : i32 to index
      %parallel_loop3A_152 = tpu.vector_load %arg10[%parallel_loop3A_151] {strides = array<i32>} : memref<2560xf32, #tpu.memory_space<vmem>>, vector<16xf32>,
      %parallel_loop3A_153 = arith.addf %parallel_loop3A_150, %parallel_loop3A_152 : vector<16xf32>
      %parallel_loop3A_154 = arith.index_cast %parallel_loop3A_148 : i32 to index
      %parallel_loop3A_155 = tpu.vector_load %arg11[%parallel_loop3A_154] {strides = array<i32>} : memref<2560xf32, #tpu.memory_space<vmem>>, vector<16xf32>,
      tpu.vector_store %arg11[%parallel_loop3A_154], %parallel_loop3A_153 {strides = array<i32>} : memref<2560xf32, #tpu.memory_space<vmem>>, vector<16xf32>,
    } {sc.loop_unroll_factor = 4 : i64, sc.parallel_access}
    %mul3A_97 = arith.constant 2560 : i32
    %mul3A_98 = arith.muli %arg1, %mul3A_97 : i32
    %add3A_99 = arith.constant 450560 : i32
    %add3A_100 = arith.addi %add3A_99, %mul3A_98 : i32
    %multiple_of3A_101 = tpu.assume_multiple %add3A_100, 128 : i32
    "tpu.region"() ({
      %run_scoped3A = tpu.sem_alloc : memref<!tpu.dma_semaphore, #tpu.memory_space<semaphore_mem>>
      %dma_start3A = tpu.memref_slice %arg12[%multiple_of3A_101] : memref<655360xf32, #tpu.memory_space<vmem_shared>> -> memref<2560xf32, #tpu.memory_space<vmem_shared>>
      %dma_start3A_148 = tpu.memref_slice %arg12[%multiple_of3A_101] : memref<655360xf32, #tpu.memory_space<vmem_shared>> -> memref<2560xf32, #tpu.memory_space<vmem_shared>>
      tpu.enqueue_dma source(%dma_start3A_148 : memref<2560xf32, #tpu.memory_space<vmem_shared>>) target(%arg10 : memref<2560xf32, #tpu.memory_space<vmem>>) target_semaphore(%run_scoped3A : memref<!tpu.dma_semaphore, #tpu.memory_space<semaphore_mem>>)
      %dma_wait3A = tpu.memref_slice %arg12[%multiple_of3A_101] : memref<655360xf32, #tpu.memory_space<vmem_shared>> -> memref<2560xf32, #tpu.memory_space<vmem_shared>>
      %dma_wait3A_149 = tpu.memref_slice %arg12[%multiple_of3A_101] : memref<655360xf32, #tpu.memory_space<vmem_shared>> -> memref<2560xf32, #tpu.memory_space<vmem_shared>>
      tpu.wait_dma2 semaphore(%run_scoped3A : memref<!tpu.dma_semaphore, #tpu.memory_space<semaphore_mem>>) src(%dma_wait3A_149 : memref<2560xf32, #tpu.memory_space<vmem_shared>>) dst(%arg10 : memref<2560xf32, #tpu.memory_space<vmem>>)
      tpu.yield
    }) : () -> ()
    %parallel_loop3A_102 = arith.constant 0 : i32
    %parallel_loop3A_103 = arith.constant 2560 : i32
    %parallel_loop3A_104 = arith.constant 16 : i32
    scf.for %parallel_loop3A_148 = %parallel_loop3A_102 to %parallel_loop3A_103 step %parallel_loop3A_104  : i32 {
      %parallel_loop3A_149 = arith.index_cast %parallel_loop3A_148 : i32 to index
      %parallel_loop3A_150 = tpu.vector_load %arg11[%parallel_loop3A_149] {strides = array<i32>} : memref<2560xf32, #tpu.memory_space<vmem>>, vector<16xf32>,
      %parallel_loop3A_151 = arith.index_cast %parallel_loop3A_148 : i32 to index
      %parallel_loop3A_152 = tpu.vector_load %arg10[%parallel_loop3A_151] {strides = array<i32>} : memref<2560xf32, #tpu.memory_space<vmem>>, vector<16xf32>,
      %parallel_loop3A_153 = arith.addf %parallel_loop3A_150, %parallel_loop3A_152 : vector<16xf32>
      %parallel_loop3A_154 = arith.index_cast %parallel_loop3A_148 : i32 to index
      %parallel_loop3A_155 = tpu.vector_load %arg11[%parallel_loop3A_154] {strides = array<i32>} : memref<2560xf32, #tpu.memory_space<vmem>>, vector<16xf32>,
      tpu.vector_store %arg11[%parallel_loop3A_154], %parallel_loop3A_153 {strides = array<i32>} : memref<2560xf32, #tpu.memory_space<vmem>>, vector<16xf32>,
    } {sc.loop_unroll_factor = 4 : i64, sc.parallel_access}
    %mul3A_105 = arith.constant 2560 : i32
    %mul3A_106 = arith.muli %arg1, %mul3A_105 : i32
    %add3A_107 = arith.constant 491520 : i32
    %add3A_108 = arith.addi %add3A_107, %mul3A_106 : i32
    %multiple_of3A_109 = tpu.assume_multiple %add3A_108, 128 : i32
    "tpu.region"() ({
      %run_scoped3A = tpu.sem_alloc : memref<!tpu.dma_semaphore, #tpu.memory_space<semaphore_mem>>
      %dma_start3A = tpu.memref_slice %arg12[%multiple_of3A_109] : memref<655360xf32, #tpu.memory_space<vmem_shared>> -> memref<2560xf32, #tpu.memory_space<vmem_shared>>
      %dma_start3A_148 = tpu.memref_slice %arg12[%multiple_of3A_109] : memref<655360xf32, #tpu.memory_space<vmem_shared>> -> memref<2560xf32, #tpu.memory_space<vmem_shared>>
      tpu.enqueue_dma source(%dma_start3A_148 : memref<2560xf32, #tpu.memory_space<vmem_shared>>) target(%arg10 : memref<2560xf32, #tpu.memory_space<vmem>>) target_semaphore(%run_scoped3A : memref<!tpu.dma_semaphore, #tpu.memory_space<semaphore_mem>>)
      %dma_wait3A = tpu.memref_slice %arg12[%multiple_of3A_109] : memref<655360xf32, #tpu.memory_space<vmem_shared>> -> memref<2560xf32, #tpu.memory_space<vmem_shared>>
      %dma_wait3A_149 = tpu.memref_slice %arg12[%multiple_of3A_109] : memref<655360xf32, #tpu.memory_space<vmem_shared>> -> memref<2560xf32, #tpu.memory_space<vmem_shared>>
      tpu.wait_dma2 semaphore(%run_scoped3A : memref<!tpu.dma_semaphore, #tpu.memory_space<semaphore_mem>>) src(%dma_wait3A_149 : memref<2560xf32, #tpu.memory_space<vmem_shared>>) dst(%arg10 : memref<2560xf32, #tpu.memory_space<vmem>>)
      tpu.yield
    }) : () -> ()
    %parallel_loop3A_110 = arith.constant 0 : i32
    %parallel_loop3A_111 = arith.constant 2560 : i32
    %parallel_loop3A_112 = arith.constant 16 : i32
    scf.for %parallel_loop3A_148 = %parallel_loop3A_110 to %parallel_loop3A_111 step %parallel_loop3A_112  : i32 {
      %parallel_loop3A_149 = arith.index_cast %parallel_loop3A_148 : i32 to index
      %parallel_loop3A_150 = tpu.vector_load %arg11[%parallel_loop3A_149] {strides = array<i32>} : memref<2560xf32, #tpu.memory_space<vmem>>, vector<16xf32>,
      %parallel_loop3A_151 = arith.index_cast %parallel_loop3A_148 : i32 to index
      %parallel_loop3A_152 = tpu.vector_load %arg10[%parallel_loop3A_151] {strides = array<i32>} : memref<2560xf32, #tpu.memory_space<vmem>>, vector<16xf32>,
      %parallel_loop3A_153 = arith.addf %parallel_loop3A_150, %parallel_loop3A_152 : vector<16xf32>
      %parallel_loop3A_154 = arith.index_cast %parallel_loop3A_148 : i32 to index
      %parallel_loop3A_155 = tpu.vector_load %arg11[%parallel_loop3A_154] {strides = array<i32>} : memref<2560xf32, #tpu.memory_space<vmem>>, vector<16xf32>,
      tpu.vector_store %arg11[%parallel_loop3A_154], %parallel_loop3A_153 {strides = array<i32>} : memref<2560xf32, #tpu.memory_space<vmem>>, vector<16xf32>,
    } {sc.loop_unroll_factor = 4 : i64, sc.parallel_access}
    %mul3A_113 = arith.constant 2560 : i32
    %mul3A_114 = arith.muli %arg1, %mul3A_113 : i32
    %add3A_115 = arith.constant 532480 : i32
    %add3A_116 = arith.addi %add3A_115, %mul3A_114 : i32
    %multiple_of3A_117 = tpu.assume_multiple %add3A_116, 128 : i32
    "tpu.region"() ({
      %run_scoped3A = tpu.sem_alloc : memref<!tpu.dma_semaphore, #tpu.memory_space<semaphore_mem>>
      %dma_start3A = tpu.memref_slice %arg12[%multiple_of3A_117] : memref<655360xf32, #tpu.memory_space<vmem_shared>> -> memref<2560xf32, #tpu.memory_space<vmem_shared>>
      %dma_start3A_148 = tpu.memref_slice %arg12[%multiple_of3A_117] : memref<655360xf32, #tpu.memory_space<vmem_shared>> -> memref<2560xf32, #tpu.memory_space<vmem_shared>>
      tpu.enqueue_dma source(%dma_start3A_148 : memref<2560xf32, #tpu.memory_space<vmem_shared>>) target(%arg10 : memref<2560xf32, #tpu.memory_space<vmem>>) target_semaphore(%run_scoped3A : memref<!tpu.dma_semaphore, #tpu.memory_space<semaphore_mem>>)
      %dma_wait3A = tpu.memref_slice %arg12[%multiple_of3A_117] : memref<655360xf32, #tpu.memory_space<vmem_shared>> -> memref<2560xf32, #tpu.memory_space<vmem_shared>>
      %dma_wait3A_149 = tpu.memref_slice %arg12[%multiple_of3A_117] : memref<655360xf32, #tpu.memory_space<vmem_shared>> -> memref<2560xf32, #tpu.memory_space<vmem_shared>>
      tpu.wait_dma2 semaphore(%run_scoped3A : memref<!tpu.dma_semaphore, #tpu.memory_space<semaphore_mem>>) src(%dma_wait3A_149 : memref<2560xf32, #tpu.memory_space<vmem_shared>>) dst(%arg10 : memref<2560xf32, #tpu.memory_space<vmem>>)
      tpu.yield
    }) : () -> ()
    %parallel_loop3A_118 = arith.constant 0 : i32
    %parallel_loop3A_119 = arith.constant 2560 : i32
    %parallel_loop3A_120 = arith.constant 16 : i32
    scf.for %parallel_loop3A_148 = %parallel_loop3A_118 to %parallel_loop3A_119 step %parallel_loop3A_120  : i32 {
      %parallel_loop3A_149 = arith.index_cast %parallel_loop3A_148 : i32 to index
      %parallel_loop3A_150 = tpu.vector_load %arg11[%parallel_loop3A_149] {strides = array<i32>} : memref<2560xf32, #tpu.memory_space<vmem>>, vector<16xf32>,
      %parallel_loop3A_151 = arith.index_cast %parallel_loop3A_148 : i32 to index
      %parallel_loop3A_152 = tpu.vector_load %arg10[%parallel_loop3A_151] {strides = array<i32>} : memref<2560xf32, #tpu.memory_space<vmem>>, vector<16xf32>,
      %parallel_loop3A_153 = arith.addf %parallel_loop3A_150, %parallel_loop3A_152 : vector<16xf32>
      %parallel_loop3A_154 = arith.index_cast %parallel_loop3A_148 : i32 to index
      %parallel_loop3A_155 = tpu.vector_load %arg11[%parallel_loop3A_154] {strides = array<i32>} : memref<2560xf32, #tpu.memory_space<vmem>>, vector<16xf32>,
      tpu.vector_store %arg11[%parallel_loop3A_154], %parallel_loop3A_153 {strides = array<i32>} : memref<2560xf32, #tpu.memory_space<vmem>>, vector<16xf32>,
    } {sc.loop_unroll_factor = 4 : i64, sc.parallel_access}
    %mul3A_121 = arith.constant 2560 : i32
    %mul3A_122 = arith.muli %arg1, %mul3A_121 : i32
    %add3A_123 = arith.constant 573440 : i32
    %add3A_124 = arith.addi %add3A_123, %mul3A_122 : i32
    %multiple_of3A_125 = tpu.assume_multiple %add3A_124, 128 : i32
    "tpu.region"() ({
      %run_scoped3A = tpu.sem_alloc : memref<!tpu.dma_semaphore, #tpu.memory_space<semaphore_mem>>
      %dma_start3A = tpu.memref_slice %arg12[%multiple_of3A_125] : memref<655360xf32, #tpu.memory_space<vmem_shared>> -> memref<2560xf32, #tpu.memory_space<vmem_shared>>
      %dma_start3A_148 = tpu.memref_slice %arg12[%multiple_of3A_125] : memref<655360xf32, #tpu.memory_space<vmem_shared>> -> memref<2560xf32, #tpu.memory_space<vmem_shared>>
      tpu.enqueue_dma source(%dma_start3A_148 : memref<2560xf32, #tpu.memory_space<vmem_shared>>) target(%arg10 : memref<2560xf32, #tpu.memory_space<vmem>>) target_semaphore(%run_scoped3A : memref<!tpu.dma_semaphore, #tpu.memory_space<semaphore_mem>>)
      %dma_wait3A = tpu.memref_slice %arg12[%multiple_of3A_125] : memref<655360xf32, #tpu.memory_space<vmem_shared>> -> memref<2560xf32, #tpu.memory_space<vmem_shared>>
      %dma_wait3A_149 = tpu.memref_slice %arg12[%multiple_of3A_125] : memref<655360xf32, #tpu.memory_space<vmem_shared>> -> memref<2560xf32, #tpu.memory_space<vmem_shared>>
      tpu.wait_dma2 semaphore(%run_scoped3A : memref<!tpu.dma_semaphore, #tpu.memory_space<semaphore_mem>>) src(%dma_wait3A_149 : memref<2560xf32, #tpu.memory_space<vmem_shared>>) dst(%arg10 : memref<2560xf32, #tpu.memory_space<vmem>>)
      tpu.yield
    }) : () -> ()
    %parallel_loop3A_126 = arith.constant 0 : i32
    %parallel_loop3A_127 = arith.constant 2560 : i32
    %parallel_loop3A_128 = arith.constant 16 : i32
    scf.for %parallel_loop3A_148 = %parallel_loop3A_126 to %parallel_loop3A_127 step %parallel_loop3A_128  : i32 {
      %parallel_loop3A_149 = arith.index_cast %parallel_loop3A_148 : i32 to index
      %parallel_loop3A_150 = tpu.vector_load %arg11[%parallel_loop3A_149] {strides = array<i32>} : memref<2560xf32, #tpu.memory_space<vmem>>, vector<16xf32>,
      %parallel_loop3A_151 = arith.index_cast %parallel_loop3A_148 : i32 to index
      %parallel_loop3A_152 = tpu.vector_load %arg10[%parallel_loop3A_151] {strides = array<i32>} : memref<2560xf32, #tpu.memory_space<vmem>>, vector<16xf32>,
      %parallel_loop3A_153 = arith.addf %parallel_loop3A_150, %parallel_loop3A_152 : vector<16xf32>
      %parallel_loop3A_154 = arith.index_cast %parallel_loop3A_148 : i32 to index
      %parallel_loop3A_155 = tpu.vector_load %arg11[%parallel_loop3A_154] {strides = array<i32>} : memref<2560xf32, #tpu.memory_space<vmem>>, vector<16xf32>,
      tpu.vector_store %arg11[%parallel_loop3A_154], %parallel_loop3A_153 {strides = array<i32>} : memref<2560xf32, #tpu.memory_space<vmem>>, vector<16xf32>,
    } {sc.loop_unroll_factor = 4 : i64, sc.parallel_access}
    %mul3A_129 = arith.constant 2560 : i32
    %mul3A_130 = arith.muli %arg1, %mul3A_129 : i32
    %add3A_131 = arith.constant 614400 : i32
    %add3A_132 = arith.addi %add3A_131, %mul3A_130 : i32
    %multiple_of3A_133 = tpu.assume_multiple %add3A_132, 128 : i32
    "tpu.region"() ({
      %run_scoped3A = tpu.sem_alloc : memref<!tpu.dma_semaphore, #tpu.memory_space<semaphore_mem>>
      %dma_start3A = tpu.memref_slice %arg12[%multiple_of3A_133] : memref<655360xf32, #tpu.memory_space<vmem_shared>> -> memref<2560xf32, #tpu.memory_space<vmem_shared>>
      %dma_start3A_148 = tpu.memref_slice %arg12[%multiple_of3A_133] : memref<655360xf32, #tpu.memory_space<vmem_shared>> -> memref<2560xf32, #tpu.memory_space<vmem_shared>>
      tpu.enqueue_dma source(%dma_start3A_148 : memref<2560xf32, #tpu.memory_space<vmem_shared>>) target(%arg10 : memref<2560xf32, #tpu.memory_space<vmem>>) target_semaphore(%run_scoped3A : memref<!tpu.dma_semaphore, #tpu.memory_space<semaphore_mem>>)
      %dma_wait3A = tpu.memref_slice %arg12[%multiple_of3A_133] : memref<655360xf32, #tpu.memory_space<vmem_shared>> -> memref<2560xf32, #tpu.memory_space<vmem_shared>>
      %dma_wait3A_149 = tpu.memref_slice %arg12[%multiple_of3A_133] : memref<655360xf32, #tpu.memory_space<vmem_shared>> -> memref<2560xf32, #tpu.memory_space<vmem_shared>>
      tpu.wait_dma2 semaphore(%run_scoped3A : memref<!tpu.dma_semaphore, #tpu.memory_space<semaphore_mem>>) src(%dma_wait3A_149 : memref<2560xf32, #tpu.memory_space<vmem_shared>>) dst(%arg10 : memref<2560xf32, #tpu.memory_space<vmem>>)
      tpu.yield
    }) : () -> ()
    %parallel_loop3A_134 = arith.constant 0 : i32
    %parallel_loop3A_135 = arith.constant 2560 : i32
    %parallel_loop3A_136 = arith.constant 16 : i32
    scf.for %parallel_loop3A_148 = %parallel_loop3A_134 to %parallel_loop3A_135 step %parallel_loop3A_136  : i32 {
      %parallel_loop3A_149 = arith.index_cast %parallel_loop3A_148 : i32 to index
      %parallel_loop3A_150 = tpu.vector_load %arg11[%parallel_loop3A_149] {strides = array<i32>} : memref<2560xf32, #tpu.memory_space<vmem>>, vector<16xf32>,
      %parallel_loop3A_151 = arith.index_cast %parallel_loop3A_148 : i32 to index
      %parallel_loop3A_152 = tpu.vector_load %arg10[%parallel_loop3A_151] {strides = array<i32>} : memref<2560xf32, #tpu.memory_space<vmem>>, vector<16xf32>,
      %parallel_loop3A_153 = arith.addf %parallel_loop3A_150, %parallel_loop3A_152 : vector<16xf32>
      %parallel_loop3A_154 = arith.index_cast %parallel_loop3A_148 : i32 to index
      %parallel_loop3A_155 = tpu.vector_load %arg11[%parallel_loop3A_154] {strides = array<i32>} : memref<2560xf32, #tpu.memory_space<vmem>>, vector<16xf32>,
      tpu.vector_store %arg11[%parallel_loop3A_154], %parallel_loop3A_153 {strides = array<i32>} : memref<2560xf32, #tpu.memory_space<vmem>>, vector<16xf32>,
    } {sc.loop_unroll_factor = 4 : i64, sc.parallel_access}
    %mul3A_137 = arith.constant 2560 : i32
    %mul3A_138 = arith.muli %arg1, %mul3A_137 : i32
    %multiple_of3A_139 = tpu.assume_multiple %mul3A_138, 128 : i32
    "tpu.region"() ({
      %run_scoped3A = tpu.sem_alloc : memref<!tpu.dma_semaphore, #tpu.memory_space<semaphore_mem>>
      %dma_start3A = tpu.memref_slice %arg13[%multiple_of3A_139] : memref<40960xf32, #tpu.memory_space<vmem_shared>> -> memref<2560xf32, #tpu.memory_space<vmem_shared>>
      %dma_start3A_148 = tpu.memref_slice %arg13[%multiple_of3A_139] : memref<40960xf32, #tpu.memory_space<vmem_shared>> -> memref<2560xf32, #tpu.memory_space<vmem_shared>>
      tpu.enqueue_dma source(%arg11 : memref<2560xf32, #tpu.memory_space<vmem>>) target(%dma_start3A_148 : memref<2560xf32, #tpu.memory_space<vmem_shared>>) target_semaphore(%run_scoped3A : memref<!tpu.dma_semaphore, #tpu.memory_space<semaphore_mem>>)
      %dma_wait3A = tpu.memref_slice %arg13[%multiple_of3A_139] : memref<40960xf32, #tpu.memory_space<vmem_shared>> -> memref<2560xf32, #tpu.memory_space<vmem_shared>>
      %dma_wait3A_149 = tpu.memref_slice %arg13[%multiple_of3A_139] : memref<40960xf32, #tpu.memory_space<vmem_shared>> -> memref<2560xf32, #tpu.memory_space<vmem_shared>>
      tpu.wait_dma2 semaphore(%run_scoped3A : memref<!tpu.dma_semaphore, #tpu.memory_space<semaphore_mem>>) src(%arg11 : memref<2560xf32, #tpu.memory_space<vmem>>) dst(%dma_wait3A_149 : memref<2560xf32, #tpu.memory_space<vmem_shared>>)
      tpu.yield
    }) : () -> ()
    %barrier3A_140 = arith.constant 0 : index
    tpu.barrier barrier_id(%barrier3A_140)
    "tpu.region"() ({
      %run_scoped3A = tpu.sem_alloc : memref<!tpu.dma_semaphore, #tpu.memory_space<semaphore_mem>>
      tpu.enqueue_dma source(%arg13 : memref<40960xf32, #tpu.memory_space<vmem_shared>>) target(%arg6 : memref<40960xf32, #tpu.memory_space<vmem>>) target_semaphore(%run_scoped3A : memref<!tpu.dma_semaphore, #tpu.memory_space<semaphore_mem>>)
      tpu.wait_dma2 semaphore(%run_scoped3A : memref<!tpu.dma_semaphore, #tpu.memory_space<semaphore_mem>>) src(%arg13 : memref<40960xf32, #tpu.memory_space<vmem_shared>>) dst(%arg6 : memref<40960xf32, #tpu.memory_space<vmem>>)
      tpu.yield
    }) : () -> ()
    %scan3A_141 = arith.constant 0 : i32
    %scan3A_142 = arith.constant 0 : i32
    %scan3A_143 = arith.constant 8 : i32
    %scan3A_144 = arith.addi %scan3A_142, %scan3A_143 : i32
    %scan3A_145 = arith.constant 1 : i32
    %scan3A_146 = scf.for %scan3A_148 = %scan3A_142 to %scan3A_144 step %scan3A_145 iter_args(%scan3A_149 = %scan3A_141) -> (i32)  : i32 {
      %mul3A_150 = arith.constant 20480 : i32
      %mul3A_151 = arith.muli %arg1, %mul3A_150 : i32
      %mul3A_152 = arith.constant 2560 : i32
      %mul3A_153 = arith.muli %scan3A_148, %mul3A_152 : i32
      %add3A_154 = arith.addi %mul3A_151, %mul3A_153 : i32
      %multiple_of3A_155 = tpu.assume_multiple %add3A_154, 128 : i32
      %add3A_156 = arith.addi %mul3A_1, %multiple_of3A_155 : i32
      %multiple_of3A_157 = tpu.assume_multiple %add3A_156, 128 : i32
      "tpu.region"() ({
        %run_scoped3A = tpu.sem_alloc : memref<!tpu.dma_semaphore, #tpu.memory_space<semaphore_mem>>
        %dma_start3A = tpu.memref_slice %arg3[%multiple_of3A_157] : memref<655360xi32, #tpu.memory_space<hbm>> -> memref<2560xi32, #tpu.memory_space<hbm>>
        %dma_start3A_169 = tpu.memref_slice %arg3[%multiple_of3A_157] : memref<655360xi32, #tpu.memory_space<hbm>> -> memref<2560xi32, #tpu.memory_space<hbm>>
        tpu.enqueue_dma source(%dma_start3A_169 : memref<2560xi32, #tpu.memory_space<hbm>>) target(%arg7 : memref<2560xi32, #tpu.memory_space<vmem>>) target_semaphore(%run_scoped3A : memref<!tpu.dma_semaphore, #tpu.memory_space<semaphore_mem>>)
        %dma_wait3A = tpu.memref_slice %arg3[%multiple_of3A_157] : memref<655360xi32, #tpu.memory_space<hbm>> -> memref<2560xi32, #tpu.memory_space<hbm>>
        %dma_wait3A_170 = tpu.memref_slice %arg3[%multiple_of3A_157] : memref<655360xi32, #tpu.memory_space<hbm>> -> memref<2560xi32, #tpu.memory_space<hbm>>
        tpu.wait_dma2 semaphore(%run_scoped3A : memref<!tpu.dma_semaphore, #tpu.memory_space<semaphore_mem>>) src(%dma_wait3A_170 : memref<2560xi32, #tpu.memory_space<hbm>>) dst(%arg7 : memref<2560xi32, #tpu.memory_space<vmem>>)
        tpu.yield
      }) : () -> ()
      "tpu.region"() ({
        %run_scoped3A = tpu.sem_alloc : memref<!tpu.dma_semaphore, #tpu.memory_space<semaphore_mem>>
        %dma_start3A = arith.constant 0 : i32
        %dma_start3A_169 = tpu.memref_slice %arg2[%dma_start3A, %multiple_of3A_155] : memref<8x327680xf32, #tpu.memory_space<hbm>> -> memref<8x2560xf32, #tpu.memory_space<hbm>>
        %dma_start3A_170 = arith.constant 0 : i32
        %dma_start3A_171 = tpu.memref_slice %arg2[%dma_start3A_170, %multiple_of3A_155] : memref<8x327680xf32, #tpu.memory_space<hbm>> -> memref<8x2560xf32, #tpu.memory_space<hbm>>
        tpu.enqueue_dma source(%dma_start3A_171 : memref<8x2560xf32, #tpu.memory_space<hbm>>) target(%arg8 : memref<8x2560xf32, #tpu.memory_space<vmem>>) target_semaphore(%run_scoped3A : memref<!tpu.dma_semaphore, #tpu.memory_space<semaphore_mem>>)
        %dma_wait3A = arith.constant 0 : i32
        %dma_wait3A_172 = tpu.memref_slice %arg2[%dma_wait3A, %multiple_of3A_155] : memref<8x327680xf32, #tpu.memory_space<hbm>> -> memref<8x2560xf32, #tpu.memory_space<hbm>>
        %dma_wait3A_173 = arith.constant 0 : i32
        %dma_wait3A_174 = tpu.memref_slice %arg2[%dma_wait3A_173, %multiple_of3A_155] : memref<8x327680xf32, #tpu.memory_space<hbm>> -> memref<8x2560xf32, #tpu.memory_space<hbm>>
        tpu.wait_dma2 semaphore(%run_scoped3A : memref<!tpu.dma_semaphore, #tpu.memory_space<semaphore_mem>>) src(%dma_wait3A_174 : memref<8x2560xf32, #tpu.memory_space<hbm>>) dst(%arg8 : memref<8x2560xf32, #tpu.memory_space<vmem>>)
        tpu.yield
      }) : () -> ()
      %parallel_loop3A_158 = arith.constant 0 : i32
      %parallel_loop3A_159 = arith.constant 2560 : i32
      %parallel_loop3A_160 = arith.constant 16 : i32
      scf.for %parallel_loop3A_169 = %parallel_loop3A_158 to %parallel_loop3A_159 step %parallel_loop3A_160  : i32 {
        %parallel_loop3A_170 = arith.index_cast %parallel_loop3A_169 : i32 to index
        %parallel_loop3A_171 = tpu.vector_load %arg7[%parallel_loop3A_170] {strides = array<i32>} : memref<2560xi32, #tpu.memory_space<vmem>>, vector<16xi32>,
        %parallel_loop3A_172 = arith.constant 0 : i32
        %parallel_loop3A_173 = arith.addi %mul3A_3, %parallel_loop3A_172 : i32
        %parallel_loop3A_174 = arith.index_cast %parallel_loop3A_173 : i32 to index
        %parallel_loop3A_175 = arith.index_cast %parallel_loop3A_169 : i32 to index
        %parallel_loop3A_176 = tpu.vector_load %arg8[%parallel_loop3A_174, %parallel_loop3A_175] {strides = array<i32>} : memref<8x2560xf32, #tpu.memory_space<vmem>>, vector<16xf32>,
        %parallel_loop3A_177 = math.exp %parallel_loop3A_176 : vector<16xf32>
        %parallel_loop3A_178 = arith.constant 0 : i32
        %parallel_loop3A_179 = vector.broadcast %parallel_loop3A_178 : i32 to vector<16xi32>
        %parallel_loop3A_180 = arith.addi %parallel_loop3A_171, %parallel_loop3A_179 : vector<16xi32>
        %parallel_loop3A_181 = tpu.vector_load_idx %arg6[%parallel_loop3A_180] : memref<40960xf32, #tpu.memory_space<vmem>>[vector<16xi32>], vector<16xf32>,
        %parallel_loop3A_182 = arith.constant 1.000000e-16 : f32
        %parallel_loop3A_183 = vector.broadcast %parallel_loop3A_182 : f32 to vector<16xf32>
        %parallel_loop3A_184 = arith.addf %parallel_loop3A_181, %parallel_loop3A_183 : vector<16xf32>
        %parallel_loop3A_185 = arith.divf %parallel_loop3A_177, %parallel_loop3A_184 : vector<16xf32>
        %parallel_loop3A_186 = arith.constant 0 : i32
        %parallel_loop3A_187 = arith.index_cast %parallel_loop3A_186 : i32 to index
        %parallel_loop3A_188 = arith.index_cast %parallel_loop3A_169 : i32 to index
        %parallel_loop3A_189 = tpu.vector_load %arg9[%parallel_loop3A_187, %parallel_loop3A_188] {strides = array<i32>} : memref<4x2560xf32, #tpu.memory_space<vmem>>, vector<16xf32>,
        tpu.vector_store %arg9[%parallel_loop3A_187, %parallel_loop3A_188], %parallel_loop3A_185 {strides = array<i32>} : memref<4x2560xf32, #tpu.memory_space<vmem>>, vector<16xf32>,
        %parallel_loop3A_190 = arith.constant 1 : i32
        %parallel_loop3A_191 = arith.addi %mul3A_3, %parallel_loop3A_190 : i32
        %parallel_loop3A_192 = arith.index_cast %parallel_loop3A_191 : i32 to index
        %parallel_loop3A_193 = arith.index_cast %parallel_loop3A_169 : i32 to index
        %parallel_loop3A_194 = tpu.vector_load %arg8[%parallel_loop3A_192, %parallel_loop3A_193] {strides = array<i32>} : memref<8x2560xf32, #tpu.memory_space<vmem>>, vector<16xf32>,
        %parallel_loop3A_195 = math.exp %parallel_loop3A_194 : vector<16xf32>
        %parallel_loop3A_196 = arith.constant 10240 : i32
        %parallel_loop3A_197 = vector.broadcast %parallel_loop3A_196 : i32 to vector<16xi32>
        %parallel_loop3A_198 = arith.addi %parallel_loop3A_171, %parallel_loop3A_197 : vector<16xi32>
        %parallel_loop3A_199 = tpu.vector_load_idx %arg6[%parallel_loop3A_198] : memref<40960xf32, #tpu.memory_space<vmem>>[vector<16xi32>], vector<16xf32>,
        %parallel_loop3A_200 = arith.constant 1.000000e-16 : f32
        %parallel_loop3A_201 = vector.broadcast %parallel_loop3A_200 : f32 to vector<16xf32>
        %parallel_loop3A_202 = arith.addf %parallel_loop3A_199, %parallel_loop3A_201 : vector<16xf32>
        %parallel_loop3A_203 = arith.divf %parallel_loop3A_195, %parallel_loop3A_202 : vector<16xf32>
        %parallel_loop3A_204 = arith.constant 1 : i32
        %parallel_loop3A_205 = arith.index_cast %parallel_loop3A_204 : i32 to index
        %parallel_loop3A_206 = arith.index_cast %parallel_loop3A_169 : i32 to index
        %parallel_loop3A_207 = tpu.vector_load %arg9[%parallel_loop3A_205, %parallel_loop3A_206] {strides = array<i32>} : memref<4x2560xf32, #tpu.memory_space<vmem>>, vector<16xf32>,
        tpu.vector_store %arg9[%parallel_loop3A_205, %parallel_loop3A_206], %parallel_loop3A_203 {strides = array<i32>} : memref<4x2560xf32, #tpu.memory_space<vmem>>, vector<16xf32>,
        %parallel_loop3A_208 = arith.constant 2 : i32
        %parallel_loop3A_209 = arith.addi %mul3A_3, %parallel_loop3A_208 : i32
        %parallel_loop3A_210 = arith.index_cast %parallel_loop3A_209 : i32 to index
        %parallel_loop3A_211 = arith.index_cast %parallel_loop3A_169 : i32 to index
        %parallel_loop3A_212 = tpu.vector_load %arg8[%parallel_loop3A_210, %parallel_loop3A_211] {strides = array<i32>} : memref<8x2560xf32, #tpu.memory_space<vmem>>, vector<16xf32>,
        %parallel_loop3A_213 = math.exp %parallel_loop3A_212 : vector<16xf32>
        %parallel_loop3A_214 = arith.constant 20480 : i32
        %parallel_loop3A_215 = vector.broadcast %parallel_loop3A_214 : i32 to vector<16xi32>
        %parallel_loop3A_216 = arith.addi %parallel_loop3A_171, %parallel_loop3A_215 : vector<16xi32>
        %parallel_loop3A_217 = tpu.vector_load_idx %arg6[%parallel_loop3A_216] : memref<40960xf32, #tpu.memory_space<vmem>>[vector<16xi32>], vector<16xf32>,
        %parallel_loop3A_218 = arith.constant 1.000000e-16 : f32
        %parallel_loop3A_219 = vector.broadcast %parallel_loop3A_218 : f32 to vector<16xf32>
        %parallel_loop3A_220 = arith.addf %parallel_loop3A_217, %parallel_loop3A_219 : vector<16xf32>
        %parallel_loop3A_221 = arith.divf %parallel_loop3A_213, %parallel_loop3A_220 : vector<16xf32>
        %parallel_loop3A_222 = arith.constant 2 : i32
        %parallel_loop3A_223 = arith.index_cast %parallel_loop3A_222 : i32 to index
        %parallel_loop3A_224 = arith.index_cast %parallel_loop3A_169 : i32 to index
        %parallel_loop3A_225 = tpu.vector_load %arg9[%parallel_loop3A_223, %parallel_loop3A_224] {strides = array<i32>} : memref<4x2560xf32, #tpu.memory_space<vmem>>, vector<16xf32>,
        tpu.vector_store %arg9[%parallel_loop3A_223, %parallel_loop3A_224], %parallel_loop3A_221 {strides = array<i32>} : memref<4x2560xf32, #tpu.memory_space<vmem>>, vector<16xf32>,
        %parallel_loop3A_226 = arith.constant 3 : i32
        %parallel_loop3A_227 = arith.addi %mul3A_3, %parallel_loop3A_226 : i32
        %parallel_loop3A_228 = arith.index_cast %parallel_loop3A_227 : i32 to index
        %parallel_loop3A_229 = arith.index_cast %parallel_loop3A_169 : i32 to index
        %parallel_loop3A_230 = tpu.vector_load %arg8[%parallel_loop3A_228, %parallel_loop3A_229] {strides = array<i32>} : memref<8x2560xf32, #tpu.memory_space<vmem>>, vector<16xf32>,
        %parallel_loop3A_231 = math.exp %parallel_loop3A_230 : vector<16xf32>
        %parallel_loop3A_232 = arith.constant 30720 : i32
        %parallel_loop3A_233 = vector.broadcast %parallel_loop3A_232 : i32 to vector<16xi32>
        %parallel_loop3A_234 = arith.addi %parallel_loop3A_171, %parallel_loop3A_233 : vector<16xi32>
        %parallel_loop3A_235 = tpu.vector_load_idx %arg6[%parallel_loop3A_234] : memref<40960xf32, #tpu.memory_space<vmem>>[vector<16xi32>], vector<16xf32>,
        %parallel_loop3A_236 = arith.constant 1.000000e-16 : f32
        %parallel_loop3A_237 = vector.broadcast %parallel_loop3A_236 : f32 to vector<16xf32>
        %parallel_loop3A_238 = arith.addf %parallel_loop3A_235, %parallel_loop3A_237 : vector<16xf32>
        %parallel_loop3A_239 = arith.divf %parallel_loop3A_231, %parallel_loop3A_238 : vector<16xf32>
        %parallel_loop3A_240 = arith.constant 3 : i32
        %parallel_loop3A_241 = arith.index_cast %parallel_loop3A_240 : i32 to index
        %parallel_loop3A_242 = arith.index_cast %parallel_loop3A_169 : i32 to index
        %parallel_loop3A_243 = tpu.vector_load %arg9[%parallel_loop3A_241, %parallel_loop3A_242] {strides = array<i32>} : memref<4x2560xf32, #tpu.memory_space<vmem>>, vector<16xf32>,
        tpu.vector_store %arg9[%parallel_loop3A_241, %parallel_loop3A_242], %parallel_loop3A_239 {strides = array<i32>} : memref<4x2560xf32, #tpu.memory_space<vmem>>, vector<16xf32>,
      } {sc.loop_unroll_factor = 4 : i64, sc.parallel_access}
      %eq3A = arith.constant 0 : i32
      %eq3A_161 = arith.cmpi eq, %arg0, %eq3A : i32
      %convert_element_type3A = arith.extui %eq3A_161 : i1 to i32
      %cond3A = arith.constant 0 : i32
      %cond3A_162 = arith.cmpi ne, %convert_element_type3A, %cond3A : i32
      scf.if %cond3A_162 {
        "tpu.region"() ({
          %run_scoped3A = tpu.sem_alloc : memref<!tpu.dma_semaphore, #tpu.memory_space<semaphore_mem>>
          %dma_start3A = arith.constant 0 : i32
          %dma_start3A_169 = tpu.memref_slice %arg4[%dma_start3A, %multiple_of3A_155] : memref<4x327680xf32, #tpu.memory_space<hbm>> -> memref<4x2560xf32, #tpu.memory_space<hbm>>
          %dma_start3A_170 = arith.constant 0 : i32
          %dma_start3A_171 = tpu.memref_slice %arg4[%dma_start3A_170, %multiple_of3A_155] : memref<4x327680xf32, #tpu.memory_space<hbm>> -> memref<4x2560xf32, #tpu.memory_space<hbm>>
          tpu.enqueue_dma source(%arg9 : memref<4x2560xf32, #tpu.memory_space<vmem>>) target(%dma_start3A_171 : memref<4x2560xf32, #tpu.memory_space<hbm>>) target_semaphore(%run_scoped3A : memref<!tpu.dma_semaphore, #tpu.memory_space<semaphore_mem>>)
          %dma_wait3A = arith.constant 0 : i32
          %dma_wait3A_172 = tpu.memref_slice %arg4[%dma_wait3A, %multiple_of3A_155] : memref<4x327680xf32, #tpu.memory_space<hbm>> -> memref<4x2560xf32, #tpu.memory_space<hbm>>
          %dma_wait3A_173 = arith.constant 0 : i32
          %dma_wait3A_174 = tpu.memref_slice %arg4[%dma_wait3A_173, %multiple_of3A_155] : memref<4x327680xf32, #tpu.memory_space<hbm>> -> memref<4x2560xf32, #tpu.memory_space<hbm>>
          tpu.wait_dma2 semaphore(%run_scoped3A : memref<!tpu.dma_semaphore, #tpu.memory_space<semaphore_mem>>) src(%arg9 : memref<4x2560xf32, #tpu.memory_space<vmem>>) dst(%dma_wait3A_174 : memref<4x2560xf32, #tpu.memory_space<hbm>>)
          tpu.yield
        }) : () -> ()
      } else {
      }
      %eq3A_163 = arith.constant 1 : i32
      %eq3A_164 = arith.cmpi eq, %arg0, %eq3A_163 : i32
      %convert_element_type3A_165 = arith.extui %eq3A_164 : i1 to i32
      %cond3A_166 = arith.constant 0 : i32
      %cond3A_167 = arith.cmpi ne, %convert_element_type3A_165, %cond3A_166 : i32
      scf.if %cond3A_167 {
        "tpu.region"() ({
          %run_scoped3A = tpu.sem_alloc : memref<!tpu.dma_semaphore, #tpu.memory_space<semaphore_mem>>
          %dma_start3A = arith.constant 0 : i32
          %dma_start3A_169 = tpu.memref_slice %arg5[%dma_start3A, %multiple_of3A_155] : memref<4x327680xf32, #tpu.memory_space<hbm>> -> memref<4x2560xf32, #tpu.memory_space<hbm>>
          %dma_start3A_170 = arith.constant 0 : i32
          %dma_start3A_171 = tpu.memref_slice %arg5[%dma_start3A_170, %multiple_of3A_155] : memref<4x327680xf32, #tpu.memory_space<hbm>> -> memref<4x2560xf32, #tpu.memory_space<hbm>>
          tpu.enqueue_dma source(%arg9 : memref<4x2560xf32, #tpu.memory_space<vmem>>) target(%dma_start3A_171 : memref<4x2560xf32, #tpu.memory_space<hbm>>) target_semaphore(%run_scoped3A : memref<!tpu.dma_semaphore, #tpu.memory_space<semaphore_mem>>)
          %dma_wait3A = arith.constant 0 : i32
          %dma_wait3A_172 = tpu.memref_slice %arg5[%dma_wait3A, %multiple_of3A_155] : memref<4x327680xf32, #tpu.memory_space<hbm>> -> memref<4x2560xf32, #tpu.memory_space<hbm>>
          %dma_wait3A_173 = arith.constant 0 : i32
          %dma_wait3A_174 = tpu.memref_slice %arg5[%dma_wait3A_173, %multiple_of3A_155] : memref<4x327680xf32, #tpu.memory_space<hbm>> -> memref<4x2560xf32, #tpu.memory_space<hbm>>
          tpu.wait_dma2 semaphore(%run_scoped3A : memref<!tpu.dma_semaphore, #tpu.memory_space<semaphore_mem>>) src(%arg9 : memref<4x2560xf32, #tpu.memory_space<vmem>>) dst(%dma_wait3A_174 : memref<4x2560xf32, #tpu.memory_space<hbm>>)
          tpu.yield
        }) : () -> ()
      } else {
      }
      %scan3A_168 = arith.constant 0 : i32
      scf.yield %scan3A_168 : i32
    }
    %scan3A_147 = arith.constant 8 : i32
    return
  }
}

module attributes {stable_mosaic.version = 14 : i64} {
  func.func @_p1_body(%arg0: i32, %arg1: memref<2560x128xf32, #tpu.memory_space<vmem>>, %arg2: memref<128x512xf32, #tpu.memory_space<vmem>>, %arg3: memref<1x512xf32, #tpu.memory_space<vmem>>, %arg4: memref<8x256xf32, #tpu.memory_space<vmem>>, %arg5: memref<8x2560xf32, #tpu.memory_space<vmem>>) attributes {dimension_semantics = [#tpu.dimension_semantics<arbitrary>], iteration_bounds = array<i64: 128>, scalar_prefetch = 0 : i64, scratch_operands = 0 : i64, tpu.core_type = #tpu.core_type<tc>, window_params = [{transform_indices = @transform_0, window_bounds = array<i64: 2560, 128>}, {pipeline_mode = #tpu.pipeline_mode<synchronous>, transform_indices = @transform_1, window_bounds = array<i64: 128, 512>}, {pipeline_mode = #tpu.pipeline_mode<synchronous>, transform_indices = @transform_2, window_bounds = array<i64: 1, 512>}, {pipeline_mode = #tpu.pipeline_mode<synchronous>, transform_indices = @transform_3, window_bounds = array<i64: 8, 256>}, {transform_indices = @transform_4, window_bounds = array<i64: 8, 2560>}]} {
    %get3A = arith.constant 0 : index
    %get3A_0 = arith.constant 0 : index
    %get3A_1 = vector.load %arg1[%get3A, %get3A_0] : memref<2560x128xf32, #tpu.memory_space<vmem>>, vector<2560x128xf32>
    %get3A_2 = arith.constant 0 : index
    %get3A_3 = arith.constant 0 : index
    %get3A_4 = vector.load %arg2[%get3A_2, %get3A_3] : memref<128x512xf32, #tpu.memory_space<vmem>>, vector<128x512xf32>
    %dot_general3A = arith.constant dense<0.000000e+00> : vector<2560x512xf32>
    %dot_general3A_5 = tpu.matmul %get3A_1, %get3A_4, %dot_general3A {dimension_numbers = #tpu.dot_dimension_numbers<[1], [0], [0], [1], [0, 0, 1, 1], [], []>, transpose_lhs_hint = false} : vector<2560x128xf32>, vector<128x512xf32>, vector<2560x512xf32> -> vector<2560x512xf32>
    %get3A_6 = arith.constant 0 : index
    %get3A_7 = arith.constant 0 : index
    %get3A_8 = vector.load %arg3[%get3A_6, %get3A_7] : memref<1x512xf32, #tpu.memory_space<vmem>>, vector<1x512xf32>
    %add3A = vector.broadcast %get3A_8 : vector<1x512xf32> to vector<2560x512xf32>
    %add3A_9 = arith.addf %dot_general3A_5, %add3A : vector<2560x512xf32>
    %slice3A = vector.extract_strided_slice %add3A_9 {offsets = [0, 0], sizes = [2560, 128], strides = [1, 1]} : vector<2560x512xf32> to vector<2560x128xf32>
    %slice3A_10 = vector.extract_strided_slice %add3A_9 {offsets = [0, 128], sizes = [2560, 128], strides = [1, 1]} : vector<2560x512xf32> to vector<2560x128xf32>
    %mul3A = arith.mulf %slice3A, %slice3A_10 : vector<2560x128xf32>
    %slice3A_11 = vector.extract_strided_slice %add3A_9 {offsets = [0, 256], sizes = [2560, 128], strides = [1, 1]} : vector<2560x512xf32> to vector<2560x128xf32>
    %slice3A_12 = vector.extract_strided_slice %add3A_9 {offsets = [0, 384], sizes = [2560, 128], strides = [1, 1]} : vector<2560x512xf32> to vector<2560x128xf32>
    %mul3A_13 = arith.mulf %slice3A_11, %slice3A_12 : vector<2560x128xf32>
    %concatenate3A = tpu.concatenate %mul3A, %mul3A_13 in 1 : vector<2560x128xf32>, vector<2560x128xf32> -> vector<2560x256xf32>
    %get3A_14 = arith.constant 0 : index
    %get3A_15 = arith.constant 0 : index
    %get3A_16 = vector.load %arg4[%get3A_14, %get3A_15] : memref<8x256xf32, #tpu.memory_space<vmem>>, vector<8x256xf32>
    %dot_general3A_17 = arith.constant dense<0.000000e+00> : vector<8x2560xf32>
    %dot_general3A_18 = tpu.matmul %get3A_16, %concatenate3A, %dot_general3A_17 {dimension_numbers = #tpu.dot_dimension_numbers<[1], [1], [0], [0], [0, 0, 1, 0], [], []>, transpose_lhs_hint = false} : vector<8x256xf32>, vector<2560x256xf32>, vector<8x2560xf32> -> vector<8x2560xf32>
    %mul3A_19 = arith.constant 0.176776692 : f32
    %mul3A_20 = vector.broadcast %mul3A_19 : f32 to vector<8x2560xf32>
    %mul3A_21 = arith.mulf %dot_general3A_18, %mul3A_20 : vector<8x2560xf32>
    %swap3A = arith.constant 0 : index
    %swap3A_22 = arith.constant 0 : index
    %swap3A_23 = vector.load %arg5[%swap3A, %swap3A_22] : memref<8x2560xf32, #tpu.memory_space<vmem>>, vector<8x2560xf32>
    tpu.vector_store %arg5[%swap3A, %swap3A_22], %mul3A_21 {strides = array<i32>} : memref<8x2560xf32, #tpu.memory_space<vmem>>, vector<8x2560xf32>,
    return
  }
  func.func @transform_0(%arg0: i32) -> (i32, i32) {
    %min3A = arith.constant 124 : i32
    %min3A_0 = arith.minsi %arg0, %min3A : i32
    %c0_i32 = arith.constant 0 : i32
    %c0_i32_1 = arith.constant 0 : i32
    return %min3A_0, %c0_i32 : i32, i32
  }
  func.func @transform_1(%arg0: i32) -> (i32, i32) {
    %c0_i32 = arith.constant 0 : i32
    %c0_i32_0 = arith.constant 0 : i32
    %c0_i32_1 = arith.constant 0 : i32
    return %c0_i32, %c0_i32_0 : i32, i32
  }
  func.func @transform_2(%arg0: i32) -> (i32, i32) {
    %c0_i32 = arith.constant 0 : i32
    %c0_i32_0 = arith.constant 0 : i32
    %c0_i32_1 = arith.constant 0 : i32
    return %c0_i32, %c0_i32_0 : i32, i32
  }
  func.func @transform_3(%arg0: i32) -> (i32, i32) {
    %c0_i32 = arith.constant 0 : i32
    %c0_i32_0 = arith.constant 0 : i32
    %c0_i32_1 = arith.constant 0 : i32
    return %c0_i32, %c0_i32_0 : i32, i32
  }
  func.func @transform_4(%arg0: i32) -> (i32, i32) {
    %c0_i32 = arith.constant 0 : i32
    %c0_i32_0 = arith.constant 0 : i32
    return %c0_i32, %arg0 : i32, i32
  }
}

module attributes {stable_mosaic.version = 14 : i64} {
  func.func @_p2_body(%arg0: i32, %arg1: memref<1280x128xf32, #tpu.memory_space<vmem>>, %arg2: memref<128x256xf32, #tpu.memory_space<vmem>>, %arg3: memref<1x256xf32, #tpu.memory_space<vmem>>, %arg4: memref<4x128xf32, #tpu.memory_space<vmem>>, %arg5: memref<4x1280xf32, #tpu.memory_space<vmem>>, %arg6: memref<4x1280xf32, #tpu.memory_space<vmem>>, %arg7: memref<256x128xf32, #tpu.memory_space<vmem>>, %arg8: memref<256x128xf32, #tpu.memory_space<vmem>>, %arg9: memref<1x128xf32, #tpu.memory_space<vmem>>, %arg10: memref<1280x128xf32, #tpu.memory_space<vmem>>) attributes {dimension_semantics = [#tpu.dimension_semantics<arbitrary>], iteration_bounds = array<i64: 250>, scalar_prefetch = 0 : i64, scratch_operands = 0 : i64, tpu.core_type = #tpu.core_type<tc>, window_params = [{transform_indices = @transform_0, window_bounds = array<i64: 1280, 128>}, {pipeline_mode = #tpu.pipeline_mode<synchronous>, transform_indices = @transform_1, window_bounds = array<i64: 128, 256>}, {pipeline_mode = #tpu.pipeline_mode<synchronous>, transform_indices = @transform_2, window_bounds = array<i64: 1, 256>}, {pipeline_mode = #tpu.pipeline_mode<synchronous>, transform_indices = @transform_3, window_bounds = array<i64: 4, 128>}, {transform_indices = @transform_4, window_bounds = array<i64: 4, 1280>}, {transform_indices = @transform_5, window_bounds = array<i64: 4, 1280>}, {pipeline_mode = #tpu.pipeline_mode<synchronous>, transform_indices = @transform_6, window_bounds = array<i64: 256, 128>}, {pipeline_mode = #tpu.pipeline_mode<synchronous>, transform_indices = @transform_7, window_bounds = array<i64: 256, 128>}, {pipeline_mode = #tpu.pipeline_mode<synchronous>, transform_indices = @transform_8, window_bounds = array<i64: 1, 128>}, {transform_indices = @transform_9, window_bounds = array<i64: 1280, 128>}]} {
    %get3A = arith.constant 0 : index
    %get3A_0 = arith.constant 0 : index
    %get3A_1 = vector.load %arg1[%get3A, %get3A_0] : memref<1280x128xf32, #tpu.memory_space<vmem>>, vector<1280x128xf32>
    %get3A_2 = arith.constant 0 : index
    %get3A_3 = arith.constant 0 : index
    %get3A_4 = vector.load %arg2[%get3A_2, %get3A_3] : memref<128x256xf32, #tpu.memory_space<vmem>>, vector<128x256xf32>
    %dot_general3A = arith.constant dense<0.000000e+00> : vector<1280x256xf32>
    %dot_general3A_5 = tpu.matmul %get3A_1, %get3A_4, %dot_general3A {dimension_numbers = #tpu.dot_dimension_numbers<[1], [0], [0], [1], [0, 0, 1, 1], [], []>, transpose_lhs_hint = false} : vector<1280x128xf32>, vector<128x256xf32>, vector<1280x256xf32> -> vector<1280x256xf32>
    %get3A_6 = arith.constant 0 : index
    %get3A_7 = arith.constant 0 : index
    %get3A_8 = vector.load %arg3[%get3A_6, %get3A_7] : memref<1x256xf32, #tpu.memory_space<vmem>>, vector<1x256xf32>
    %add3A = vector.broadcast %get3A_8 : vector<1x256xf32> to vector<1280x256xf32>
    %add3A_9 = arith.addf %dot_general3A_5, %add3A : vector<1280x256xf32>
    %get3A_10 = arith.constant 0 : index
    %get3A_11 = arith.constant 0 : index
    %get3A_12 = vector.load %arg4[%get3A_10, %get3A_11] : memref<4x128xf32, #tpu.memory_space<vmem>>, vector<4x128xf32>
    %get3A_13 = arith.constant 0 : index
    %get3A_14 = arith.constant 0 : index
    %get3A_15 = vector.load %arg5[%get3A_13, %get3A_14] : memref<4x1280xf32, #tpu.memory_space<vmem>>, vector<4x1280xf32>
    %dot_general3A_16 = arith.constant dense<0.000000e+00> : vector<1280x128xf32>
    %dot_general3A_17 = tpu.matmul %get3A_15, %get3A_12, %dot_general3A_16 {dimension_numbers = #tpu.dot_dimension_numbers<[0], [0], [1], [1], [0, 1, 1, 1], [], []>, transpose_lhs_hint = false} : vector<4x1280xf32>, vector<4x128xf32>, vector<1280x128xf32> -> vector<1280x128xf32>
    %get3A_18 = arith.constant 0 : index
    %get3A_19 = arith.constant 0 : index
    %get3A_20 = vector.load %arg6[%get3A_18, %get3A_19] : memref<4x1280xf32, #tpu.memory_space<vmem>>, vector<4x1280xf32>
    %dot_general3A_21 = arith.constant dense<0.000000e+00> : vector<1280x128xf32>
    %dot_general3A_22 = tpu.matmul %get3A_20, %get3A_12, %dot_general3A_21 {dimension_numbers = #tpu.dot_dimension_numbers<[0], [0], [1], [1], [0, 1, 1, 1], [], []>, transpose_lhs_hint = false} : vector<4x1280xf32>, vector<4x128xf32>, vector<1280x128xf32> -> vector<1280x128xf32>
    %concatenate3A = tpu.concatenate %dot_general3A_17, %dot_general3A_22 in 1 : vector<1280x128xf32>, vector<1280x128xf32> -> vector<1280x256xf32>
    %mul3A = arith.mulf %add3A_9, %concatenate3A : vector<1280x256xf32>
    %get3A_23 = arith.constant 0 : index
    %get3A_24 = arith.constant 0 : index
    %get3A_25 = vector.load %arg8[%get3A_23, %get3A_24] : memref<256x128xf32, #tpu.memory_space<vmem>>, vector<256x128xf32>
    %dot_general3A_26 = arith.constant dense<0.000000e+00> : vector<1280x128xf32>
    %dot_general3A_27 = tpu.matmul %mul3A, %get3A_25, %dot_general3A_26 {dimension_numbers = #tpu.dot_dimension_numbers<[1], [0], [0], [1], [0, 0, 1, 1], [], []>, transpose_lhs_hint = false} : vector<1280x256xf32>, vector<256x128xf32>, vector<1280x128xf32> -> vector<1280x128xf32>
    %slice3A = vector.extract_strided_slice %dot_general3A_27 {offsets = [1, 0], sizes = [1279, 128], strides = [1, 1]} : vector<1280x128xf32> to vector<1279x128xf32>
    %slice3A_28 = vector.extract_strided_slice %dot_general3A_27 {offsets = [0, 0], sizes = [1, 128], strides = [1, 1]} : vector<1280x128xf32> to vector<1x128xf32>
    %concatenate3A_29 = tpu.concatenate %slice3A, %slice3A_28 in 0 : vector<1279x128xf32>, vector<1x128xf32> -> vector<1280x128xf32>
    %slice3A_30 = vector.extract_strided_slice %dot_general3A_27 {offsets = [1279, 0], sizes = [1, 128], strides = [1, 1]} : vector<1280x128xf32> to vector<1x128xf32>
    %slice3A_31 = vector.extract_strided_slice %dot_general3A_27 {offsets = [0, 0], sizes = [1279, 128], strides = [1, 1]} : vector<1280x128xf32> to vector<1279x128xf32>
    %concatenate3A_32 = tpu.concatenate %slice3A_30, %slice3A_31 in 0 : vector<1x128xf32>, vector<1279x128xf32> -> vector<1280x128xf32>
    %iota3A = tpu.iota {dimensions = array<i32: 0>} : vector<1280x1xi32>
    %jit3A = arith.constant 2 : i32
    %eq3A = arith.constant 0 : i32
    %eq3A_33 = arith.cmpi eq, %jit3A, %eq3A : i32
    %jit3A_34 = arith.constant 1 : i32
    %select_n3A = arith.select %eq3A_33, %jit3A_34, %jit3A : i32
    %rem3A = vector.broadcast %select_n3A : i32 to vector<1280x1xi32>
    %rem3A_35 = arith.remsi %iota3A, %rem3A : vector<1280x1xi32>
    %ne3A = arith.constant 0 : i32
    %ne3A_36 = vector.broadcast %ne3A : i32 to vector<1280x1xi32>
    %ne3A_37 = arith.cmpi ne, %rem3A_35, %ne3A_36 : vector<1280x1xi32>
    %lt3A = arith.constant 0 : i32
    %lt3A_38 = vector.broadcast %lt3A : i32 to vector<1280x1xi32>
    %lt3A_39 = arith.cmpi slt, %rem3A_35, %lt3A_38 : vector<1280x1xi32>
    %lt3A_40 = arith.constant 0 : i32
    %lt3A_41 = arith.cmpi slt, %select_n3A, %lt3A_40 : i32
    %ne3A_42 = vector.broadcast %lt3A_41 : i1 to vector<1280x1xi1>
    %ne3A_43 = vector.broadcast %ne3A_42 : vector<1280x1xi1> to vector<1280x1xi1>
    %ne3A_44 = arith.xori %lt3A_39, %ne3A_43 : vector<1280x1xi1>
    %and3A = arith.andi %ne3A_44, %ne3A_37 : vector<1280x1xi1>
    %add3A_45 = vector.broadcast %select_n3A : i32 to vector<1280x1xi32>
    %add3A_46 = arith.addi %rem3A_35, %add3A_45 : vector<1280x1xi32>
    %select_n3A_47 = arith.select %and3A, %add3A_46, %rem3A_35 : vector<1280x1xi1>, vector<1280x1xi32>
    %eq3A_48 = arith.constant 0 : i32
    %eq3A_49 = vector.broadcast %eq3A_48 : i32 to vector<1280x1xi32>
    %eq3A_50 = arith.cmpi eq, %select_n3A_47, %eq3A_49 : vector<1280x1xi32>
    %broadcast_in_dim3A = vector.shape_cast %eq3A_50 : vector<1280x1xi1> to vector<1280x1xi1>
    %broadcast_in_dim3A_51 = vector.broadcast %broadcast_in_dim3A : vector<1280x1xi1> to vector<1280x128xi1>
    %select_n3A_52 = arith.select %broadcast_in_dim3A_51, %concatenate3A_29, %concatenate3A_32 : vector<1280x128xi1>, vector<1280x128xf32>
    %get3A_53 = arith.constant 0 : index
    %get3A_54 = arith.constant 0 : index
    %get3A_55 = vector.load %arg7[%get3A_53, %get3A_54] : memref<256x128xf32, #tpu.memory_space<vmem>>, vector<256x128xf32>
    %dot_general3A_56 = arith.constant dense<0.000000e+00> : vector<1280x128xf32>
    %dot_general3A_57 = tpu.matmul %mul3A, %get3A_55, %dot_general3A_56 {dimension_numbers = #tpu.dot_dimension_numbers<[1], [0], [0], [1], [0, 0, 1, 1], [], []>, transpose_lhs_hint = false} : vector<1280x256xf32>, vector<256x128xf32>, vector<1280x128xf32> -> vector<1280x128xf32>
    %add3A_58 = arith.addf %dot_general3A_57, %select_n3A_52 : vector<1280x128xf32>
    %get3A_59 = arith.constant 0 : index
    %get3A_60 = arith.constant 0 : index
    %get3A_61 = vector.load %arg9[%get3A_59, %get3A_60] : memref<1x128xf32, #tpu.memory_space<vmem>>, vector<1x128xf32>
    %add3A_62 = vector.broadcast %get3A_61 : vector<1x128xf32> to vector<1280x128xf32>
    %add3A_63 = arith.addf %add3A_58, %add3A_62 : vector<1280x128xf32>
    %swap3A = arith.constant 0 : index
    %swap3A_64 = arith.constant 0 : index
    %swap3A_65 = vector.load %arg10[%swap3A, %swap3A_64] : memref<1280x128xf32, #tpu.memory_space<vmem>>, vector<1280x128xf32>
    tpu.vector_store %arg10[%swap3A, %swap3A_64], %add3A_63 {strides = array<i32>} : memref<1280x128xf32, #tpu.memory_space<vmem>>, vector<1280x128xf32>,
    return
  }
  func.func @transform_0(%arg0: i32) -> (i32, i32) {
    %c0_i32 = arith.constant 0 : i32
    %c0_i32_0 = arith.constant 0 : i32
    return %arg0, %c0_i32 : i32, i32
  }
  func.func @transform_1(%arg0: i32) -> (i32, i32) {
    %c0_i32 = arith.constant 0 : i32
    %c0_i32_0 = arith.constant 0 : i32
    %c0_i32_1 = arith.constant 0 : i32
    return %c0_i32, %c0_i32_0 : i32, i32
  }
  func.func @transform_2(%arg0: i32) -> (i32, i32) {
    %c0_i32 = arith.constant 0 : i32
    %c0_i32_0 = arith.constant 0 : i32
    %c0_i32_1 = arith.constant 0 : i32
    return %c0_i32, %c0_i32_0 : i32, i32
  }
  func.func @transform_3(%arg0: i32) -> (i32, i32) {
    %c0_i32 = arith.constant 0 : i32
    %c0_i32_0 = arith.constant 0 : i32
    %c0_i32_1 = arith.constant 0 : i32
    return %c0_i32, %c0_i32_0 : i32, i32
  }
  func.func @transform_4(%arg0: i32) -> (i32, i32) {
    %c0_i32 = arith.constant 0 : i32
    %c0_i32_0 = arith.constant 0 : i32
    return %c0_i32, %arg0 : i32, i32
  }
  func.func @transform_5(%arg0: i32) -> (i32, i32) {
    %c0_i32 = arith.constant 0 : i32
    %c0_i32_0 = arith.constant 0 : i32
    return %c0_i32, %arg0 : i32, i32
  }
  func.func @transform_6(%arg0: i32) -> (i32, i32) {
    %c0_i32 = arith.constant 0 : i32
    %c0_i32_0 = arith.constant 0 : i32
    %c0_i32_1 = arith.constant 0 : i32
    return %c0_i32, %c0_i32_0 : i32, i32
  }
  func.func @transform_7(%arg0: i32) -> (i32, i32) {
    %c0_i32 = arith.constant 0 : i32
    %c0_i32_0 = arith.constant 0 : i32
    %c0_i32_1 = arith.constant 0 : i32
    return %c0_i32, %c0_i32_0 : i32, i32
  }
  func.func @transform_8(%arg0: i32) -> (i32, i32) {
    %c0_i32 = arith.constant 0 : i32
    %c0_i32_0 = arith.constant 0 : i32
    %c0_i32_1 = arith.constant 0 : i32
    return %c0_i32, %c0_i32_0 : i32, i32
  }
  func.func @transform_9(%arg0: i32) -> (i32, i32) {
    %c0_i32 = arith.constant 0 : i32
    %c0_i32_0 = arith.constant 0 : i32
    return %arg0, %c0_i32 : i32, i32
  }
}

</mosaic_0001>

<sc_bundles>
// kernel: kernel.5.cloned.1.call-start
scs
__scs_entry_jumppad:
0x0: {  	(pc) =	sbr.rel $0x88, $3  }
0x1: {  	(tag) =	ssettag $0x0;
	lr =	simm.s32 $0x1  }
0x2: {  	[smem:$0x3F91] =	sst lr;
	_ =	strace $0xD0000000  }
0x3: {  	_ = 	snop  }
0x4: {  	_ = 	snop  }
0x5: {  	_ = 	snop  }
0x6: {  	_ = 	snop  }
0x7: {  	_ = 	snop  }
__scs_overlays_trampoline_lowered:
0x8: {  	[smem:$0x3FA0] =	sst s0  }
0x9: {  	[smem:$0x3FA1] =	sst s1  }
0xa: {  	[smem:$0x3FA2] =	sst s2  }
0xb: {  	[smem:$0x3FA3] =	sst s3  }
0xc: {  	[smem:$0x3FA4] =	sst s4  }
0xd: {  	[smem:$0x3FA5] =	sst s5  }
0xe: {  	[smem:$0x3FA6] =	sst s6  }
0xf: {  	[smem:$0x3FA7] =	sst s7  }
0x10: {  	[smem:$0x3FA8] =	sst s8  }
0x11: {  	[smem:$0x3FA9] =	sst s9;
	s0 =	simm.s32 @!p0 $0x0  }
0x12: {  	s1 =	sld [smem:$0x3F8F];
	s0 =	simm.s32 @p0 $0x1  }
0x13: {  	[smem:$0x3FAA] =	sst s0;
	s0 =	simm.s32 @!p1 $0x0  }
0x14: {  	s2 =	sld [smem:$0x3F8E];
	s0 =	simm.s32 @p1 $0x1  }
0x15: {  	[smem:$0x3FAB] =	sst s0;
	s0 =	simm.s32 @!p2 $0x0  }
0x16: {  	s3 =	sld [smem:$0x3FDB];
	s0 =	simm.s32 @p2 $0x1  }
0x17: {  	s4 =	simm.s32 $0x1BF5;
	[smem:$0x3FAD] =	sst s0  }
0x18: {  	s0 =	sld [smem:$0x3F90];
	_ =	swait.ge [sflag:s4], $0x0  }
0x19: {  	s7 =	sld [smem:$0x3F91]  }
0x1a: {  	s8 =	sadd.s32 $0xFFFFE003, lr  }
0x1b: {  	s9 =	sadd.s32 $0xFFFFFEF7, lr;
	s5 =	simm.s32 $0xFFFFFFFF;
	p2 =	slt.u32 s8, $0xFFFFF086  }
0x1c: {  	p1 =	slt.u32 s9, $0xF7A;
	s5 =	simm.s32 @!p2 $0x0  }
0x1d: {  	s5 =	simm.s32 @p1 $0x1;
	p0 =	seq.s32 s7, s2  }
0x1e: {  	s7 =	smul.u32 @!p0 $0xF7A, s2;
	p2 =	seq.s32 @!p0 s5, $0x0  }
0x1f: {  	s9 =	smul.u32 $0xF7A, s1;
	s8 =	simm.s32 @!p0 $0x1BF5;
	p2 =	por !p2, p0  }
0x20: {  	[sflag:s8] =	ssyncset.s32 @!p0 $0xFFFFF086;
	s6 =	sadd.s32 @!p0 s3, s7;
	s7 =	simm.s32 @!p0 $0x108  }
0x21: {  	s3 =	sadd.s32 s3, s9;
	s6 =	sadd.s32 @!p0 $0x88, s6;
	s7 =	simm.s32 @p2 $0x1082  }
0x22: {  	[simem:s7], [sflag:s8] =	dma.local @!p0 [hbm:s6], $0xF7A  }
0x23: {  	s9 =	sor.u32 $0xD0000000, s2;
	s6 =	simm.s32 $0x108;
	_ =	swait.ge @!p0 [sflag:s8], $0x0  }
0x24: {  	s3 =	sadd.s32 $0x88, s3;
	s6 =	simm.s32 @!p1 $0x1082;
	[sflag:s4] =	ssyncset.s32 $0xFFFFF086  }
0x25: {  	[simem:s6], [sflag:s4] =	dma.local [hbm:s3], $0xF7A  }
0x26: {  	[smem:$0x3F91] =	sst s1;
	(tag) =	ssettag s2;
	_ =	strace s9  }
0x27: {  	s1 =	sld [smem:$0x3FA1]  }
0x28: {  	s2 =	sld [smem:$0x3FA2]  }
0x29: {  	s4 =	sld [smem:$0x3FA4]  }
0x2a: {  	p0 =	seq.s32 s5, $0x0;
	s5 =	sld [smem:$0x3FA5]  }
0x2b: {  	s6 =	sld [smem:$0x3FA6]  }
0x2c: {  	s7 =	sld [smem:$0x3FA7]  }
0x2d: {  	s3 =	simm.s32 $0x108;
	s8 =	sld [smem:$0x3FA8]  }
0x2e: {  	s3 =	simm.s32 @!p0 $0x1082;
	s9 =	sld [smem:$0x3FA9]  }
0x2f: {  	lr =	sadd.s32 s0, s3;
	s0 =	sld [smem:$0x3FA0]  }
0x30: {  	s3 =	sld [smem:$0x3FA3]  }
0x31: {  	[smem:$0x3FAC] =	sst s10  }
0x32: {  	s10 =	sld [smem:$0x3FAA];
	_ =	sdelay $0x3  }
0x33: {  	p0 =	seq.s32 s10, $0x1;
	s10 =	sld [smem:$0x3FAC];
	_ =	sdelay $0x3  }
0x34: {  	[smem:$0x3FAC] =	sst s10  }
0x35: {  	s10 =	sld [smem:$0x3FAB];
	_ =	sdelay $0x3  }
0x36: {  	p1 =	seq.s32 s10, $0x1;
	s10 =	sld [smem:$0x3FAC];
	_ =	sdelay $0x3  }
0x37: {  	[smem:$0x3FAC] =	sst s10  }
0x38: {  	s10 =	sld [smem:$0x3FAD]  }
0x39: {  	_ = 	snop;
	(pc) =	sbr.ind lr, $3  }
0x3a: {  	_ = 	snop  }
0x3b: {  	_ = 	snop  }
0x3c: {  	p2 =	seq.s32 s10, $0x1;
	s10 =	sld [smem:$0x3FAC]  }
0x3d: {  	_ =	shalt  }
0x3e: {  	_ =	shalt  }
0x3f: {  	_ =	shalt  }
0x40: {  	_ =	shalt  }
0x41: {  	_ =	shalt  }
0x42: {  	_ =	shalt  }
0x43: {  	_ =	shalt  }
0x44: {  	_ =	shalt  }
0x45: {  	_ =	shalt  }
0x46: {  	_ =	shalt  }
0x47: {  	_ =	shalt  }
0x48: {  	_ =	shalt  }
0x49: {  	_ =	shalt  }
0x4a: {  	_ =	shalt  }
0x4b: {  	_ =	shalt  }
0x4c: {  	_ =	shalt  }
0x4d: {  	_ =	shalt  }
0x4e: {  	_ =	shalt  }
0x4f: {  	_ =	shalt  }
0x50: {  	_ =	shalt  }
0x51: {  	_ =	shalt  }
0x52: {  	_ =	shalt  }
0x53: {  	_ =	shalt  }
0x54: {  	_ =	shalt  }
0x55: {  	_ =	shalt  }
0x56: {  	_ =	shalt  }
0x57: {  	_ =	shalt  }
0x58: {  	_ =	shalt  }
0x59: {  	_ =	shalt  }
0x5a: {  	_ =	shalt  }
0x5b: {  	_ =	shalt  }
0x5c: {  	_ =	shalt  }
0x5d: {  	_ =	shalt  }
0x5e: {  	_ =	shalt  }
0x5f: {  	_ =	shalt  }
0x60: {  	_ =	shalt  }
0x61: {  	_ =	shalt  }
0x62: {  	_ =	shalt  }
0x63: {  	_ =	shalt  }
0x64: {  	_ =	shalt  }
0x65: {  	_ =	shalt  }
0x66: {  	_ =	shalt  }
0x67: {  	_ =	shalt  }
0x68: {  	_ =	shalt  }
0x69: {  	_ =	shalt  }
0x6a: {  	_ =	shalt  }
0x6b: {  	_ =	shalt  }
0x6c: {  	_ =	shalt  }
0x6d: {  	_ =	shalt  }
0x6e: {  	_ =	shalt  }
0x6f: {  	_ =	shalt  }
0x70: {  	_ =	shalt  }
0x71: {  	_ =	shalt  }
0x72: {  	_ =	shalt  }
0x73: {  	_ =	shalt  }
0x74: {  	_ =	shalt  }
0x75: {  	_ =	shalt  }
0x76: {  	_ =	shalt  }
0x77: {  	_ =	shalt  }
0x78: {  	_ =	shalt  }
0x79: {  	_ =	shalt  }
0x7a: {  	_ =	shalt  }
0x7b: {  	_ =	shalt  }
0x7c: {  	_ =	shalt  }
0x7d: {  	_ =	shalt  }
0x7e: {  	_ =	shalt  }
0x7f: {  	_ =	shalt  }
0x80: {  	_ =	shalt  }
0x81: {  	_ =	shalt  }
0x82: {  	_ =	shalt  }
0x83: {  	_ =	shalt  }
0x84: {  	_ =	shalt  }
0x85: {  	_ =	shalt  }
0x86: {  	_ =	shalt  }
0x87: {  	_ =	shalt  }
.Lfunc_end0:
.L_simem_size_0:
called_computation_lowered:
.L_overlay_start_0:
0x88: {  	s2 =	sld [smem:$0x3FD9]  }
0x89: {  	s3 =	sld [smem:$0x3FFE];
	_ =	sdelay $0x1  }
0x8a: {  	s1 =	srdreg.scid  }
0x8b: {  	s0 =	sand.u32 $0x1, s1  }
0x8c: {  	s17 =	sshll.u32 s0, $0xA;
	s2 =	sadd.s32 s3, s2  }
0x8d: {  	s2 =	sadd.s32 s2, s17  }
0x8e: {  	[smem:$0x3FB8] =	sst s2  }
0x8f: {  	_ = 	snop  }
0x90: {  	s2 =	sld [smem:$0x3FD0];
	(tm) =	ssettm $0x1  }
0x91: {  	s18 =	sld [smem:$0x3FFB];
	_ =	sdelay $0x3  }
0x92: {  	_ =	strace s18  }
0x93: {  	s3 =	sld [smem:$0x3FFC];
	_ =	sdelay $0x3  }
0x94: {  	_ =	strace s3  }
0x95: {  	s3 =	sld [smem:$0x3FFD];
	_ =	sdelay $0x3  }
0x96: {  	_ =	strace s3  }
0x97: {  	_ =	strace $0x8FFFFFFF  }
0x98: {  	s19 =	sld [smem:$0x3FDB];
	_ =	sdelay $0x1  }
0x99: {  	s4 =	simm.s32 $_scs_section_size  }
0x9a: {  	s5 =	simm.s32 $_size__tile_overlayer_lowered;
	s6 =	simm.s32 $_tile_overlayer_lowered  }
0x9b: {  	s22 =	simm.s32 $0x1BFF;
	s21 =	sshll.u32 s6, $0x1;
	s3 =	sadd.s32 s4, s19  }
0x9c: {  	s7 =	simm.s32 $0x0;
	s20 =	sshll.u32 s5, $0x1;
	s5 =	sadd.s32 s21, s3  }
0x9d: {  	[timem:s7], [sflag:s22] =	dma.local [hbm:s5], s20  }
0x9e: {  	_ =	swait.ge [sflag:s22], s20  }
0x9f: {  	s4 =	ssub.s32 $0x0, s20;
	[sflag:s22] =	ssyncset.done $0x0  }
0xa0: {  	[sflag:s22] =	ssyncadd.s32 s4;
	_ =	sdelay $0x1  }
0xa1: {  	s23 =	simm.s32 $0x1B8B  }
0xa2: {  	_ =	swait.ge [sflag:s23], $0x1  }
0xa3: {  	[sflag:s23] =	ssyncset.done $0x0  }
0xa4: {  	s25 =	simm.s32 $0x1B8E;
	s24 =	sld [smem:$0x3FFE];
	[sflag:s23] =	ssyncadd.s32 $0xFFFFFFFF  }
0xa5: {  	s26 =	simm.s32 $execute0_lowered;
	[smem:$0x3FD2] =	sst s25  }
0xa6: {  	s5 =	sshll.u32 s26, $0x1;
	_ =	strace $0x80000046;
	[dreg:$0x1] =	wrdreg $0xFFFFFFFF  }
0xa7: {  	s28 =	simm.s32 $_size_execute0_lowered;
	s3 =	sadd.s32 s3, s5;
	[dreg:$0x0] =	wrdreg $0x0  }
0xa8: {  	s5 =	sshll.u32 s28, $0x1;
	[dreg:$0x2] =	wrdreg s3  }
0xa9: {  	[dreg:$0x3] =	wrdreg s5  }
0xaa: {  	[dreg:$0x4] =	wrdreg $0xC0  }
0xab: {  	_ =	task [dreg:s7], $0x5FFFF  }
0xac: {  	[dreg:$0x1] =	wrdreg $0xFFFFFFFF  }
0xad: {  	[dreg:$0x0] =	wrdreg $0x60  }
0xae: {  	[dreg:$0x2] =	wrdreg s2  }
0xaf: {  	[dreg:$0x3] =	wrdreg s24  }
0xb0: {  	[dreg:$0x4] =	wrdreg $0x136000  }
0xb1: {  	[dreg:$0x5] =	wrdreg $0x1D6000  }
0xb2: {  	[dreg:$0x6] =	wrdreg $0x9  }
0xb3: {  	_ =	task.clear_ibuf [dreg:s7], $0x7FFFF;
	_ =	strace $0x90000046  }
0xb4: {  	s29 =	simm.s32 $0x9;
	_ =	strace $0x80000048  }
0xb5: {  	_ =	swait.ge [sflag:s29], $0x1  }
0xb6: {  	[sflag:s29] =	ssyncadd.s32 $0xFFFFFFFF  }
0xb7: {  	_ =	strace $0x90000048  }
0xb8: {  	_ =	sfence  }
0xb9: {  	s30 =	sld [smem:$0x0];
	_ =	sdelay $0x2  }
0xba: {  	s31 =	sshll.u32 s1, $0xD;
	s1 =	sshrl.u32 s1, $0x2  }
0xbb: {  	s3 =	sand.u32 $0x4000, s31;
	s1 =	sadd.s32 s1, s30  }
0xbc: {  	s0 =	sor.u32 s3, s0;
	s1 =	sshll.u32 s1, $0x11  }
0xbd: {  	s0 =	sor.u32 s1, s0  }
0xbe: {  	s0 =	sadd.s32 $0x8F2B, s0  }
0xbf: {  	[sflag:s0] =	ssyncadd.remote.s32 $0x1  }
0xc0: {  	_ =	sfence.sel $0xFFFF  }
0xc1: {  	[dreg:$0x0] =	wrdreg $0xFFFFFFFF;
	(pc) =	sbr.abs _section_cstart, $3  }
0xc2: {  	[dreg:$0x1] =	wrdreg $0xFFFFFFFF  }
0xc3: {  	_ =	task.clear_ibuf [dreg:s7], $0x2FFFF;
	_ =	strace $0x9FFFFFFF  }
0xc4: {  	(tm) =	ssettm $0x7FFFFFFF  }
0xc5: {  	_ =	shalt  }
tec
execute0_lowered:
.L_overlay_start_1:
0x0: {  	(tag) =	ssettag $0x1  }
0x1: {  	s22 =	rddreg [dreg:$0x0]  }
0x2: {  	s0 =	rddreg [dreg:$0x1]  }
0x3: {  	s1 =	rddreg [dreg:$0x2]  }
0x4: {  	s8 =	rddreg [dreg:$0x3]  }
0x5: {  	s23 =	simm.s32 $0x0;
	s2 =	srdreg.scid;
	s9 =	stileid.u32  }
0x6: {  	[smem:$0x7FF] =	sst s23;
	s4 =	smul.u32 $0x28000, s9  }
0x7: {  	s2 =	sand.u32 $0x1, s2;
	s7 =	smul.u32 $0xA00, s9;
	s24 =	sadd.s32 $0x2600, s0  }
0x8: {  	s26 =	smul.u32 $0x5000, s9;
	_ =	strace $0x80000047;
	s3 =	ssub.s32 $0x2, s2  }
0x9: {  	s6 =	sxor.u32 $0x1, s2;
	p0 =	seq.s32 s2, $0x0;
	[smem:$0x7FB] =	sst s24  }
0xa: {  	s2 =	sshll.u32 s2, $0x9;
	s18 =	sadd.s32 s7, s8;
	[smem:$0x7FD] =	sst s26  }
0xb: {  	s2 =	sadd.s32 $0xAA00, s2;
	[smem:$0x7F2] =	sst s18  }
0xc: {  	s4 =	sshrl.u32 s4, $0x2;
	s28 =	sadd.s32 s7, s1;
	[dreg:$0x6] =	wrdreg s2  }
0xd: {  	s1 =	sadd.s32 s4, s1;
	[smem:$0x7F9] =	sst s28  }
0xe: {  	s4 =	sadd.s32 $0xA000, s28;
	[smem:$0x7E6] =	sst s1  }
0xf: {  	s25 =	smul.u32 $0x50000, s6;
	s6 =	sadd.s32 $0x14000, s28;
	[smem:$0x7E7] =	sst s4  }
0x10: {  	s9 =	sadd.s32 $0x1E000, s28;
	[smem:$0x7E8] =	sst s6  }
0x11: {  	s10 =	sadd.s32 $0x28000, s28;
	[smem:$0x7E9] =	sst s9  }
0x12: {  	s11 =	sadd.s32 $0x32000, s28;
	[smem:$0x7EA] =	sst s10  }
0x13: {  	s12 =	sadd.s32 $0x3C000, s28;
	[smem:$0x7EB] =	sst s11  }
0x14: {  	s13 =	sadd.s32 $0x46000, s28;
	[smem:$0x7EC] =	sst s12  }
0x15: {  	s14 =	sadd.s32 $0x50000, s28;
	[smem:$0x7ED] =	sst s13  }
0x16: {  	s15 =	sadd.s32 $0x5A000, s28;
	[smem:$0x7EE] =	sst s14  }
0x17: {  	s16 =	sadd.s32 $0x64000, s28;
	[smem:$0x7EF] =	sst s15  }
0x18: {  	s17 =	sadd.s32 $0x6E000, s28;
	[smem:$0x7F0] =	sst s16  }
0x19: {  	s19 =	sadd.s32 $0x78000, s28;
	[smem:$0x7F1] =	sst s17  }
0x1a: {  	s20 =	sadd.s32 $0x82000, s28;
	[smem:$0x7F6] =	sst s19  }
0x1b: {  	s29 =	simm.s32 $0x1;
	s21 =	sadd.s32 $0x8C000, s28;
	[smem:$0x7F7] =	sst s20  }
0x1c: {  	s28 =	sadd.s32 $0x96000, s28;
	s1 =	simm.s32 $0x16600;
	[smem:$0x7F8] =	sst s21  }
0x1d: {  	s5 =	sshrl.u32 s3, $0x1;
	[smem:$0x7FA] =	sst s28;
	s1 =	simm.s32 @!p0 $0x3E600  }
0x1e: {  	s3 =	ssub.s32 s3, s5;
	[smem:$0x7FC] =	sst s25;
	s0 =	sadd.s32 s1, s0  }
0x1f: {  	s3 =	smax.u32 s3, $0x1;
	[smem:$0x7F4] =	sst s0;
	s0 =	simm.s32 $0x2  }
0x20: {  	s30 =	simm.s32 $0xAA00;
	[smem:$0x7F3] =	sst s3;
	s0 =	simm.s32 @!p0 $0x1  }
0x21: {  	s31 =	simm.s32 $0x12C00;
	v0 =	vimm.f32 $0.0e+00;
	s1 =	simm.s32 $0x0;
	[smem:$0x7F5] =	sst s0  }
.LBB2_1:
0x22: {  	[smem:$0x7E5] =	sst s1;
	s0 =	simm.s32 $0x40  }
0x23: {  	[tilespmem:s0+$0xFFFFFFC0] =	vst v0  }
0x24: {  	[tilespmem:s0+$0x30] =	vst v0  }
0x25: {  	[tilespmem:s0+$0x20] =	vst v0  }
0x26: {  	[tilespmem:s0+$0x10] =	vst v0  }
0x27: {  	[tilespmem:s0+$0x0] =	vst v0  }
0x28: {  	[tilespmem:s0+$0xFFFFFFF0] =	vst v0  }
0x29: {  	s1 =	simm.s32 $0x0;
	[tilespmem:s0+$0xFFFFFFE0] =	vst v0  }
.LBB2_2:
0x2a: {  	s1 =	sadd.s32 $0x80, s1;
	[tilespmem:s0+$0xFFFFFFD0] =	vst v0;
	s0 =	sadd.s32 $0x80, s0  }
0x2b: {  	[tilespmem:s0+$0xFFFFFFC0] =	vst v0;
	p0 =	slt.u32 s1, $0x9F80  }
0x2c: {  	[tilespmem:s0+$0x30] =	vst v0  }
.Ltmp0:
0x2d: {  	[tilespmem:s0+$0x20] =	vst v0;
	(pc) =	sbr.rel @p0 .LBB2_2-.Ltmp0, $4  }
0x2e: {  	[tilespmem:s0+$0x10] =	vst v0  }
0x2f: {  	[tilespmem:s0+$0x0] =	vst v0  }
0x30: {  	[tilespmem:s0+$0xFFFFFFF0] =	vst v0  }
0x31: {  	[tilespmem:s0+$0xFFFFFFE0] =	vst v0  }
0x32: {  	[tilespmem:s0+$0xFFFFFFD0] =	vst v0;
	s0 =	simm.s32 $0x0;
	s1 =	simm.s32 $0x0  }
.LBB2_4:
0x33: {  	s2 =	smul.u32 $0xA00, s1;
	_ =	sdelay $0x1  }
0x34: {  	s2 =	sadd.s32 s26, s2  }
0x35: {  	s3 =	sadd.s32 s25, s2  }
0x36: {  	s3 =	sshrl.u32 s3, $0x3  }
0x37: {  	s4 =	simm.s32 $0xA000;
	s3 =	sadd.s32 s24, s3  }
0x38: {  	[tilespmem:s4], [sflag:$0x1] =	stream.linear.gather [hbm4b:s3+s0], $0xA00, $0x38;
	[tilespmem:$0x1E000] =	vst v63  }
0x39: {  	_ =	swait.ge [sflag:s29], $0xA00  }
0x3a: {  	[sflag:s29] =	ssyncset.done $0x0  }
0x3b: {  	s2 =	sadd.s32 s22, s2;
	[sflag:s29] =	ssyncadd.s32 $0xFFFFF600  }
0x3c: {  	[tilespmem:s30], [sflag:$0x1] =	stream.linear.gather [hbm4b:s2+s0], $0x5000, $0x38;
	[tilespmem:$0x1E000] =	vst v63  }
0x3d: {  	s15 =	simm.s32 $0x0;
	_ =	swait.ge [sflag:s29], $0x5000  }
0x3e: {  	s16 =	sand.u32 $0x7C00, s0;
	s9 =	sand.u32 $0x40, s15;
	s6 =	rddreg [dreg:$0x6]  }
0x3f: {  	s12 =	sor.u32 $0x30, s9;
	[sflag:s29] =	ssyncset.done $0x0;
	s13 =	sadd.s32 s16, s6  }
0x40: {  	[sflag:s29] =	ssyncadd.s32 $0xFFFFB000;
	s3 =	sadd.s32 s12, s13  }
0x41: {  	v1 =	vld [tilespmem:s3+$0x0];
	_ =	sdelay $0x4  }
0x42: {  	s10 =	sor.u32 $0x10, s9;
	v1 =	vmul.f32 $1.442695020e+00, v1  }
0x43: {  	s2 =	sand.u32 $0xF80, s15;
	s17 =	sadd.s32 s10, s13  }
0x44: {  	s2 =	sor.u32 $0xA000, s2;
	v2 =	vld [tilespmem:s17+$0x0];
	(erf) = vpow2.f32 v1  }
0x45: {  	s18 =	sor.u32 s12, s2  }
0x46: {  	s11 =	sor.u32 $0x20, s9;
	v1 =	vld [tilespmem:s18+$0x0]  }
0x47: {  	s19 =	sadd.s32 s11, s13  }
0x48: {  	v3 =	vld [tilespmem:s19+$0x0]  }
0x49: {  	s20 =	sadd.s32 s9, s13;
	v2 =	vmul.f32 $1.442695020e+00, v2  }
0x4a: {  	v4 =	vld [tilespmem:s20+$0x0];
	_ =	sdelay $0x1  }
0x4b: {  	s21 =	sor.u32 s10, s2  }
0x4c: {  	v5 =	vld [tilespmem:s21+$0x0];
	s28 =	sadd.s32 $0x80, s13;
	v3 =	vmul.f32 $1.442695020e+00, v3;
	(erf) = vpow2.f32 v2;
	v2 =	vpop (erf)  }
0x4d: {  	s5 =	sadd.s32 s12, s28;
	[tilespmem:v1+s23+$0x0] =	vst.idx.add.f32.msk $0xffff, v2  }
0x4e: {  	(erf) = vpow2.f32 v3;
	v2 =	vmul.f32 $1.442695020e+00, v4;
	v3 =	vld [tilespmem:s5+$0x0]  }
0x4f: {  	s2 =	sor.u32 s11, s2  }
0x50: {  	v6 =	vld [tilespmem:s2+$0x0];
	(erf) = vpow2.f32 v2;
	_ =	sdelay $0x1  }
0x51: {  	v2 =	vld [tilespmem:s4+$0x0]  }
0x52: {  	v3 =	vmul.f32 $1.442695020e+00, v3;
	_ =	sdelay $0x1  }
0x53: {  	v4 =	vpop (erf);
	(erf) = vpow2.f32 v3  }
0x54: {  	s7 =	sadd.s32 s10, s28;
	[tilespmem:v5+s23+$0x0] =	vst.idx.add.f32.msk $0xffff, v4  }
0x55: {  	v4 =	vld [tilespmem:s7+$0x0];
	v3 =	vpop (erf)  }
0x56: {  	s8 =	sadd.s32 s11, s28;
	[tilespmem:v6+s23+$0x0] =	vst.idx.add.f32.msk $0xffff, v3  }
0x57: {  	v3 =	vpop (erf);
	v7 =	vld [tilespmem:s8+$0x0]  }
0x58: {  	s14 =	sadd.s32 s9, s28;
	s7 =	simm.s32 $0x40;
	[tilespmem:v2+s23+$0x0] =	vst.idx.add.f32.msk $0xffff, v3;
	v3 =	vadd.s32 $0x2800, v1;
	s8 =	simm.s32 $0x200  }
0x59: {  	s2 =	sand.u32 $0x40, s7;
	v8 =	vld [tilespmem:s14+$0x0];
	s15 =	sand.u32 $0x7C00, s8  }
0x5a: {  	s4 =	sor.u32 $0x30, s2;
	v4 =	vmul.f32 $1.442695020e+00, v4;
	s3 =	sadd.s32 s15, s6  }
0x5b: {  	s16 =	sadd.s32 s4, s3  }
0x5c: {  	(erf) = vpow2.f32 v4;
	s14 =	sadd.s32 $0x100, s13;
	v4 =	vld [tilespmem:s16+$0x0];
	v7 =	vmul.f32 $1.442695020e+00, v7;
	v9 =	vpop (erf)  }
0x5d: {  	s17 =	sadd.s32 s12, s14;
	[tilespmem:v3+s23+$0x0] =	vst.idx.add.f32.msk $0xffff, v9  }
0x5e: {  	s5 =	sor.u32 $0x10, s2;
	v8 =	vmul.f32 $1.442695020e+00, v8;
	(erf) = vpow2.f32 v7;
	v7 =	vld [tilespmem:s17+$0x0]  }
0x5f: {  	s15 =	sadd.s32 s5, s3  }
0x60: {  	v10 =	vld [tilespmem:s15+$0x0];
	(erf) = vpow2.f32 v8  }
0x61: {  	v4 =	vmul.f32 $1.442695020e+00, v4  }
0x62: {  	s6 =	sor.u32 $0x20, s2;
	s20 =	sadd.s32 s2, s3  }
0x63: {  	s19 =	sand.u32 $0xF80, s7;
	s16 =	sadd.s32 s6, s3;
	v13 =	vld [tilespmem:s20+$0x0];
	v9 =	vadd.s32 $0x2800, v5;
	(erf) = vpow2.f32 v4;
	v4 =	vmul.f32 $1.442695020e+00, v7  }
0x64: {  	v12 =	vadd.s32 $0x2800, v6;
	s18 =	simm.s32 $0xA040;
	s15 =	sor.u32 $0xA000, s19;
	v11 =	vld [tilespmem:s16+$0x0]  }
0x65: {  	v14 =	vadd.s32 $0x2800, v2;
	s21 =	sor.u32 s4, s15;
	s28 =	sor.u32 s5, s15;
	s15 =	sor.u32 s6, s15;
	v3 =	vld [tilespmem:s18+$0x0];
	(erf) = vpow2.f32 v4;
	v4 =	vmul.f32 $1.442695020e+00, v10  }
0x66: {  	v17 =	vld [tilespmem:s15+$0x0]  }
0x67: {  	v8 =	vld [tilespmem:s21+$0x0];
	v15 =	vpop (erf)  }
0x68: {  	[tilespmem:v9+s23+$0x0] =	vst.idx.add.f32.msk $0xffff, v15;
	v9 =	vpop (erf)  }
0x69: {  	(erf) = vpow2.f32 v4;
	[tilespmem:v12+s23+$0x0] =	vst.idx.add.f32.msk $0xffff, v9;
	v4 =	vpop (erf)  }
0x6a: {  	v9 =	vmul.f32 $1.442695020e+00, v11;
	[tilespmem:v14+s23+$0x0] =	vst.idx.add.f32.msk $0xffff, v4;
	v4 =	vmul.f32 $1.442695020e+00, v13  }
0x6b: {  	s16 =	sadd.s32 s10, s14;
	v7 =	vld [tilespmem:s28+$0x0]  }
0x6c: {  	s17 =	sadd.s32 s11, s14;
	v10 =	vld [tilespmem:s16+$0x0];
	(erf) = vpow2.f32 v9;
	v9 =	vadd.s32 $0x5000, v1  }
0x6d: {  	s14 =	sadd.s32 s9, s14;
	v11 =	vld [tilespmem:s17+$0x0]  }
0x6e: {  	s18 =	sadd.s32 $0x80, s3;
	v12 =	vld [tilespmem:s14+$0x0];
	(erf) = vpow2.f32 v4;
	v4 =	vpop (erf)  }
0x6f: {  	s19 =	sadd.s32 s4, s18;
	[tilespmem:v8+s23+$0x0] =	vst.idx.add.f32.msk $0xffff, v4  }
0x70: {  	s13 =	sadd.s32 $0x180, s13;
	v4 =	vpop (erf);
	v13 =	vld [tilespmem:s19+$0x0]  }
0x71: {  	s12 =	sadd.s32 s12, s13;
	[tilespmem:v9+s23+$0x0] =	vst.idx.add.f32.msk $0xffff, v4  }
0x72: {  	v15 =	vld [tilespmem:s12+$0x0]  }
0x73: {  	v14 =	vmul.f32 $1.442695020e+00, v10;
	v10 =	vadd.s32 $0x5000, v6;
	v9 =	vadd.s32 $0x5000, v5;
	v16 =	vpop (erf)  }
0x74: {  	s20 =	sadd.s32 s5, s18;
	v4 =	vadd.s32 $0x7800, v5;
	v5 =	vadd.s32 $0x7800, v6;
	v6 =	vmul.f32 $1.442695020e+00, v11;
	[tilespmem:v7+s23+$0x0] =	vst.idx.add.f32.msk $0xffff, v16  }
0x75: {  	(erf) = vpow2.f32 v14;
	v14 =	vadd.s32 $0x5000, v7;
	v12 =	vmul.f32 $1.442695020e+00, v12;
	v16 =	vld [tilespmem:s20+$0x0];
	v18 =	vpop (erf)  }
0x76: {  	s21 =	sadd.s32 s6, s18;
	v11 =	vadd.s32 $0x2800, v7;
	(erf) = vpow2.f32 v6;
	[tilespmem:v17+s23+$0x0] =	vst.idx.add.f32.msk $0xffff, v18;
	v13 =	vmul.f32 $1.442695020e+00, v13  }
0x77: {  	v6 =	vadd.s32 $0x7800, v7;
	(erf) = vpow2.f32 v12;
	v18 =	vld [tilespmem:s21+$0x0];
	v7 =	vpop (erf);
	v20 =	vmul.f32 $1.442695020e+00, v15  }
0x78: {  	s15 =	sadd.s32 s9, s13;
	s28 =	sadd.s32 s2, s18;
	v12 =	vadd.s32 $0x2800, v17;
	v15 =	vadd.s32 $0x5000, v17;
	[tilespmem:v3+s23+$0x0] =	vst.idx.add.f32.msk $0xffff, v7;
	(erf) = vpow2.f32 v13  }
0x79: {  	s9 =	simm.s32 $0xA080;
	s16 =	sadd.s32 s11, s13;
	s14 =	sadd.s32 s10, s13;
	v7 =	vadd.s32 $0x7800, v17;
	v17 =	vadd.s32 $0x5000, v2;
	v19 =	vld [tilespmem:s28+$0x0];
	(erf) = vpow2.f32 v20  }
.LBB2_5:
0x7a: {  	_ =	sdelay $0x3  }
0x7b: {  	v13 =	vld [tilespmem:s9+$0x0];
	v20 =	vpop (erf)  }
0x7c: {  	v16 =	vmul.f32 $1.442695020e+00, v16;
	[tilespmem:v9+s23+$0x0] =	vst.idx.add.f32.msk $0xffff, v20;
	v20 =	vpop (erf)  }
0x7d: {  	v9 =	vmov v14;
	v14 =	vmul.f32 $1.442695020e+00, v18;
	[tilespmem:v10+s23+$0x0] =	vst.idx.add.f32.msk $0xffff, v20;
	v18 =	vpop (erf)  }
0x7e: {  	s7 =	sadd.s32 $0x40, s7;
	s8 =	sadd.s32 $0x200, s8;
	v10 =	vmovc v15;
	v15 =	vmul.f32 $1.442695020e+00, v19;
	v19 =	vadd.s32 $0x2800, v8;
	(erf) = vpow2.f32 v16;
	[tilespmem:v17+s23+$0x0] =	vst.idx.add.f32.msk $0xffff, v18  }
0x7f: {  	s12 =	rddreg [dreg:$0x6];
	s10 =	sand.u32 $0x40, s7;
	s11 =	sand.u32 $0x7C00, s8;
	v16 =	vadd.s32 $0x7800, v1;
	(erf) = vpow2.f32 v14;
	v14 =	vld [tilespmem:s14+$0x0]  }
0x80: {  	v1 =	vmov v8;
	s14 =	sadd.s32 s11, s12;
	s11 =	sor.u32 $0x30, s10;
	v8 =	vld [tilespmem:s16+$0x0]  }
0x81: {  	(erf) = vpow2.f32 v15;
	s17 =	sadd.s32 s11, s14;
	v15 =	vld [tilespmem:s15+$0x0]  }
0x82: {  	v18 =	vpop (erf);
	v17 =	vld [tilespmem:s17+$0x0]  }
0x83: {  	s28 =	sadd.s32 $0x100, s3;
	[tilespmem:v19+s23+$0x0] =	vst.idx.add.f32.msk $0xffff, v18;
	v18 =	vpop (erf)  }
0x84: {  	s21 =	sadd.s32 s4, s28;
	[tilespmem:v16+s23+$0x0] =	vst.idx.add.f32.msk $0xffff, v18  }
0x85: {  	s12 =	sor.u32 $0x10, s10;
	s15 =	sadd.s32 s10, s14;
	v14 =	vmul.f32 $1.442695020e+00, v14;
	v16 =	vld [tilespmem:s21+$0x0]  }
0x86: {  	s13 =	sor.u32 $0x20, s10;
	s16 =	sadd.s32 s12, s14;
	v21 =	vld [tilespmem:s15+$0x0];
	v8 =	vmul.f32 $1.442695020e+00, v8  }
0x87: {  	s18 =	sadd.s32 s13, s14;
	v18 =	vld [tilespmem:s16+$0x0];
	v15 =	vmul.f32 $1.442695020e+00, v15;
	(erf) = vpow2.f32 v14  }
0x88: {  	s19 =	sadd.s32 s2, s28;
	v19 =	vadd.s32 $0x2800, v3;
	v14 =	vld [tilespmem:s18+$0x0];
	s18 =	sand.u32 $0xF80, s7;
	v20 =	vpop (erf);
	(erf) = vpow2.f32 v8;
	v8 =	vmul.f32 $1.442695020e+00, v17  }
0x89: {  	s20 =	sadd.s32 s5, s28;
	s17 =	sadd.s32 s6, s28;
	s15 =	sor.u32 $0xA000, s18;
	v17 =	vpop (erf);
	(erf) = vpow2.f32 v15;
	[tilespmem:v11+s23+$0x0] =	vst.idx.add.f32.msk $0xffff, v20  }
0x8a: {  	s21 =	sor.u32 s12, s15;
	s28 =	sor.u32 s13, s15;
	s15 =	sor.u32 s11, s15;
	v11 =	vpop (erf);
	(erf) = vpow2.f32 v8;
	[tilespmem:v12+s23+$0x0] =	vst.idx.add.f32.msk $0xffff, v17;
	v12 =	vmul.f32 $1.442695020e+00, v16  }
0x8b: {  	v8 =	vld [tilespmem:s15+$0x0]  }
0x8c: {  	v15 =	vmul.f32 $1.442695020e+00, v18;
	v18 =	vld [tilespmem:s20+$0x0];
	(erf) = vpow2.f32 v12  }
0x8d: {  	[tilespmem:v19+s23+$0x0] =	vst.idx.add.f32.msk $0xffff, v11;
	v11 =	vmul.f32 $1.442695020e+00, v14  }
0x8e: {  	v16 =	vld [tilespmem:s21+$0x0];
	v14 =	vmul.f32 $1.442695020e+00, v21;
	(erf) = vpow2.f32 v15  }
0x8f: {  	v17 =	vld [tilespmem:s28+$0x0];
	(erf) = vpow2.f32 v11  }
0x90: {  	v19 =	vld [tilespmem:s17+$0x0];
	(erf) = vpow2.f32 v14;
	v12 =	vpop (erf)  }
0x91: {  	v22 =	vadd.s32 $0x5000, v1;
	v61 =	vld [tilespmem:s19+$0x0];
	v20 =	vpop (erf)  }
0x92: {  	[tilespmem:v4+s23+$0x0] =	vst.idx.add.f32.msk $0xffff, v12;
	v23 =	vpop (erf)  }
0x93: {  	s16 =	sadd.s32 $0x80, s14;
	[tilespmem:v5+s23+$0x0] =	vst.idx.add.f32.msk $0xffff, v20;
	v25 =	vpop (erf)  }
0x94: {  	s19 =	sadd.s32 s11, s16;
	[tilespmem:v8+s23+$0x0] =	vst.idx.add.f32.msk $0xffff, v25  }
0x95: {  	s21 =	sadd.s32 $0x180, s3;
	v20 =	vld [tilespmem:s19+$0x0];
	v24 =	vpop (erf)  }
0x96: {  	s28 =	sadd.s32 s4, s21;
	[tilespmem:v22+s23+$0x0] =	vst.idx.add.f32.msk $0xffff, v24  }
0x97: {  	v63 =	vadd.s32 $0x7800, v2;
	v62 =	vpop (erf);
	v22 =	vld [tilespmem:s28+$0x0]  }
0x98: {  	v27 =	vmul.f32 $1.442695020e+00, v18;
	v11 =	vadd.s32 $0x2800, v16;
	v14 =	vadd.s32 $0x5000, v16;
	v18 =	vpop (erf);
	[tilespmem:v16+s23+$0x0] =	vst.idx.add.f32.msk $0xffff, v62  }
0x99: {  	p0 =	slt.u32 s7, $0x9C0;
	v19 =	vmul.f32 $1.442695020e+00, v19;
	v4 =	vmov v6;
	v6 =	vadd.s32 $0x7800, v16;
	v16 =	vpop (erf);
	[tilespmem:v17+s23+$0x0] =	vst.idx.add.f32.msk $0xffff, v18  }
.Ltmp1:
0x9a: {  	s18 =	sadd.s32 s12, s16;
	v21 =	vmul.f32 $1.442695020e+00, v61;
	(erf) = vpow2.f32 v27;
	[tilespmem:v13+s23+$0x0] =	vst.idx.add.f32.msk $0xffff, v16;
	(pc) =	sbr.rel @p0 .LBB2_5-.Ltmp1, $4  }
0x9b: {  	v2 =	vmovc v3;
	s9 =	sadd.s32 $0x40, s9;
	v3 =	vmov v13;
	s20 =	sadd.s32 s13, s16;
	(erf) = vpow2.f32 v19;
	v16 =	vld [tilespmem:s18+$0x0];
	v13 =	vmul.f32 $1.442695020e+00, v20  }
0x9c: {  	s17 =	sadd.s32 s10, s16;
	s3 =	smov.u32 s14;
	s15 =	sadd.s32 s2, s21;
	(erf) = vpow2.f32 v21;
	v18 =	vld [tilespmem:s20+$0x0];
	v20 =	vmul.f32 $1.442695020e+00, v22  }
0x9d: {  	s14 =	sadd.s32 s5, s21;
	s16 =	sadd.s32 s6, s21;
	s2 =	smov.u32 s10;
	v15 =	vadd.s32 $0x5000, v17;
	v26 =	vadd.s32 $0x7800, v17;
	v19 =	vld [tilespmem:s17+$0x0];
	(erf) = vpow2.f32 v13  }
0x9e: {  	s5 =	smov.u32 s12;
	s4 =	smov.u32 s11;
	s6 =	smov.u32 s13;
	v12 =	vadd.s32 $0x2800, v17;
	v5 =	vmovc v7;
	v7 =	vmovc v26;
	v17 =	vadd.s32 $0x5000, v2;
	[tilespmem:v63+s23+$0x0] =	vst.idx.add.f32.msk $0xffff, v23;
	(erf) = vpow2.f32 v20  }
0x9f: {  	_ = 	snop  }
0xa0: {  	v13 =	vmul.f32 $1.442695020e+00, v16  }
0xa1: {  	v29 =	vmul.f32 $1.442695020e+00, v18  }
0xa2: {  	(erf) = vpow2.f32 v13  }
0xa3: {  	v31 =	vpop (erf);
	(erf) = vpow2.f32 v29  }
0xa4: {  	v30 =	vmul.f32 $1.442695020e+00, v19;
	[tilespmem:v9+s23+$0x0] =	vst.idx.add.f32.msk $0xffff, v31;
	v32 =	vpop (erf)  }
0xa5: {  	v34 =	vadd.s32 $0x2800, v8;
	[tilespmem:v10+s23+$0x0] =	vst.idx.add.f32.msk $0xffff, v32  }
0xa6: {  	(erf) = vpow2.f32 v30;
	v33 =	vpop (erf);
	v35 =	vld [tilespmem:s14+$0x0]  }
0xa7: {  	[tilespmem:v17+s23+$0x0] =	vst.idx.add.f32.msk $0xffff, v33  }
0xa8: {  	v36 =	vld [tilespmem:s16+$0x0]  }
0xa9: {  	s7 =	sadd.s32 $0x100, s3;
	v38 =	vpop (erf);
	v37 =	vld [tilespmem:s15+$0x0]  }
0xaa: {  	s8 =	sadd.s32 s4, s7;
	[tilespmem:v34+s23+$0x0] =	vst.idx.add.f32.msk $0xffff, v38;
	v40 =	vpop (erf)  }
0xab: {  	v39 =	vadd.s32 $0x2800, v3;
	v17 =	vld [tilespmem:s8+$0x0];
	v41 =	vpop (erf)  }
0xac: {  	[tilespmem:v11+s23+$0x0] =	vst.idx.add.f32.msk $0xffff, v41;
	v42 =	vpop (erf)  }
0xad: {  	s17 =	sadd.s32 s5, s7;
	[tilespmem:v12+s23+$0x0] =	vst.idx.add.f32.msk $0xffff, v42  }
0xae: {  	s9 =	sadd.s32 s6, s7;
	v9 =	vmul.f32 $1.442695020e+00, v35;
	v44 =	vld [tilespmem:s17+$0x0]  }
0xaf: {  	v45 =	vmul.f32 $1.442695020e+00, v36;
	v43 =	vpop (erf);
	v46 =	vld [tilespmem:s9+$0x0]  }
0xb0: {  	s7 =	sadd.s32 s2, s7;
	v16 =	vmul.f32 $1.442695020e+00, v37;
	(erf) = vpow2.f32 v9;
	[tilespmem:v39+s23+$0x0] =	vst.idx.add.f32.msk $0xffff, v43  }
0xb1: {  	(erf) = vpow2.f32 v45;
	v48 =	vmul.f32 $1.442695020e+00, v17;
	v47 =	vld [tilespmem:s7+$0x0]  }
0xb2: {  	(erf) = vpow2.f32 v16  }
0xb3: {  	(erf) = vpow2.f32 v48;
	v11 =	vmul.f32 $1.442695020e+00, v44  }
0xb4: {  	v49 =	vmul.f32 $1.442695020e+00, v46  }
0xb5: {  	(erf) = vpow2.f32 v11  }
0xb6: {  	v9 =	vmul.f32 $1.442695020e+00, v47;
	(erf) = vpow2.f32 v49;
	_ =	sdelay $0x1  }
0xb7: {  	v50 =	vadd.s32 $0x5000, v8;
	(erf) = vpow2.f32 v9  }
0xb8: {  	v51 =	vpop (erf)  }
0xb9: {  	v52 =	vpop (erf)  }
0xba: {  	v53 =	vpop (erf)  }
0xbb: {  	s18 =	sadd.s32 $0x180, s3;
	v54 =	vpop (erf)  }
0xbc: {  	v55 =	vadd.s32 $0x5000, v3;
	s19 =	sadd.s32 s4, s18;
	[tilespmem:v50+s23+$0x0] =	vst.idx.add.f32.msk $0xffff, v54  }
0xbd: {  	v9 =	vld [tilespmem:s19+$0x0];
	v56 =	vpop (erf)  }
0xbe: {  	[tilespmem:v14+s23+$0x0] =	vst.idx.add.f32.msk $0xffff, v56;
	v57 =	vpop (erf)  }
0xbf: {  	s20 =	sadd.s32 s5, s18;
	[tilespmem:v15+s23+$0x0] =	vst.idx.add.f32.msk $0xffff, v57  }
0xc0: {  	v58 =	vpop (erf);
	v59 =	vld [tilespmem:s20+$0x0]  }
0xc1: {  	s21 =	sadd.s32 s6, s18;
	[tilespmem:v55+s23+$0x0] =	vst.idx.add.f32.msk $0xffff, v58  }
0xc2: {  	s28 =	sadd.s32 s2, s18;
	v15 =	vld [tilespmem:s21+$0x0]  }
0xc3: {  	v60 =	vld [tilespmem:s28+$0x0];
	_ =	sdelay $0x1  }
0xc4: {  	v9 =	vmul.f32 $1.442695020e+00, v9  }
0xc5: {  	v14 =	vmul.f32 $1.442695020e+00, v59  }
0xc6: {  	(erf) = vpow2.f32 v9;
	v61 =	vmul.f32 $1.442695020e+00, v15  }
0xc7: {  	v1 =	vadd.s32 $0x7800, v1;
	v62 =	vmul.f32 $1.442695020e+00, v60;
	(erf) = vpow2.f32 v14  }
0xc8: {  	(erf) = vpow2.f32 v61  }
0xc9: {  	(erf) = vpow2.f32 v62  }
0xca: {  	v2 =	vadd.s32 $0x7800, v2  }
0xcb: {  	v63 =	vadd.s32 $0x7800, v8  }
0xcc: {  	[tilespmem:v1+s23+$0x0] =	vst.idx.add.f32.msk $0xffff, v40  }
0xcd: {  	s1 =	sadd.s32 $0x1, s1;
	[tilespmem:v4+s23+$0x0] =	vst.idx.add.f32.msk $0xffff, v51  }
0xce: {  	p0 =	sne.s32 s1, $0x8;
	v1 =	vadd.s32 $0x7800, v3;
	[tilespmem:v5+s23+$0x0] =	vst.idx.add.f32.msk $0xffff, v52  }
.Ltmp2:
0xcf: {  	[tilespmem:v2+s23+$0x0] =	vst.idx.add.f32.msk $0xffff, v53;
	v2 =	vpop (erf);
	(pc) =	sbr.rel @p0 .LBB2_4-.Ltmp2, $4  }
0xd0: {  	[tilespmem:v63+s23+$0x0] =	vst.idx.add.f32.msk $0xffff, v2;
	v2 =	vpop (erf)  }
0xd1: {  	v3 =	vpop (erf);
	[tilespmem:v6+s23+$0x0] =	vst.idx.add.f32.msk $0xffff, v2  }
0xd2: {  	v2 =	vpop (erf);
	[tilespmem:v7+s23+$0x0] =	vst.idx.add.f32.msk $0xffff, v3  }
0xd3: {  	[tilespmem:v1+s23+$0x0] =	vst.idx.add.f32.msk $0xffff, v2  }
0xd4: {  	s0 =	sld [smem:$0x7E6];
	_ =	sdelay $0x2  }
0xd5: {  	[spmem:s0] =	stream.linear.scatter [tilespmem:s23], [sflag:$0x1], $0xA000, $0x38;
	[tilespmem:$0x1E000] =	vst v63  }
0xd6: {  	_ =	swait.ge [sflag:s29], $0xA000  }
0xd7: {  	[sflag:s29] =	ssyncset.done $0x0  }
0xd8: {  	[sflag:s29] =	ssyncadd.s32 $0xFFFF6000  }
0xd9: {  	[bflag:$0x0] =	sbarrier.arrive $0xFFFF  }
0xda: {  	s21 =	sld [smem:$0x7F9];
	_ =	sdelay $0x2  }
0xdb: {  	[tilespmem:s31], [sflag:$0x1] =	stream.linear.gather [spmem:s21], $0xA00, $0x38;
	[tilespmem:$0x1E000] =	vst v63  }
0xdc: {  	_ =	swait.ge [sflag:s29], $0xA00  }
0xdd: {  	s28 =	sld [smem:$0x7E7]  }
0xde: {  	[sflag:s29] =	ssyncset.done $0x0  }
0xdf: {  	s4 =	simm.s32 $0x12200;
	[sflag:s29] =	ssyncadd.s32 $0xFFFFF600  }
0xe0: {  	[tilespmem:s4], [sflag:$0x1] =	stream.linear.gather [spmem:s28], $0xA00, $0x38;
	[tilespmem:$0x1E000] =	vst v63  }
0xe1: {  	_ =	swait.ge [sflag:s29], $0xA00  }
0xe2: {  	[sflag:s29] =	ssyncset.done $0x0  }
0xe3: {  	s0 =	simm.s32 $0x12C20;
	[sflag:s29] =	ssyncadd.s32 $0xFFFFF600  }
0xe4: {  	s1 =	simm.s32 $0x12220;
	v6 =	vld [tilespmem:s0+$0x10]  }
0xe5: {  	v7 =	vld [tilespmem:s1+$0x10]  }
0xe6: {  	v3 =	vld [tilespmem:s1+$0xFFFFFFE0]  }
0xe7: {  	v1 =	vld [tilespmem:s0+$0xFFFFFFF0]  }
0xe8: {  	v5 =	vld [tilespmem:s1+$0xFFFFFFF0]  }
0xe9: {  	v2 =	vld [tilespmem:s0+$0x0]  }
0xea: {  	v4 =	vld [tilespmem:s1+$0x0];
	v7 =	vadd.f32 v7, v6  }
0xeb: {  	s2 =	simm.s32 $0x0;
	s3 =	simm.s32 $0x12C60;
	v6 =	vld [tilespmem:s0+$0xFFFFFFE0]  }
.LBB2_8:
0xec: {  	v8 =	vld [tilespmem:s3+$0x10];
	[tilespmem:s0+$0x10] =	vst v7;
	s1 =	sadd.s32 $0x40, s1  }
0xed: {  	s2 =	sadd.s32 $0x40, s2;
	v7 =	vld [tilespmem:s1+$0x10];
	v5 =	vadd.f32 v5, v1  }
0xee: {  	p0 =	slt.u32 s2, $0x9C0;
	v9 =	vld [tilespmem:s1+$0xFFFFFFE0]  }
.Ltmp3:
0xef: {  	v1 =	vld [tilespmem:s3+$0xFFFFFFF0];
	[tilespmem:s0+$0xFFFFFFF0] =	vst v5;
	v4 =	vadd.f32 v4, v2;
	(pc) =	sbr.rel @p0 .LBB2_8-.Ltmp3, $4  }
0xf0: {  	v5 =	vld [tilespmem:s1+$0xFFFFFFF0];
	v10 =	vadd.f32 v3, v6  }
0xf1: {  	v2 =	vld [tilespmem:s3+$0x0];
	[tilespmem:s0+$0x0] =	vst v4  }
0xf2: {  	v4 =	vld [tilespmem:s1+$0x0];
	v7 =	vadd.f32 v7, v8;
	[tilespmem:s0+$0xFFFFFFE0] =	vst v10;
	s0 =	smov.u32 s3  }
0xf3: {  	s3 =	sadd.s32 $0x40, s3;
	v6 =	vld [tilespmem:s0+$0xFFFFFFE0];
	v3 =	vmov v9  }
0xf4: {  	_ =	sdelay $0x1  }
0xf5: {  	v1 =	vadd.f32 v5, v1  }
0xf6: {  	[tilespmem:s0+$0x10] =	vst v7;
	v2 =	vadd.f32 v4, v2  }
0xf7: {  	[tilespmem:s0+$0xFFFFFFF0] =	vst v1;
	v1 =	vadd.f32 v3, v6  }
0xf8: {  	[tilespmem:s0+$0x0] =	vst v2  }
0xf9: {  	[tilespmem:s0+$0xFFFFFFE0] =	vst v1  }
0xfa: {  	s0 =	sld [smem:$0x7E8];
	_ =	sdelay $0x2  }
0xfb: {  	[tilespmem:s4], [sflag:$0x1] =	stream.linear.gather [spmem:s0], $0xA00, $0x38;
	[tilespmem:$0x1E000] =	vst v63  }
0xfc: {  	_ =	swait.ge [sflag:s29], $0xA00  }
0xfd: {  	[sflag:s29] =	ssyncset.done $0x0  }
0xfe: {  	s0 =	simm.s32 $0x12C20;
	[sflag:s29] =	ssyncadd.s32 $0xFFFFF600  }
0xff: {  	s1 =	simm.s32 $0x12220;
	v6 =	vld [tilespmem:s0+$0x10]  }
0x100: {  	v7 =	vld [tilespmem:s1+$0x10]  }
0x101: {  	v3 =	vld [tilespmem:s1+$0xFFFFFFE0]  }
0x102: {  	v1 =	vld [tilespmem:s0+$0xFFFFFFF0]  }
0x103: {  	v5 =	vld [tilespmem:s1+$0xFFFFFFF0]  }
0x104: {  	v2 =	vld [tilespmem:s0+$0x0]  }
0x105: {  	v4 =	vld [tilespmem:s1+$0x0];
	v7 =	vadd.f32 v7, v6  }
0x106: {  	s2 =	simm.s32 $0x0;
	s3 =	simm.s32 $0x12C60;
	v6 =	vld [tilespmem:s0+$0xFFFFFFE0]  }
.LBB2_10:
0x107: {  	v8 =	vld [tilespmem:s3+$0x10];
	[tilespmem:s0+$0x10] =	vst v7;
	s1 =	sadd.s32 $0x40, s1  }
0x108: {  	s2 =	sadd.s32 $0x40, s2;
	v7 =	vld [tilespmem:s1+$0x10];
	v5 =	vadd.f32 v5, v1  }
0x109: {  	p0 =	slt.u32 s2, $0x9C0;
	v9 =	vld [tilespmem:s1+$0xFFFFFFE0]  }
.Ltmp4:
0x10a: {  	v1 =	vld [tilespmem:s3+$0xFFFFFFF0];
	[tilespmem:s0+$0xFFFFFFF0] =	vst v5;
	v4 =	vadd.f32 v4, v2;
	(pc) =	sbr.rel @p0 .LBB2_10-.Ltmp4, $4  }
0x10b: {  	v5 =	vld [tilespmem:s1+$0xFFFFFFF0];
	v10 =	vadd.f32 v3, v6  }
0x10c: {  	v2 =	vld [tilespmem:s3+$0x0];
	[tilespmem:s0+$0x0] =	vst v4  }
0x10d: {  	v4 =	vld [tilespmem:s1+$0x0];
	v7 =	vadd.f32 v7, v8;
	[tilespmem:s0+$0xFFFFFFE0] =	vst v10;
	s0 =	smov.u32 s3  }
0x10e: {  	s3 =	sadd.s32 $0x40, s3;
	v6 =	vld [tilespmem:s0+$0xFFFFFFE0];
	v3 =	vmov v9  }
0x10f: {  	_ =	sdelay $0x1  }
0x110: {  	v1 =	vadd.f32 v5, v1  }
0x111: {  	[tilespmem:s0+$0x10] =	vst v7;
	v2 =	vadd.f32 v4, v2  }
0x112: {  	[tilespmem:s0+$0xFFFFFFF0] =	vst v1;
	v1 =	vadd.f32 v3, v6  }
0x113: {  	[tilespmem:s0+$0x0] =	vst v2  }
0x114: {  	[tilespmem:s0+$0xFFFFFFE0] =	vst v1  }
0x115: {  	s0 =	sld [smem:$0x7E9];
	_ =	sdelay $0x2  }
0x116: {  	[tilespmem:s4], [sflag:$0x1] =	stream.linear.gather [spmem:s0], $0xA00, $0x38;
	[tilespmem:$0x1E000] =	vst v63  }
0x117: {  	_ =	swait.ge [sflag:s29], $0xA00  }
0x118: {  	[sflag:s29] =	ssyncset.done $0x0  }
0x119: {  	s0 =	simm.s32 $0x12C20;
	[sflag:s29] =	ssyncadd.s32 $0xFFFFF600  }
0x11a: {  	s1 =	simm.s32 $0x12220;
	v6 =	vld [tilespmem:s0+$0x10]  }
0x11b: {  	v7 =	vld [tilespmem:s1+$0x10]  }
0x11c: {  	v3 =	vld [tilespmem:s1+$0xFFFFFFE0]  }
0x11d: {  	v1 =	vld [tilespmem:s0+$0xFFFFFFF0]  }
0x11e: {  	v5 =	vld [tilespmem:s1+$0xFFFFFFF0]  }
0x11f: {  	v2 =	vld [tilespmem:s0+$0x0]  }
0x120: {  	v4 =	vld [tilespmem:s1+$0x0];
	v7 =	vadd.f32 v7, v6  }
0x121: {  	s2 =	simm.s32 $0x0;
	s3 =	simm.s32 $0x12C60;
	v6 =	vld [tilespmem:s0+$0xFFFFFFE0]  }
.LBB2_12:
0x122: {  	v8 =	vld [tilespmem:s3+$0x10];
	[tilespmem:s0+$0x10] =	vst v7;
	s1 =	sadd.s32 $0x40, s1  }
0x123: {  	s2 =	sadd.s32 $0x40, s2;
	v7 =	vld [tilespmem:s1+$0x10];
	v5 =	vadd.f32 v5, v1  }
0x124: {  	p0 =	slt.u32 s2, $0x9C0;
	v9 =	vld [tilespmem:s1+$0xFFFFFFE0]  }
.Ltmp5:
0x125: {  	v1 =	vld [tilespmem:s3+$0xFFFFFFF0];
	[tilespmem:s0+$0xFFFFFFF0] =	vst v5;
	v4 =	vadd.f32 v4, v2;
	(pc) =	sbr.rel @p0 .LBB2_12-.Ltmp5, $4  }
0x126: {  	v5 =	vld [tilespmem:s1+$0xFFFFFFF0];
	v10 =	vadd.f32 v3, v6  }
0x127: {  	v2 =	vld [tilespmem:s3+$0x0];
	[tilespmem:s0+$0x0] =	vst v4  }
0x128: {  	v4 =	vld [tilespmem:s1+$0x0];
	v7 =	vadd.f32 v7, v8;
	[tilespmem:s0+$0xFFFFFFE0] =	vst v10;
	s0 =	smov.u32 s3  }
0x129: {  	s3 =	sadd.s32 $0x40, s3;
	v6 =	vld [tilespmem:s0+$0xFFFFFFE0];
	v3 =	vmov v9  }
0x12a: {  	_ =	sdelay $0x1  }
0x12b: {  	v1 =	vadd.f32 v5, v1  }
0x12c: {  	[tilespmem:s0+$0x10] =	vst v7;
	v2 =	vadd.f32 v4, v2  }
0x12d: {  	[tilespmem:s0+$0xFFFFFFF0] =	vst v1;
	v1 =	vadd.f32 v3, v6  }
0x12e: {  	[tilespmem:s0+$0x0] =	vst v2  }
0x12f: {  	[tilespmem:s0+$0xFFFFFFE0] =	vst v1  }
0x130: {  	s0 =	sld [smem:$0x7EA];
	_ =	sdelay $0x2  }
0x131: {  	[tilespmem:s4], [sflag:$0x1] =	stream.linear.gather [spmem:s0], $0xA00, $0x38;
	[tilespmem:$0x1E000] =	vst v63  }
0x132: {  	_ =	swait.ge [sflag:s29], $0xA00  }
0x133: {  	[sflag:s29] =	ssyncset.done $0x0  }
0x134: {  	s0 =	simm.s32 $0x12C20;
	[sflag:s29] =	ssyncadd.s32 $0xFFFFF600  }
0x135: {  	s1 =	simm.s32 $0x12220;
	v6 =	vld [tilespmem:s0+$0x10]  }
0x136: {  	v7 =	vld [tilespmem:s1+$0x10]  }
0x137: {  	v3 =	vld [tilespmem:s1+$0xFFFFFFE0]  }
0x138: {  	v1 =	vld [tilespmem:s0+$0xFFFFFFF0]  }
0x139: {  	v5 =	vld [tilespmem:s1+$0xFFFFFFF0]  }
0x13a: {  	v2 =	vld [tilespmem:s0+$0x0]  }
0x13b: {  	v4 =	vld [tilespmem:s1+$0x0];
	v7 =	vadd.f32 v7, v6  }
0x13c: {  	s2 =	simm.s32 $0x0;
	s3 =	simm.s32 $0x12C60;
	v6 =	vld [tilespmem:s0+$0xFFFFFFE0]  }
.LBB2_14:
0x13d: {  	v8 =	vld [tilespmem:s3+$0x10];
	[tilespmem:s0+$0x10] =	vst v7;
	s1 =	sadd.s32 $0x40, s1  }
0x13e: {  	s2 =	sadd.s32 $0x40, s2;
	v7 =	vld [tilespmem:s1+$0x10];
	v5 =	vadd.f32 v5, v1  }
0x13f: {  	p0 =	slt.u32 s2, $0x9C0;
	v9 =	vld [tilespmem:s1+$0xFFFFFFE0]  }
.Ltmp6:
0x140: {  	v1 =	vld [tilespmem:s3+$0xFFFFFFF0];
	[tilespmem:s0+$0xFFFFFFF0] =	vst v5;
	v4 =	vadd.f32 v4, v2;
	(pc) =	sbr.rel @p0 .LBB2_14-.Ltmp6, $4  }
0x141: {  	v5 =	vld [tilespmem:s1+$0xFFFFFFF0];
	v10 =	vadd.f32 v3, v6  }
0x142: {  	v2 =	vld [tilespmem:s3+$0x0];
	[tilespmem:s0+$0x0] =	vst v4  }
0x143: {  	v4 =	vld [tilespmem:s1+$0x0];
	v7 =	vadd.f32 v7, v8;
	[tilespmem:s0+$0xFFFFFFE0] =	vst v10;
	s0 =	smov.u32 s3  }
0x144: {  	s3 =	sadd.s32 $0x40, s3;
	v6 =	vld [tilespmem:s0+$0xFFFFFFE0];
	v3 =	vmov v9  }
0x145: {  	_ =	sdelay $0x1  }
0x146: {  	v1 =	vadd.f32 v5, v1  }
0x147: {  	[tilespmem:s0+$0x10] =	vst v7;
	v2 =	vadd.f32 v4, v2  }
0x148: {  	[tilespmem:s0+$0xFFFFFFF0] =	vst v1;
	v1 =	vadd.f32 v3, v6  }
0x149: {  	[tilespmem:s0+$0x0] =	vst v2  }
0x14a: {  	[tilespmem:s0+$0xFFFFFFE0] =	vst v1  }
0x14b: {  	s0 =	sld [smem:$0x7EB];
	_ =	sdelay $0x2  }
0x14c: {  	[tilespmem:s4], [sflag:$0x1] =	stream.linear.gather [spmem:s0], $0xA00, $0x38;
	[tilespmem:$0x1E000] =	vst v63  }
0x14d: {  	_ =	swait.ge [sflag:s29], $0xA00  }
0x14e: {  	[sflag:s29] =	ssyncset.done $0x0  }
0x14f: {  	s0 =	simm.s32 $0x12C20;
	[sflag:s29] =	ssyncadd.s32 $0xFFFFF600  }
0x150: {  	s1 =	simm.s32 $0x12220;
	v6 =	vld [tilespmem:s0+$0x10]  }
0x151: {  	v7 =	vld [tilespmem:s1+$0x10]  }
0x152: {  	v3 =	vld [tilespmem:s1+$0xFFFFFFE0]  }
0x153: {  	v1 =	vld [tilespmem:s0+$0xFFFFFFF0]  }
0x154: {  	v5 =	vld [tilespmem:s1+$0xFFFFFFF0]  }
0x155: {  	v2 =	vld [tilespmem:s0+$0x0]  }
0x156: {  	v4 =	vld [tilespmem:s1+$0x0];
	v7 =	vadd.f32 v7, v6  }
0x157: {  	s2 =	simm.s32 $0x0;
	s3 =	simm.s32 $0x12C60;
	v6 =	vld [tilespmem:s0+$0xFFFFFFE0]  }
.LBB2_16:
0x158: {  	v8 =	vld [tilespmem:s3+$0x10];
	[tilespmem:s0+$0x10] =	vst v7;
	s1 =	sadd.s32 $0x40, s1  }
0x159: {  	s2 =	sadd.s32 $0x40, s2;
	v7 =	vld [tilespmem:s1+$0x10];
	v5 =	vadd.f32 v5, v1  }
0x15a: {  	p0 =	slt.u32 s2, $0x9C0;
	v9 =	vld [tilespmem:s1+$0xFFFFFFE0]  }
.Ltmp7:
0x15b: {  	v1 =	vld [tilespmem:s3+$0xFFFFFFF0];
	[tilespmem:s0+$0xFFFFFFF0] =	vst v5;
	v4 =	vadd.f32 v4, v2;
	(pc) =	sbr.rel @p0 .LBB2_16-.Ltmp7, $4  }
0x15c: {  	v5 =	vld [tilespmem:s1+$0xFFFFFFF0];
	v10 =	vadd.f32 v3, v6  }
0x15d: {  	v2 =	vld [tilespmem:s3+$0x0];
	[tilespmem:s0+$0x0] =	vst v4  }
0x15e: {  	v4 =	vld [tilespmem:s1+$0x0];
	v7 =	vadd.f32 v7, v8;
	[tilespmem:s0+$0xFFFFFFE0] =	vst v10;
	s0 =	smov.u32 s3  }
0x15f: {  	s3 =	sadd.s32 $0x40, s3;
	v6 =	vld [tilespmem:s0+$0xFFFFFFE0];
	v3 =	vmov v9  }
0x160: {  	_ =	sdelay $0x1  }
0x161: {  	v1 =	vadd.f32 v5, v1  }
0x162: {  	[tilespmem:s0+$0x10] =	vst v7;
	v2 =	vadd.f32 v4, v2  }
0x163: {  	[tilespmem:s0+$0xFFFFFFF0] =	vst v1;
	v1 =	vadd.f32 v3, v6  }
0x164: {  	[tilespmem:s0+$0x0] =	vst v2  }
0x165: {  	[tilespmem:s0+$0xFFFFFFE0] =	vst v1  }
0x166: {  	s0 =	sld [smem:$0x7EC];
	_ =	sdelay $0x2  }
0x167: {  	[tilespmem:s4], [sflag:$0x1] =	stream.linear.gather [spmem:s0], $0xA00, $0x38;
	[tilespmem:$0x1E000] =	vst v63  }
0x168: {  	_ =	swait.ge [sflag:s29], $0xA00  }
0x169: {  	[sflag:s29] =	ssyncset.done $0x0  }
0x16a: {  	s0 =	simm.s32 $0x12C20;
	[sflag:s29] =	ssyncadd.s32 $0xFFFFF600  }
0x16b: {  	s1 =	simm.s32 $0x12220;
	v6 =	vld [tilespmem:s0+$0x10]  }
0x16c: {  	v7 =	vld [tilespmem:s1+$0x10]  }
0x16d: {  	v3 =	vld [tilespmem:s1+$0xFFFFFFE0]  }
0x16e: {  	v1 =	vld [tilespmem:s0+$0xFFFFFFF0]  }
0x16f: {  	v5 =	vld [tilespmem:s1+$0xFFFFFFF0]  }
0x170: {  	v2 =	vld [tilespmem:s0+$0x0]  }
0x171: {  	v4 =	vld [tilespmem:s1+$0x0];
	v7 =	vadd.f32 v7, v6  }
0x172: {  	s2 =	simm.s32 $0x0;
	s3 =	simm.s32 $0x12C60;
	v6 =	vld [tilespmem:s0+$0xFFFFFFE0]  }
.LBB2_18:
0x173: {  	v8 =	vld [tilespmem:s3+$0x10];
	[tilespmem:s0+$0x10] =	vst v7;
	s1 =	sadd.s32 $0x40, s1  }
0x174: {  	s2 =	sadd.s32 $0x40, s2;
	v7 =	vld [tilespmem:s1+$0x10];
	v5 =	vadd.f32 v5, v1  }
0x175: {  	p0 =	slt.u32 s2, $0x9C0;
	v9 =	vld [tilespmem:s1+$0xFFFFFFE0]  }
.Ltmp8:
0x176: {  	v1 =	vld [tilespmem:s3+$0xFFFFFFF0];
	[tilespmem:s0+$0xFFFFFFF0] =	vst v5;
	v4 =	vadd.f32 v4, v2;
	(pc) =	sbr.rel @p0 .LBB2_18-.Ltmp8, $4  }
0x177: {  	v5 =	vld [tilespmem:s1+$0xFFFFFFF0];
	v10 =	vadd.f32 v3, v6  }
0x178: {  	v2 =	vld [tilespmem:s3+$0x0];
	[tilespmem:s0+$0x0] =	vst v4  }
0x179: {  	v4 =	vld [tilespmem:s1+$0x0];
	v7 =	vadd.f32 v7, v8;
	[tilespmem:s0+$0xFFFFFFE0] =	vst v10;
	s0 =	smov.u32 s3  }
0x17a: {  	s3 =	sadd.s32 $0x40, s3;
	v6 =	vld [tilespmem:s0+$0xFFFFFFE0];
	v3 =	vmov v9  }
0x17b: {  	_ =	sdelay $0x1  }
0x17c: {  	v1 =	vadd.f32 v5, v1  }
0x17d: {  	[tilespmem:s0+$0x10] =	vst v7;
	v2 =	vadd.f32 v4, v2  }
0x17e: {  	[tilespmem:s0+$0xFFFFFFF0] =	vst v1;
	v1 =	vadd.f32 v3, v6  }
0x17f: {  	[tilespmem:s0+$0x0] =	vst v2  }
0x180: {  	[tilespmem:s0+$0xFFFFFFE0] =	vst v1  }
0x181: {  	s0 =	sld [smem:$0x7ED];
	_ =	sdelay $0x2  }
0x182: {  	[tilespmem:s4], [sflag:$0x1] =	stream.linear.gather [spmem:s0], $0xA00, $0x38;
	[tilespmem:$0x1E000] =	vst v63  }
0x183: {  	_ =	swait.ge [sflag:s29], $0xA00  }
0x184: {  	[sflag:s29] =	ssyncset.done $0x0  }
0x185: {  	s0 =	simm.s32 $0x12C20;
	[sflag:s29] =	ssyncadd.s32 $0xFFFFF600  }
0x186: {  	s1 =	simm.s32 $0x12220;
	v6 =	vld [tilespmem:s0+$0x10]  }
0x187: {  	v7 =	vld [tilespmem:s1+$0x10]  }
0x188: {  	v3 =	vld [tilespmem:s1+$0xFFFFFFE0]  }
0x189: {  	v1 =	vld [tilespmem:s0+$0xFFFFFFF0]  }
0x18a: {  	v5 =	vld [tilespmem:s1+$0xFFFFFFF0]  }
0x18b: {  	v2 =	vld [tilespmem:s0+$0x0]  }
0x18c: {  	v4 =	vld [tilespmem:s1+$0x0];
	v7 =	vadd.f32 v7, v6  }
0x18d: {  	s2 =	simm.s32 $0x0;
	s3 =	simm.s32 $0x12C60;
	v6 =	vld [tilespmem:s0+$0xFFFFFFE0]  }
.LBB2_20:
0x18e: {  	v8 =	vld [tilespmem:s3+$0x10];
	[tilespmem:s0+$0x10] =	vst v7;
	s1 =	sadd.s32 $0x40, s1  }
0x18f: {  	s2 =	sadd.s32 $0x40, s2;
	v7 =	vld [tilespmem:s1+$0x10];
	v5 =	vadd.f32 v5, v1  }
0x190: {  	p0 =	slt.u32 s2, $0x9C0;
	v9 =	vld [tilespmem:s1+$0xFFFFFFE0]  }
.Ltmp9:
0x191: {  	v1 =	vld [tilespmem:s3+$0xFFFFFFF0];
	[tilespmem:s0+$0xFFFFFFF0] =	vst v5;
	v4 =	vadd.f32 v4, v2;
	(pc) =	sbr.rel @p0 .LBB2_20-.Ltmp9, $4  }
0x192: {  	v5 =	vld [tilespmem:s1+$0xFFFFFFF0];
	v10 =	vadd.f32 v3, v6  }
0x193: {  	v2 =	vld [tilespmem:s3+$0x0];
	[tilespmem:s0+$0x0] =	vst v4  }
0x194: {  	v4 =	vld [tilespmem:s1+$0x0];
	v7 =	vadd.f32 v7, v8;
	[tilespmem:s0+$0xFFFFFFE0] =	vst v10;
	s0 =	smov.u32 s3  }
0x195: {  	s3 =	sadd.s32 $0x40, s3;
	v6 =	vld [tilespmem:s0+$0xFFFFFFE0];
	v3 =	vmov v9  }
0x196: {  	_ =	sdelay $0x1  }
0x197: {  	v1 =	vadd.f32 v5, v1  }
0x198: {  	[tilespmem:s0+$0x10] =	vst v7;
	v2 =	vadd.f32 v4, v2  }
0x199: {  	[tilespmem:s0+$0xFFFFFFF0] =	vst v1;
	v1 =	vadd.f32 v3, v6  }
0x19a: {  	[tilespmem:s0+$0x0] =	vst v2  }
0x19b: {  	[tilespmem:s0+$0xFFFFFFE0] =	vst v1  }
0x19c: {  	s0 =	sld [smem:$0x7EE];
	_ =	sdelay $0x2  }
0x19d: {  	[tilespmem:s4], [sflag:$0x1] =	stream.linear.gather [spmem:s0], $0xA00, $0x38;
	[tilespmem:$0x1E000] =	vst v63  }
0x19e: {  	_ =	swait.ge [sflag:s29], $0xA00  }
0x19f: {  	[sflag:s29] =	ssyncset.done $0x0  }
0x1a0: {  	s0 =	simm.s32 $0x12C20;
	[sflag:s29] =	ssyncadd.s32 $0xFFFFF600  }
0x1a1: {  	s1 =	simm.s32 $0x12220;
	v6 =	vld [tilespmem:s0+$0x10]  }
0x1a2: {  	v7 =	vld [tilespmem:s1+$0x10]  }
0x1a3: {  	v3 =	vld [tilespmem:s1+$0xFFFFFFE0]  }
0x1a4: {  	v1 =	vld [tilespmem:s0+$0xFFFFFFF0]  }
0x1a5: {  	v5 =	vld [tilespmem:s1+$0xFFFFFFF0]  }
0x1a6: {  	v2 =	vld [tilespmem:s0+$0x0]  }
0x1a7: {  	v4 =	vld [tilespmem:s1+$0x0];
	v7 =	vadd.f32 v7, v6  }
0x1a8: {  	s2 =	simm.s32 $0x0;
	s3 =	simm.s32 $0x12C60;
	v6 =	vld [tilespmem:s0+$0xFFFFFFE0]  }
.LBB2_22:
0x1a9: {  	v8 =	vld [tilespmem:s3+$0x10];
	[tilespmem:s0+$0x10] =	vst v7;
	s1 =	sadd.s32 $0x40, s1  }
0x1aa: {  	s2 =	sadd.s32 $0x40, s2;
	v7 =	vld [tilespmem:s1+$0x10];
	v5 =	vadd.f32 v5, v1  }
0x1ab: {  	p0 =	slt.u32 s2, $0x9C0;
	v9 =	vld [tilespmem:s1+$0xFFFFFFE0]  }
.Ltmp10:
0x1ac: {  	v1 =	vld [tilespmem:s3+$0xFFFFFFF0];
	[tilespmem:s0+$0xFFFFFFF0] =	vst v5;
	v4 =	vadd.f32 v4, v2;
	(pc) =	sbr.rel @p0 .LBB2_22-.Ltmp10, $4  }
0x1ad: {  	v5 =	vld [tilespmem:s1+$0xFFFFFFF0];
	v10 =	vadd.f32 v3, v6  }
0x1ae: {  	v2 =	vld [tilespmem:s3+$0x0];
	[tilespmem:s0+$0x0] =	vst v4  }
0x1af: {  	v4 =	vld [tilespmem:s1+$0x0];
	v7 =	vadd.f32 v7, v8;
	[tilespmem:s0+$0xFFFFFFE0] =	vst v10;
	s0 =	smov.u32 s3  }
0x1b0: {  	s3 =	sadd.s32 $0x40, s3;
	v6 =	vld [tilespmem:s0+$0xFFFFFFE0];
	v3 =	vmov v9  }
0x1b1: {  	_ =	sdelay $0x1  }
0x1b2: {  	v1 =	vadd.f32 v5, v1  }
0x1b3: {  	[tilespmem:s0+$0x10] =	vst v7;
	v2 =	vadd.f32 v4, v2  }
0x1b4: {  	[tilespmem:s0+$0xFFFFFFF0] =	vst v1;
	v1 =	vadd.f32 v3, v6  }
0x1b5: {  	[tilespmem:s0+$0x0] =	vst v2  }
0x1b6: {  	[tilespmem:s0+$0xFFFFFFE0] =	vst v1  }
0x1b7: {  	s0 =	sld [smem:$0x7EF];
	_ =	sdelay $0x2  }
0x1b8: {  	[tilespmem:s4], [sflag:$0x1] =	stream.linear.gather [spmem:s0], $0xA00, $0x38;
	[tilespmem:$0x1E000] =	vst v63  }
0x1b9: {  	_ =	swait.ge [sflag:s29], $0xA00  }
0x1ba: {  	[sflag:s29] =	ssyncset.done $0x0  }
0x1bb: {  	s0 =	simm.s32 $0x12C20;
	[sflag:s29] =	ssyncadd.s32 $0xFFFFF600  }
0x1bc: {  	s1 =	simm.s32 $0x12220;
	v6 =	vld [tilespmem:s0+$0x10]  }
0x1bd: {  	v7 =	vld [tilespmem:s1+$0x10]  }
0x1be: {  	v3 =	vld [tilespmem:s1+$0xFFFFFFE0]  }
0x1bf: {  	v1 =	vld [tilespmem:s0+$0xFFFFFFF0]  }
0x1c0: {  	v5 =	vld [tilespmem:s1+$0xFFFFFFF0]  }
0x1c1: {  	v2 =	vld [tilespmem:s0+$0x0]  }
0x1c2: {  	v4 =	vld [tilespmem:s1+$0x0];
	v7 =	vadd.f32 v7, v6  }
0x1c3: {  	s2 =	simm.s32 $0x0;
	s3 =	simm.s32 $0x12C60;
	v6 =	vld [tilespmem:s0+$0xFFFFFFE0]  }
.LBB2_24:
0x1c4: {  	v8 =	vld [tilespmem:s3+$0x10];
	[tilespmem:s0+$0x10] =	vst v7;
	s1 =	sadd.s32 $0x40, s1  }
0x1c5: {  	s2 =	sadd.s32 $0x40, s2;
	v7 =	vld [tilespmem:s1+$0x10];
	v5 =	vadd.f32 v5, v1  }
0x1c6: {  	p0 =	slt.u32 s2, $0x9C0;
	v9 =	vld [tilespmem:s1+$0xFFFFFFE0]  }
.Ltmp11:
0x1c7: {  	v1 =	vld [tilespmem:s3+$0xFFFFFFF0];
	[tilespmem:s0+$0xFFFFFFF0] =	vst v5;
	v4 =	vadd.f32 v4, v2;
	(pc) =	sbr.rel @p0 .LBB2_24-.Ltmp11, $4  }
0x1c8: {  	v5 =	vld [tilespmem:s1+$0xFFFFFFF0];
	v10 =	vadd.f32 v3, v6  }
0x1c9: {  	v2 =	vld [tilespmem:s3+$0x0];
	[tilespmem:s0+$0x0] =	vst v4  }
0x1ca: {  	v4 =	vld [tilespmem:s1+$0x0];
	v7 =	vadd.f32 v7, v8;
	[tilespmem:s0+$0xFFFFFFE0] =	vst v10;
	s0 =	smov.u32 s3  }
0x1cb: {  	s3 =	sadd.s32 $0x40, s3;
	v6 =	vld [tilespmem:s0+$0xFFFFFFE0];
	v3 =	vmov v9  }
0x1cc: {  	_ =	sdelay $0x1  }
0x1cd: {  	v1 =	vadd.f32 v5, v1  }
0x1ce: {  	[tilespmem:s0+$0x10] =	vst v7;
	v2 =	vadd.f32 v4, v2  }
0x1cf: {  	[tilespmem:s0+$0xFFFFFFF0] =	vst v1;
	v1 =	vadd.f32 v3, v6  }
0x1d0: {  	[tilespmem:s0+$0x0] =	vst v2  }
0x1d1: {  	[tilespmem:s0+$0xFFFFFFE0] =	vst v1  }
0x1d2: {  	s0 =	sld [smem:$0x7F0];
	_ =	sdelay $0x2  }
0x1d3: {  	[tilespmem:s4], [sflag:$0x1] =	stream.linear.gather [spmem:s0], $0xA00, $0x38;
	[tilespmem:$0x1E000] =	vst v63  }
0x1d4: {  	_ =	swait.ge [sflag:s29], $0xA00  }
0x1d5: {  	[sflag:s29] =	ssyncset.done $0x0  }
0x1d6: {  	s0 =	simm.s32 $0x12C20;
	[sflag:s29] =	ssyncadd.s32 $0xFFFFF600  }
0x1d7: {  	s1 =	simm.s32 $0x12220;
	v6 =	vld [tilespmem:s0+$0x10]  }
0x1d8: {  	v7 =	vld [tilespmem:s1+$0x10]  }
0x1d9: {  	v3 =	vld [tilespmem:s1+$0xFFFFFFE0]  }
0x1da: {  	v1 =	vld [tilespmem:s0+$0xFFFFFFF0]  }
0x1db: {  	v5 =	vld [tilespmem:s1+$0xFFFFFFF0]  }
0x1dc: {  	v2 =	vld [tilespmem:s0+$0x0]  }
0x1dd: {  	v4 =	vld [tilespmem:s1+$0x0];
	v7 =	vadd.f32 v7, v6  }
0x1de: {  	s2 =	simm.s32 $0x0;
	s3 =	simm.s32 $0x12C60;
	v6 =	vld [tilespmem:s0+$0xFFFFFFE0]  }
.LBB2_26:
0x1df: {  	v8 =	vld [tilespmem:s3+$0x10];
	[tilespmem:s0+$0x10] =	vst v7;
	s1 =	sadd.s32 $0x40, s1  }
0x1e0: {  	s2 =	sadd.s32 $0x40, s2;
	v7 =	vld [tilespmem:s1+$0x10];
	v5 =	vadd.f32 v5, v1  }
0x1e1: {  	p0 =	slt.u32 s2, $0x9C0;
	v9 =	vld [tilespmem:s1+$0xFFFFFFE0]  }
.Ltmp12:
0x1e2: {  	v1 =	vld [tilespmem:s3+$0xFFFFFFF0];
	[tilespmem:s0+$0xFFFFFFF0] =	vst v5;
	v4 =	vadd.f32 v4, v2;
	(pc) =	sbr.rel @p0 .LBB2_26-.Ltmp12, $4  }
0x1e3: {  	v5 =	vld [tilespmem:s1+$0xFFFFFFF0];
	v10 =	vadd.f32 v3, v6  }
0x1e4: {  	v2 =	vld [tilespmem:s3+$0x0];
	[tilespmem:s0+$0x0] =	vst v4  }
0x1e5: {  	v4 =	vld [tilespmem:s1+$0x0];
	v7 =	vadd.f32 v7, v8;
	[tilespmem:s0+$0xFFFFFFE0] =	vst v10;
	s0 =	smov.u32 s3  }
0x1e6: {  	s3 =	sadd.s32 $0x40, s3;
	v6 =	vld [tilespmem:s0+$0xFFFFFFE0];
	v3 =	vmov v9  }
0x1e7: {  	_ =	sdelay $0x1  }
0x1e8: {  	v1 =	vadd.f32 v5, v1  }
0x1e9: {  	[tilespmem:s0+$0x10] =	vst v7;
	v2 =	vadd.f32 v4, v2  }
0x1ea: {  	[tilespmem:s0+$0xFFFFFFF0] =	vst v1;
	v1 =	vadd.f32 v3, v6  }
0x1eb: {  	[tilespmem:s0+$0x0] =	vst v2  }
0x1ec: {  	[tilespmem:s0+$0xFFFFFFE0] =	vst v1  }
0x1ed: {  	s0 =	sld [smem:$0x7F1];
	_ =	sdelay $0x2  }
0x1ee: {  	[tilespmem:s4], [sflag:$0x1] =	stream.linear.gather [spmem:s0], $0xA00, $0x38;
	[tilespmem:$0x1E000] =	vst v63  }
0x1ef: {  	_ =	swait.ge [sflag:s29], $0xA00  }
0x1f0: {  	[sflag:s29] =	ssyncset.done $0x0  }
0x1f1: {  	s0 =	simm.s32 $0x12C20;
	[sflag:s29] =	ssyncadd.s32 $0xFFFFF600  }
0x1f2: {  	s1 =	simm.s32 $0x12220;
	v6 =	vld [tilespmem:s0+$0x10]  }
0x1f3: {  	v7 =	vld [tilespmem:s1+$0x10]  }
0x1f4: {  	v3 =	vld [tilespmem:s1+$0xFFFFFFE0]  }
0x1f5: {  	v1 =	vld [tilespmem:s0+$0xFFFFFFF0]  }
0x1f6: {  	v5 =	vld [tilespmem:s1+$0xFFFFFFF0]  }
0x1f7: {  	v2 =	vld [tilespmem:s0+$0x0]  }
0x1f8: {  	v4 =	vld [tilespmem:s1+$0x0];
	v7 =	vadd.f32 v7, v6  }
0x1f9: {  	s2 =	simm.s32 $0x0;
	s3 =	simm.s32 $0x12C60;
	v6 =	vld [tilespmem:s0+$0xFFFFFFE0]  }
.LBB2_28:
0x1fa: {  	v8 =	vld [tilespmem:s3+$0x10];
	[tilespmem:s0+$0x10] =	vst v7;
	s1 =	sadd.s32 $0x40, s1  }
0x1fb: {  	s2 =	sadd.s32 $0x40, s2;
	v7 =	vld [tilespmem:s1+$0x10];
	v5 =	vadd.f32 v5, v1  }
0x1fc: {  	p0 =	slt.u32 s2, $0x9C0;
	v9 =	vld [tilespmem:s1+$0xFFFFFFE0]  }
.Ltmp13:
0x1fd: {  	v1 =	vld [tilespmem:s3+$0xFFFFFFF0];
	[tilespmem:s0+$0xFFFFFFF0] =	vst v5;
	v4 =	vadd.f32 v4, v2;
	(pc) =	sbr.rel @p0 .LBB2_28-.Ltmp13, $4  }
0x1fe: {  	v5 =	vld [tilespmem:s1+$0xFFFFFFF0];
	v10 =	vadd.f32 v3, v6  }
0x1ff: {  	v2 =	vld [tilespmem:s3+$0x0];
	[tilespmem:s0+$0x0] =	vst v4  }
0x200: {  	v4 =	vld [tilespmem:s1+$0x0];
	v7 =	vadd.f32 v7, v8;
	[tilespmem:s0+$0xFFFFFFE0] =	vst v10;
	s0 =	smov.u32 s3  }
0x201: {  	s3 =	sadd.s32 $0x40, s3;
	v6 =	vld [tilespmem:s0+$0xFFFFFFE0];
	v3 =	vmov v9  }
0x202: {  	_ =	sdelay $0x1  }
0x203: {  	v1 =	vadd.f32 v5, v1  }
0x204: {  	[tilespmem:s0+$0x10] =	vst v7;
	v2 =	vadd.f32 v4, v2  }
0x205: {  	[tilespmem:s0+$0xFFFFFFF0] =	vst v1;
	v1 =	vadd.f32 v3, v6  }
0x206: {  	[tilespmem:s0+$0x0] =	vst v2  }
0x207: {  	[tilespmem:s0+$0xFFFFFFE0] =	vst v1  }
0x208: {  	s0 =	sld [smem:$0x7F6];
	_ =	sdelay $0x2  }
0x209: {  	[tilespmem:s4], [sflag:$0x1] =	stream.linear.gather [spmem:s0], $0xA00, $0x38;
	[tilespmem:$0x1E000] =	vst v63  }
0x20a: {  	_ =	swait.ge [sflag:s29], $0xA00  }
0x20b: {  	[sflag:s29] =	ssyncset.done $0x0  }
0x20c: {  	s0 =	simm.s32 $0x12C20;
	[sflag:s29] =	ssyncadd.s32 $0xFFFFF600  }
0x20d: {  	s1 =	simm.s32 $0x12220;
	v6 =	vld [tilespmem:s0+$0x10]  }
0x20e: {  	v7 =	vld [tilespmem:s1+$0x10]  }
0x20f: {  	v3 =	vld [tilespmem:s1+$0xFFFFFFE0]  }
0x210: {  	v1 =	vld [tilespmem:s0+$0xFFFFFFF0]  }
0x211: {  	v5 =	vld [tilespmem:s1+$0xFFFFFFF0]  }
0x212: {  	v2 =	vld [tilespmem:s0+$0x0]  }
0x213: {  	v4 =	vld [tilespmem:s1+$0x0];
	v7 =	vadd.f32 v7, v6  }
0x214: {  	s2 =	simm.s32 $0x0;
	s3 =	simm.s32 $0x12C60;
	v6 =	vld [tilespmem:s0+$0xFFFFFFE0]  }
.LBB2_30:
0x215: {  	v8 =	vld [tilespmem:s3+$0x10];
	[tilespmem:s0+$0x10] =	vst v7;
	s1 =	sadd.s32 $0x40, s1  }
0x216: {  	s2 =	sadd.s32 $0x40, s2;
	v7 =	vld [tilespmem:s1+$0x10];
	v5 =	vadd.f32 v5, v1  }
0x217: {  	p0 =	slt.u32 s2, $0x9C0;
	v9 =	vld [tilespmem:s1+$0xFFFFFFE0]  }
.Ltmp14:
0x218: {  	v1 =	vld [tilespmem:s3+$0xFFFFFFF0];
	[tilespmem:s0+$0xFFFFFFF0] =	vst v5;
	v4 =	vadd.f32 v4, v2;
	(pc) =	sbr.rel @p0 .LBB2_30-.Ltmp14, $4  }
0x219: {  	v5 =	vld [tilespmem:s1+$0xFFFFFFF0];
	v10 =	vadd.f32 v3, v6  }
0x21a: {  	v2 =	vld [tilespmem:s3+$0x0];
	[tilespmem:s0+$0x0] =	vst v4  }
0x21b: {  	v4 =	vld [tilespmem:s1+$0x0];
	v7 =	vadd.f32 v7, v8;
	[tilespmem:s0+$0xFFFFFFE0] =	vst v10;
	s0 =	smov.u32 s3  }
0x21c: {  	s3 =	sadd.s32 $0x40, s3;
	v6 =	vld [tilespmem:s0+$0xFFFFFFE0];
	v3 =	vmov v9  }
0x21d: {  	_ =	sdelay $0x1  }
0x21e: {  	v1 =	vadd.f32 v5, v1  }
0x21f: {  	[tilespmem:s0+$0x10] =	vst v7;
	v2 =	vadd.f32 v4, v2  }
0x220: {  	[tilespmem:s0+$0xFFFFFFF0] =	vst v1;
	v1 =	vadd.f32 v3, v6  }
0x221: {  	[tilespmem:s0+$0x0] =	vst v2  }
0x222: {  	[tilespmem:s0+$0xFFFFFFE0] =	vst v1  }
0x223: {  	s0 =	sld [smem:$0x7F7];
	_ =	sdelay $0x2  }
0x224: {  	[tilespmem:s4], [sflag:$0x1] =	stream.linear.gather [spmem:s0], $0xA00, $0x38;
	[tilespmem:$0x1E000] =	vst v63  }
0x225: {  	_ =	swait.ge [sflag:s29], $0xA00  }
0x226: {  	[sflag:s29] =	ssyncset.done $0x0  }
0x227: {  	s0 =	simm.s32 $0x12C20;
	[sflag:s29] =	ssyncadd.s32 $0xFFFFF600  }
0x228: {  	s1 =	simm.s32 $0x12220;
	v6 =	vld [tilespmem:s0+$0x10]  }
0x229: {  	v7 =	vld [tilespmem:s1+$0x10]  }
0x22a: {  	v3 =	vld [tilespmem:s1+$0xFFFFFFE0]  }
0x22b: {  	v1 =	vld [tilespmem:s0+$0xFFFFFFF0]  }
0x22c: {  	v5 =	vld [tilespmem:s1+$0xFFFFFFF0]  }
0x22d: {  	v2 =	vld [tilespmem:s0+$0x0]  }
0x22e: {  	v4 =	vld [tilespmem:s1+$0x0];
	v7 =	vadd.f32 v7, v6  }
0x22f: {  	s2 =	simm.s32 $0x0;
	s3 =	simm.s32 $0x12C60;
	v6 =	vld [tilespmem:s0+$0xFFFFFFE0]  }
.LBB2_32:
0x230: {  	v8 =	vld [tilespmem:s3+$0x10];
	[tilespmem:s0+$0x10] =	vst v7;
	s1 =	sadd.s32 $0x40, s1  }
0x231: {  	s2 =	sadd.s32 $0x40, s2;
	v7 =	vld [tilespmem:s1+$0x10];
	v5 =	vadd.f32 v5, v1  }
0x232: {  	p0 =	slt.u32 s2, $0x9C0;
	v9 =	vld [tilespmem:s1+$0xFFFFFFE0]  }
.Ltmp15:
0x233: {  	v1 =	vld [tilespmem:s3+$0xFFFFFFF0];
	[tilespmem:s0+$0xFFFFFFF0] =	vst v5;
	v4 =	vadd.f32 v4, v2;
	(pc) =	sbr.rel @p0 .LBB2_32-.Ltmp15, $4  }
0x234: {  	v5 =	vld [tilespmem:s1+$0xFFFFFFF0];
	v10 =	vadd.f32 v3, v6  }
0x235: {  	v2 =	vld [tilespmem:s3+$0x0];
	[tilespmem:s0+$0x0] =	vst v4  }
0x236: {  	v4 =	vld [tilespmem:s1+$0x0];
	v7 =	vadd.f32 v7, v8;
	[tilespmem:s0+$0xFFFFFFE0] =	vst v10;
	s0 =	smov.u32 s3  }
0x237: {  	s3 =	sadd.s32 $0x40, s3;
	v6 =	vld [tilespmem:s0+$0xFFFFFFE0];
	v3 =	vmov v9  }
0x238: {  	_ =	sdelay $0x1  }
0x239: {  	v1 =	vadd.f32 v5, v1  }
0x23a: {  	[tilespmem:s0+$0x10] =	vst v7;
	v2 =	vadd.f32 v4, v2  }
0x23b: {  	[tilespmem:s0+$0xFFFFFFF0] =	vst v1;
	v1 =	vadd.f32 v3, v6  }
0x23c: {  	[tilespmem:s0+$0x0] =	vst v2  }
0x23d: {  	[tilespmem:s0+$0xFFFFFFE0] =	vst v1  }
0x23e: {  	s0 =	sld [smem:$0x7F8];
	_ =	sdelay $0x2  }
0x23f: {  	[tilespmem:s4], [sflag:$0x1] =	stream.linear.gather [spmem:s0], $0xA00, $0x38;
	[tilespmem:$0x1E000] =	vst v63  }
0x240: {  	_ =	swait.ge [sflag:s29], $0xA00  }
0x241: {  	[sflag:s29] =	ssyncset.done $0x0  }
0x242: {  	s0 =	simm.s32 $0x12C20;
	[sflag:s29] =	ssyncadd.s32 $0xFFFFF600  }
0x243: {  	s1 =	simm.s32 $0x12220;
	v6 =	vld [tilespmem:s0+$0x10]  }
0x244: {  	v7 =	vld [tilespmem:s1+$0x10]  }
0x245: {  	v3 =	vld [tilespmem:s1+$0xFFFFFFE0]  }
0x246: {  	v1 =	vld [tilespmem:s0+$0xFFFFFFF0]  }
0x247: {  	v5 =	vld [tilespmem:s1+$0xFFFFFFF0]  }
0x248: {  	v2 =	vld [tilespmem:s0+$0x0]  }
0x249: {  	v4 =	vld [tilespmem:s1+$0x0];
	v7 =	vadd.f32 v7, v6  }
0x24a: {  	s2 =	simm.s32 $0x0;
	s3 =	simm.s32 $0x12C60;
	v6 =	vld [tilespmem:s0+$0xFFFFFFE0]  }
.LBB2_34:
0x24b: {  	v8 =	vld [tilespmem:s3+$0x10];
	[tilespmem:s0+$0x10] =	vst v7;
	s1 =	sadd.s32 $0x40, s1  }
0x24c: {  	s2 =	sadd.s32 $0x40, s2;
	v7 =	vld [tilespmem:s1+$0x10];
	v5 =	vadd.f32 v5, v1  }
0x24d: {  	p0 =	slt.u32 s2, $0x9C0;
	v9 =	vld [tilespmem:s1+$0xFFFFFFE0]  }
.Ltmp16:
0x24e: {  	v1 =	vld [tilespmem:s3+$0xFFFFFFF0];
	[tilespmem:s0+$0xFFFFFFF0] =	vst v5;
	v4 =	vadd.f32 v4, v2;
	(pc) =	sbr.rel @p0 .LBB2_34-.Ltmp16, $4  }
0x24f: {  	v5 =	vld [tilespmem:s1+$0xFFFFFFF0];
	v10 =	vadd.f32 v3, v6  }
0x250: {  	v2 =	vld [tilespmem:s3+$0x0];
	[tilespmem:s0+$0x0] =	vst v4  }
0x251: {  	v4 =	vld [tilespmem:s1+$0x0];
	v7 =	vadd.f32 v7, v8;
	[tilespmem:s0+$0xFFFFFFE0] =	vst v10;
	s0 =	smov.u32 s3  }
0x252: {  	s3 =	sadd.s32 $0x40, s3;
	v6 =	vld [tilespmem:s0+$0xFFFFFFE0];
	v3 =	vmov v9  }
0x253: {  	_ =	sdelay $0x1  }
0x254: {  	v1 =	vadd.f32 v5, v1  }
0x255: {  	[tilespmem:s0+$0x10] =	vst v7;
	v2 =	vadd.f32 v4, v2  }
0x256: {  	[tilespmem:s0+$0xFFFFFFF0] =	vst v1;
	v1 =	vadd.f32 v3, v6  }
0x257: {  	[tilespmem:s0+$0x0] =	vst v2  }
0x258: {  	[tilespmem:s0+$0xFFFFFFE0] =	vst v1  }
0x259: {  	s0 =	sld [smem:$0x7FA];
	_ =	sdelay $0x2  }
0x25a: {  	[tilespmem:s4], [sflag:$0x1] =	stream.linear.gather [spmem:s0], $0xA00, $0x38;
	[tilespmem:$0x1E000] =	vst v63  }
0x25b: {  	_ =	swait.ge [sflag:s29], $0xA00  }
0x25c: {  	[sflag:s29] =	ssyncset.done $0x0  }
0x25d: {  	s0 =	simm.s32 $0x12C20;
	[sflag:s29] =	ssyncadd.s32 $0xFFFFF600  }
0x25e: {  	s1 =	simm.s32 $0x12220;
	v6 =	vld [tilespmem:s0+$0x10]  }
0x25f: {  	v7 =	vld [tilespmem:s1+$0x10]  }
0x260: {  	v3 =	vld [tilespmem:s1+$0xFFFFFFE0]  }
0x261: {  	v1 =	vld [tilespmem:s0+$0xFFFFFFF0]  }
0x262: {  	v5 =	vld [tilespmem:s1+$0xFFFFFFF0]  }
0x263: {  	v2 =	vld [tilespmem:s0+$0x0]  }
0x264: {  	v4 =	vld [tilespmem:s1+$0x0];
	v7 =	vadd.f32 v7, v6  }
0x265: {  	s2 =	simm.s32 $0x0;
	s3 =	simm.s32 $0x12C60;
	v6 =	vld [tilespmem:s0+$0xFFFFFFE0]  }
.LBB2_36:
0x266: {  	v8 =	vld [tilespmem:s3+$0x10];
	[tilespmem:s0+$0x10] =	vst v7;
	s1 =	sadd.s32 $0x40, s1  }
0x267: {  	s2 =	sadd.s32 $0x40, s2;
	v7 =	vld [tilespmem:s1+$0x10];
	v5 =	vadd.f32 v5, v1  }
0x268: {  	p0 =	slt.u32 s2, $0x9C0;
	v9 =	vld [tilespmem:s1+$0xFFFFFFE0]  }
.Ltmp17:
0x269: {  	v1 =	vld [tilespmem:s3+$0xFFFFFFF0];
	[tilespmem:s0+$0xFFFFFFF0] =	vst v5;
	v4 =	vadd.f32 v4, v2;
	(pc) =	sbr.rel @p0 .LBB2_36-.Ltmp17, $4  }
0x26a: {  	v5 =	vld [tilespmem:s1+$0xFFFFFFF0];
	v10 =	vadd.f32 v3, v6  }
0x26b: {  	v2 =	vld [tilespmem:s3+$0x0];
	[tilespmem:s0+$0x0] =	vst v4  }
0x26c: {  	v4 =	vld [tilespmem:s1+$0x0];
	v7 =	vadd.f32 v7, v8;
	[tilespmem:s0+$0xFFFFFFE0] =	vst v10;
	s0 =	smov.u32 s3  }
0x26d: {  	s3 =	sadd.s32 $0x40, s3;
	v6 =	vld [tilespmem:s0+$0xFFFFFFE0];
	v3 =	vmov v9  }
0x26e: {  	_ =	sdelay $0x1  }
0x26f: {  	v1 =	vadd.f32 v5, v1  }
0x270: {  	[tilespmem:s0+$0x10] =	vst v7;
	v2 =	vadd.f32 v4, v2  }
0x271: {  	[tilespmem:s0+$0xFFFFFFF0] =	vst v1;
	v1 =	vadd.f32 v3, v6  }
0x272: {  	[tilespmem:s0+$0x0] =	vst v2  }
0x273: {  	[tilespmem:s0+$0xFFFFFFE0] =	vst v1  }
0x274: {  	s0 =	sld [smem:$0x7F2];
	_ =	sdelay $0x2  }
0x275: {  	[spmem:s0] =	stream.linear.scatter [tilespmem:s31], [sflag:$0x1], $0xA00, $0x38;
	[tilespmem:$0x1E000] =	vst v63  }
0x276: {  	_ =	swait.ge [sflag:s29], $0xA00  }
0x277: {  	[sflag:s29] =	ssyncset.done $0x0  }
0x278: {  	[sflag:s29] =	ssyncadd.s32 $0xFFFFF600  }
0x279: {  	[bflag:$0x0] =	sbarrier.arrive $0xFFFF  }
0x27a: {  	s2 =	simm.s32 $0x0;
	s31 =	rddreg [dreg:$0x3]  }
0x27b: {  	[tilespmem:s2], [sflag:$0x1] =	stream.linear.gather [spmem:s31], $0xA000, $0x38;
	[tilespmem:$0x1E000] =	vst v63  }
0x27c: {  	_ =	swait.ge [sflag:s29], $0xA000  }
0x27d: {  	[sflag:s29] =	ssyncset.done $0x0  }
0x27e: {  	[sflag:s29] =	ssyncadd.s32 $0xFFFF6000  }
.LBB2_38:
0x27f: {  	s0 =	smul.u32 $0xA00, s2;
	_ =	sdelay $0x1  }
0x280: {  	[smem:$0x7E1] =	sst s2;
	s2 =	sadd.s32 s26, s0  }
0x281: {  	s0 =	sadd.s32 s25, s2  }
0x282: {  	s0 =	sshrl.u32 s0, $0x3  }
0x283: {  	s1 =	simm.s32 $0xA000;
	s3 =	simm.s32 $0x2;
	s0 =	sadd.s32 s24, s0  }
0x284: {  	[tilespmem:s1], [sflag:$0x2] =	stream.linear.gather [hbm4b:s0+s23], $0xA00, $0x38;
	[tilespmem:$0x1E000] =	vst v63  }
0x285: {  	_ =	swait.ge [sflag:s3], $0xA00  }
0x286: {  	[sflag:s3] =	ssyncset.done $0x0  }
0x287: {  	s11 =	sadd.s32 s22, s2;
	[smem:$0x7E2] =	sst s2;
	[sflag:s3] =	ssyncadd.s32 $0xFFFFF600  }
0x288: {  	[tilespmem:s30], [sflag:$0x2] =	stream.linear.gather [hbm4b:s11+s23], $0x5000, $0x38;
	[tilespmem:$0x1E000] =	vst v63  }
0x289: {  	s12 =	simm.s32 $0x0;
	_ =	swait.ge [sflag:s3], $0x5000  }
0x28a: {  	s0 =	sand.u32 $0x40, s12;
	s2 =	sand.u32 $0xF80, s12;
	[sflag:s3] =	ssyncset.done $0x0  }
0x28b: {  	s5 =	sor.u32 $0x20, s0;
	s2 =	sor.u32 $0xA000, s2;
	[sflag:s3] =	ssyncadd.s32 $0xFFFFB000  }
0x28c: {  	s4 =	sor.u32 $0x30, s0;
	s13 =	sor.u32 s5, s2;
	v11 =	vld [tilespmem:s1+$0x0]  }
0x28d: {  	s14 =	sor.u32 s4, s2;
	v10 =	vld [tilespmem:s13+$0x0]  }
0x28e: {  	s15 =	simm.s32 $0x0;
	v14 =	vld [tilespmem:s14+$0x0]  }
0x28f: {  	s22 =	rddreg [dreg:$0x6];
	s1 =	sand.u32 $0x3FFFFC00, s15  }
0x290: {  	s14 =	sadd.s32 s1, s22  }
0x291: {  	s1 =	sadd.s32 s5, s14  }
0x292: {  	s16 =	sadd.s32 s0, s14;
	v1 =	vld [tilespmem:s1+$0x0]  }
0x293: {  	v2 =	vld [tilespmem:s16+$0x0]  }
0x294: {  	v3 =	vld.idx.msk [tilespmem:v11+s23+$0x0], $0xffff  }
0x295: {  	v4 =	vld.idx.msk [tilespmem:v10+s23+$0x0], $0xffff  }
0x296: {  	s17 =	sadd.s32 s4, s14;
	v5 =	vld.idx.msk [tilespmem:v14+s23+$0x0], $0xffff  }
0x297: {  	v6 =	vld [tilespmem:s17+$0x0];
	v1 =	vmul.f32 $1.442695020e+00, v1  }
0x298: {  	v2 =	vmul.f32 $1.442695020e+00, v2  }
0x299: {  	(erf) = vpow2.f32 v1;
	v1 =	vadd.f32 $1.000000020e-16, v3  }
0x29a: {  	(erf) = vpow2.f32 v2;
	v3 =	vadd.f32 $1.000000020e-16, v4  }
0x29b: {  	v2 =	vadd.f32 $1.000000020e-16, v5;
	(erf) = vrcp.f32 v1  }
0x29c: {  	v1 =	vmul.f32 $1.442695020e+00, v6;
	(erf) = vrcp.f32 v3  }
0x29d: {  	s8 =	sor.u32 $0x10, s0;
	(erf) = vrcp.f32 v2  }
0x29e: {  	s18 =	sor.u32 s8, s2;
	(erf) = vpow2.f32 v1  }
0x29f: {  	v12 =	vld [tilespmem:s18+$0x0];
	_ =	sdelay $0x2  }
0x2a0: {  	v2 =	vpop (erf)  }
0x2a1: {  	s20 =	simm.s32 $0x0;
	v3 =	vpop (erf)  }
0x2a2: {  	s6 =	simm.s32 $0x40;
	s7 =	simm.s32 $0xA040;
	s19 =	sadd.s32 s8, s14;
	v5 =	vpop (erf)  }
0x2a3: {  	s9 =	sand.u32 $0x3FFFFE00, s20;
	s3 =	sand.u32 $0x40, s6;
	s6 =	sand.u32 $0xF80, s6;
	v8 =	vld [tilespmem:s19+$0x0];
	v6 =	vadd.s32 $0x2800, v10;
	v7 =	vpop (erf)  }
0x2a4: {  	s11 =	sadd.s32 $0xFA00, s9;
	s13 =	sor.u32 $0xA000, s6;
	v15 =	vadd.s32 $0x2800, v14;
	v1 =	vld [tilespmem:s7+$0x0];
	s7 =	sor.u32 $0x20, s3;
	v2 =	vmul.f32 v7, v2;
	v9 =	vpop (erf)  }
0x2a5: {  	s24 =	sor.u32 s5, s11;
	s12 =	sadd.s32 $0x80, s14;
	v4 =	vld.idx.msk [tilespmem:v12+s23+$0x0], $0xffff;
	s6 =	sor.u32 s7, s13;
	v16 =	vpop (erf)  }
0x2a6: {  	s10 =	simm.s32 $0x200;
	s26 =	sadd.s32 s5, s12;
	v13 =	vld [tilespmem:s6+$0x0];
	[tilespmem:s24+$0x0] =	vst v2;
	v2 =	vmul.f32 v9, v16  }
0x2a7: {  	s10 =	sand.u32 $0x3FFFFC00, s10;
	s2 =	sor.u32 s4, s11;
	v9 =	vld [tilespmem:s26+$0x0]  }
0x2a8: {  	s9 =	sadd.s32 s10, s22;
	v6 =	vld.idx.msk [tilespmem:v6+s23+$0x0], $0xffff;
	[tilespmem:s2+$0x0] =	vst v2  }
0x2a9: {  	s10 =	sadd.s32 s7, s9;
	v2 =	vld.idx.msk [tilespmem:v15+s23+$0x0], $0xffff  }
0x2aa: {  	s15 =	sadd.s32 s4, s12;
	v8 =	vmul.f32 $1.442695020e+00, v8;
	v15 =	vld [tilespmem:s10+$0x0]  }
0x2ab: {  	s25 =	sor.u32 $0x30, s3;
	s28 =	sadd.s32 s3, s9;
	v3 =	vmul.f32 v5, v3;
	v5 =	vld [tilespmem:s15+$0x0]  }
0x2ac: {  	s21 =	sor.u32 s25, s13;
	v4 =	vadd.f32 $1.000000020e-16, v4;
	(erf) = vpow2.f32 v8;
	v8 =	vmul.f32 $1.442695020e+00, v9;
	v9 =	vld [tilespmem:s28+$0x0];
	s28 =	sor.u32 s0, s11  }
0x2ad: {  	v7 =	vld [tilespmem:s21+$0x0];
	[dreg:$0x7] =	wrdreg s28  }
0x2ae: {  	s1 =	sadd.s32 s0, s12;
	(erf) = vrcp.f32 v4;
	v4 =	vadd.f32 $1.000000020e-16, v6;
	[tilespmem:s28+$0x0] =	vst v3;
	v6 =	vld.idx.msk [tilespmem:v1+s23+$0x0], $0xffff  }
0x2af: {  	(erf) = vpow2.f32 v8;
	v2 =	vadd.f32 $1.000000020e-16, v2;
	v16 =	vld [tilespmem:s1+$0x0]  }
0x2b0: {  	v8 =	vmul.f32 $1.442695020e+00, v15;
	v15 =	vld.idx.msk [tilespmem:v13+s23+$0x0], $0xffff;
	(erf) = vrcp.f32 v4  }
0x2b1: {  	v4 =	vmul.f32 $1.442695020e+00, v5;
	(erf) = vrcp.f32 v2  }
0x2b2: {  	v3 =	vadd.s32 $0x2800, v11;
	v2 =	vmul.f32 $1.442695020e+00, v9;
	(erf) = vpow2.f32 v8  }
0x2b3: {  	(erf) = vpow2.f32 v4;
	v5 =	vadd.f32 $1.000000020e-16, v6  }
0x2b4: {  	(erf) = vpow2.f32 v2;
	v2 =	vmul.f32 $1.442695020e+00, v16  }
0x2b5: {  	v4 =	vadd.f32 $1.000000020e-16, v15  }
0x2b6: {  	s1 =	sor.u32 $0x10, s3  }
0x2b7: {  	s13 =	sor.u32 s1, s13;
	v3 =	vld.idx.msk [tilespmem:v3+s23+$0x0], $0xffff;
	(erf) = vrcp.f32 v5;
	v5 =	vpop (erf)  }
0x2b8: {  	v8 =	vld [tilespmem:s13+$0x0];
	(erf) = vpow2.f32 v2;
	v2 =	vpop (erf)  }
0x2b9: {  	v6 =	vld.idx.msk [tilespmem:v7+s23+$0x0], $0xffff;
	(erf) = vrcp.f32 v4;
	v4 =	vpop (erf)  }
0x2ba: {  	v16 =	vpop (erf)  }
0x2bb: {  	s15 =	sadd.s32 s25, s9;
	v4 =	vmul.f32 v16, v4  }
0x2bc: {  	v9 =	vld [tilespmem:s15+$0x0];
	v3 =	vadd.f32 $1.000000020e-16, v3  }
0x2bd: {  	s29 =	sor.u32 s8, s11;
	s16 =	sadd.s32 s1, s9;
	v15 =	vadd.s32 $0x5000, v10;
	v16 =	vpop (erf)  }
0x2be: {  	s6 =	smov.u32 s24;
	v2 =	vmul.f32 v2, v5;
	v5 =	vld [tilespmem:s16+$0x0];
	[dreg:$0x17] =	wrdreg s29;
	(erf) = vrcp.f32 v3;
	v3 =	vadd.f32 $1.000000020e-16, v6;
	v6 =	vpop (erf)  }
0x2bf: {  	v17 =	vadd.s32 $0x2800, v12;
	[tilespmem:s6+$0x80] =	vst v4;
	v4 =	vpop (erf)  }
0x2c0: {  	v19 =	vpop (erf)  }
0x2c1: {  	s18 =	simm.s32 $0x100;
	v9 =	vmul.f32 $1.442695020e+00, v9;
	v18 =	vld.idx.msk [tilespmem:v8+s23+$0x0], $0xffff;
	[smem:$0x7E3] =	sst s6;
	v20 =	vpop (erf)  }
0x2c2: {  	s20 =	sand.u32 $0x3FFFFE00, s18;
	s17 =	sadd.s32 s8, s12;
	s19 =	simm.s32 $0x80;
	(erf) = vrcp.f32 v3;
	[tilespmem:s29+$0x0] =	vst v2;
	v15 =	vld.idx.msk [tilespmem:v15+s23+$0x0], $0xffff;
	v21 =	vpop (erf)  }
0x2c3: {  	s18 =	sadd.s32 $0xFA00, s20;
	s21 =	sand.u32 $0xF80, s19;
	s11 =	sand.u32 $0x40, s19;
	(erf) = vpow2.f32 v9;
	v9 =	vld [tilespmem:s17+$0x0];
	v3 =	vpop (erf)  }
0x2c4: {  	s24 =	simm.s32 $0xA080;
	s19 =	sor.u32 $0xA000, s21;
	s10 =	sor.u32 $0x30, s11;
	v17 =	vld.idx.msk [tilespmem:v17+s23+$0x0], $0xffff;
	v6 =	vmul.f32 v3, v6  }
0x2c5: {  	s26 =	sor.u32 s10, s19;
	s16 =	sadd.s32 $0x100, s14;
	v5 =	vmul.f32 $1.442695020e+00, v5;
	v2 =	vld [tilespmem:s24+$0x0];
	s24 =	sor.u32 s7, s18  }
0x2c6: {  	s12 =	sadd.s32 s5, s16;
	v18 =	vadd.f32 $1.000000020e-16, v18;
	v4 =	vmul.f32 v16, v4;
	v3 =	vld [tilespmem:s26+$0x0];
	[tilespmem:s24+$0x0] =	vst v6  }
0x2c7: {  	v22 =	vadd.s32 $0x5000, v14;
	(erf) = vpow2.f32 v5;
	v5 =	vadd.f32 $1.000000020e-16, v15;
	v15 =	vld [tilespmem:s12+$0x0];
	[dreg:$0x1f] =	wrdreg s24  }
0x2c8: {  	v23 =	vadd.s32 $0x2800, v13;
	s17 =	sadd.s32 $0x80, s9;
	v9 =	vmul.f32 $1.442695020e+00, v9;
	[tilespmem:s2+$0x80] =	vst v4  }
0x2c9: {  	s20 =	sadd.s32 s7, s17;
	(erf) = vrcp.f32 v18;
	v6 =	vadd.f32 $1.000000020e-16, v17;
	[smem:$0x7E4] =	sst s2  }
0x2ca: {  	v16 =	vadd.s32 $0x5000, v11;
	v18 =	vpop (erf);
	(erf) = vrcp.f32 v5;
	v5 =	vld [tilespmem:s20+$0x0]  }
0x2cb: {  	v4 =	vmul.f32 v18, v21  }
0x2cc: {  	(erf) = vpow2.f32 v9;
	v18 =	vadd.s32 $0x2800, v7;
	v9 =	vpop (erf);
	v17 =	vld.idx.msk [tilespmem:v22+s23+$0x0], $0xffff  }
0x2cd: {  	s21 =	sadd.s32 s0, s16;
	(erf) = vrcp.f32 v6;
	[tilespmem:s28+$0x80] =	vst v4;
	v4 =	vld.idx.msk [tilespmem:v23+s23+$0x0], $0xffff;
	v6 =	vpop (erf)  }
0x2ce: {  	s13 =	sor.u32 $0x20, s11;
	v15 =	vmul.f32 $1.442695020e+00, v15;
	s20 =	simm.s32 $0x400;
	v21 =	vld [tilespmem:s21+$0x0];
	v9 =	vmul.f32 v9, v6  }
0x2cf: {  	s31 =	sor.u32 s25, s18;
	s26 =	sor.u32 s13, s19;
	s20 =	sand.u32 $0x3FFFFC00, s20;
	v16 =	vld.idx.msk [tilespmem:v16+s23+$0x0], $0xffff;
	v5 =	vmul.f32 $1.442695020e+00, v5  }
0x2d0: {  	v6 =	vld [tilespmem:s26+$0x0];
	(erf) = vpow2.f32 v15;
	s15 =	sadd.s32 s20, s22;
	[tilespmem:s31+$0x0] =	vst v9  }
0x2d1: {  	s21 =	sadd.s32 s13, s15;
	v15 =	vadd.f32 $1.000000020e-16, v17;
	(erf) = vpow2.f32 v5;
	v5 =	vld.idx.msk [tilespmem:v18+s23+$0x0], $0xffff  }
0x2d2: {  	s30 =	smov.u32 s2;
	s2 =	sadd.s32 s11, s15;
	v9 =	vmul.f32 v20, v19;
	v22 =	vld [tilespmem:s21+$0x0];
	v17 =	vpop (erf);
	v4 =	vadd.f32 $1.000000020e-16, v4  }
0x2d3: {  	s12 =	sadd.s32 s25, s17;
	s26 =	sor.u32 s3, s18;
	v19 =	vpop (erf);
	v20 =	vmul.f32 $1.442695020e+00, v21;
	v18 =	vld [tilespmem:s2+$0x0];
	(erf) = vrcp.f32 v15  }
0x2d4: {  	s21 =	sadd.s32 s3, s17;
	[tilespmem:s26+$0x0] =	vst v9;
	v9 =	vadd.f32 $1.000000020e-16, v16;
	v16 =	vadd.s32 $0x2800, v1;
	v21 =	vpop (erf);
	v15 =	vld [tilespmem:s12+$0x0];
	(erf) = vrcp.f32 v4  }
0x2d5: {  	s2 =	sadd.s32 s4, s16;
	v23 =	vpop (erf);
	v4 =	vld [tilespmem:s21+$0x0];
	(erf) = vpow2.f32 v20  }
0x2d6: {  	v24 =	vpop (erf);
	v20 =	vld [tilespmem:s2+$0x0];
	(erf) = vrcp.f32 v9;
	v5 =	vadd.f32 $1.000000020e-16, v5  }
0x2d7: {  	v22 =	vmul.f32 $1.442695020e+00, v22;
	v9 =	vmul.f32 v24, v23;
	v23 =	vld.idx.msk [tilespmem:v2+s23+$0x0], $0xffff  }
0x2d8: {  	v25 =	vadd.s32 $0x5000, v12;
	v24 =	vld.idx.msk [tilespmem:v6+s23+$0x0], $0xffff  }
0x2d9: {  	s16 =	sadd.s32 s8, s16;
	v16 =	vld.idx.msk [tilespmem:v16+s23+$0x0], $0xffff;
	[tilespmem:s29+$0x80] =	vst v9;
	v9 =	vmul.f32 $1.442695020e+00, v15;
	(erf) = vrcp.f32 v5  }
0x2da: {  	v15 =	vmul.f32 $1.442695020e+00, v18;
	v18 =	vld [tilespmem:s16+$0x0];
	v5 =	vpop (erf);
	(erf) = vpow2.f32 v22  }
0x2db: {  	v22 =	vpop (erf);
	(erf) = vpow2.f32 v9;
	v9 =	vmul.f32 $1.442695020e+00, v20  }
0x2dc: {  	s16 =	sor.u32 $0x10, s11;
	v4 =	vmul.f32 $1.442695020e+00, v4;
	v23 =	vadd.f32 $1.000000020e-16, v23;
	v20 =	vld.idx.msk [tilespmem:v3+s23+$0x0], $0xffff;
	v26 =	vpop (erf);
	(erf) = vpow2.f32 v15  }
0x2dd: {  	s12 =	sor.u32 s16, s19;
	s19 =	sadd.s32 $0x180, s14;
	v5 =	vmul.f32 v21, v5;
	v15 =	vld.idx.msk [tilespmem:v25+s23+$0x0], $0xffff;
	v25 =	vpop (erf);
	(erf) = vpow2.f32 v9  }
0x2de: {  	s20 =	sadd.s32 s10, s15;
	s21 =	sadd.s32 s5, s19;
	s5 =	simm.s32 $0xC0;
	v21 =	vadd.f32 $1.000000020e-16, v24;
	v9 =	vld [tilespmem:s12+$0x0];
	v24 =	vpop (erf);
	(erf) = vrcp.f32 v23  }
0x2df: {  	v16 =	vadd.f32 $1.000000020e-16, v16;
	[tilespmem:s6+$0x100] =	vst v5;
	s12 =	sand.u32 $0x40, s5;
	s6 =	sand.u32 $0xF80, s5;
	v23 =	vld [tilespmem:s20+$0x0];
	(erf) = vpow2.f32 v4;
	v4 =	vmul.f32 $1.442695020e+00, v18;
	v18 =	vpop (erf)  }
0x2e0: {  	s2 =	sadd.s32 s16, s15;
	(erf) = vrcp.f32 v21;
	v5 =	vmul.f32 v18, v24;
	v18 =	vld [tilespmem:s21+$0x0];
	s21 =	sor.u32 $0xA000, s6;
	s6 =	sor.u32 $0x30, s12  }
0x2e1: {  	v31 =	vadd.s32 $0x2800, v8;
	v20 =	vadd.f32 $1.000000020e-16, v20;
	(erf) = vrcp.f32 v16;
	v16 =	vld [tilespmem:s2+$0x0];
	s20 =	sor.u32 s6, s21  }
0x2e2: {  	v17 =	vmul.f32 v19, v17;
	s0 =	sadd.s32 s0, s19;
	v15 =	vadd.f32 $1.000000020e-16, v15;
	s2 =	sor.u32 $0x10, s12;
	[tilespmem:s28+$0x100] =	vst v5;
	(erf) = vpow2.f32 v4;
	v5 =	vld [tilespmem:s20+$0x0]  }
0x2e3: {  	v21 =	vpop (erf);
	s20 =	sor.u32 s1, s18;
	s18 =	sor.u32 s2, s21;
	v24 =	vld [tilespmem:s0+$0x0];
	(erf) = vrcp.f32 v20;
	v20 =	vmul.f32 v25, v22  }
0x2e4: {  	s17 =	sadd.s32 s1, s17;
	v19 =	vpop (erf);
	v4 =	vld [tilespmem:s18+$0x0];
	[tilespmem:s20+$0x0] =	vst v17  }
0x2e5: {  	s28 =	simm.s32 $0x600;
	v22 =	vpop (erf);
	(erf) = vrcp.f32 v15;
	v17 =	vld [tilespmem:s17+$0x0]  }
0x2e6: {  	s0 =	sand.u32 $0x3FFFFC00, s28;
	v25 =	vadd.s32 $0x5000, v13;
	s28 =	sor.u32 $0x20, s12;
	v31 =	vld.idx.msk [tilespmem:v31+s23+$0x0], $0xffff;
	v15 =	vpop (erf)  }
0x2e7: {  	v28 =	vadd.s32 $0x7800, v10;
	s14 =	sadd.s32 $0x100, s9;
	s17 =	sor.u32 s28, s21;
	[tilespmem:s24+$0x80] =	vst v20;
	v33 =	vld.idx.msk [tilespmem:v9+s23+$0x0], $0xffff;
	v20 =	vpop (erf)  }
0x2e8: {  	s18 =	sadd.s32 s0, s22;
	s22 =	sadd.s32 s7, s14;
	v10 =	vld [tilespmem:s17+$0x0];
	v29 =	vpop (erf)  }
0x2e9: {  	v14 =	vadd.s32 $0x7800, v14;
	v23 =	vmul.f32 $1.442695020e+00, v23;
	s24 =	sadd.s32 s28, s18;
	v27 =	vld [tilespmem:s22+$0x0];
	v32 =	vpop (erf)  }
0x2ea: {  	s21 =	simm.s32 $0x200;
	v30 =	vld [tilespmem:s24+$0x0];
	v20 =	vmul.f32 v26, v20;
	v34 =	vpop (erf)  }
0x2eb: {  	(erf) = vpow2.f32 v23;
	s0 =	sand.u32 $0x3FFFFE00, s21;
	v18 =	vmul.f32 $1.442695020e+00, v18;
	v23 =	vld.idx.msk [tilespmem:v25+s23+$0x0], $0xffff;
	v35 =	vpop (erf)  }
0x2ec: {  	v21 =	vmul.f32 v21, v22;
	v22 =	vadd.s32 $0x5000, v1;
	s0 =	sadd.s32 $0xFA00, s0;
	s22 =	sadd.s32 s4, s19;
	v26 =	vld.idx.msk [tilespmem:v28+s23+$0x0], $0xffff;
	[tilespmem:s30+$0x100] =	vst v20;
	v19 =	vmul.f32 v34, v19;
	v25 =	vpop (erf)  }
0x2ed: {  	s24 =	smov.u32 s20;
	v16 =	vmul.f32 $1.442695020e+00, v16;
	s4 =	sadd.s32 $0x80, s15;
	s20 =	sor.u32 s13, s0;
	v59 =	vld [tilespmem:s22+$0x0];
	v20 =	vmul.f32 v35, v32;
	v28 =	vpop (erf)  }
0x2ee: {  	s21 =	sadd.s32 s13, s4;
	(erf) = vpow2.f32 v18;
	v18 =	vadd.f32 $1.000000020e-16, v33;
	v14 =	vld.idx.msk [tilespmem:v14+s23+$0x0], $0xffff;
	[tilespmem:s20+$0x0] =	vst v19;
	v58 =	vpop (erf)  }
0x2ef: {  	v60 =	vadd.s32 $0x5000, v7;
	s22 =	sadd.s32 s3, s14;
	(erf) = vpow2.f32 v16;
	[tilespmem:s26+$0x80] =	vst v20;
	v19 =	vmul.f32 v58, v25;
	v25 =	vld [tilespmem:s21+$0x0]  }
0x2f0: {  	v12 =	vadd.s32 $0x7800, v12;
	v16 =	vld [tilespmem:s22+$0x0];
	(erf) = vrcp.f32 v18;
	v18 =	vadd.f32 $1.000000020e-16, v23  }
0x2f1: {  	s17 =	sadd.s32 s12, s18;
	[tilespmem:s31+$0x80] =	vst v21;
	v20 =	vadd.s32 $0x2800, v6;
	v22 =	vld.idx.msk [tilespmem:v22+s23+$0x0], $0xffff  }
0x2f2: {  	s8 =	sadd.s32 s8, s19;
	v21 =	vadd.s32 $0x7800, v11;
	v17 =	vmul.f32 $1.442695020e+00, v17;
	[tilespmem:s29+$0x100] =	vst v19;
	(erf) = vrcp.f32 v18;
	v18 =	vld [tilespmem:s17+$0x0]  }
0x2f3: {  	v11 =	vmul.f32 $1.442695020e+00, v27;
	v23 =	vadd.f32 $1.000000020e-16, v26;
	v26 =	vadd.f32 $1.000000020e-16, v31;
	v19 =	vld [tilespmem:s8+$0x0]  }
0x2f4: {  	(erf) = vpow2.f32 v17;
	v17 =	vmul.f32 $1.442695020e+00, v24;
	v24 =	vld.idx.msk [tilespmem:v60+s23+$0x0], $0xffff  }
0x2f5: {  	v12 =	vld.idx.msk [tilespmem:v12+s23+$0x0], $0xffff;
	(erf) = vrcp.f32 v26  }
0x2f6: {  	v15 =	vmul.f32 v29, v15;
	s22 =	simm.s32 $0xA0C0;
	v20 =	vld.idx.msk [tilespmem:v20+s23+$0x0], $0xffff;
	(erf) = vpow2.f32 v11  }
0x2f7: {  	s19 =	sor.u32 s11, s0;
	v27 =	vpop (erf);
	v29 =	vmul.f32 $1.442695020e+00, v59;
	v26 =	vadd.s32 $0x2800, v3;
	v11 =	vld [tilespmem:s22+$0x0];
	(erf) = vrcp.f32 v23  }
0x2f8: {  	s21 =	sadd.s32 s11, s4;
	v23 =	vmul.f32 v28, v27;
	(erf) = vpow2.f32 v17;
	v17 =	vld.idx.msk [tilespmem:v21+s23+$0x0], $0xffff;
	[dreg:$0x5] =	wrdreg s19  }
0x2f9: {  	v14 =	vadd.f32 $1.000000020e-16, v14;
	s17 =	sadd.s32 s25, s14;
	s8 =	sadd.s32 $0x180, s9;
	[tilespmem:s19+$0x0] =	vst v15;
	s19 =	sor.u32 s10, s0  }
0x2fa: {  	s14 =	sadd.s32 s1, s14;
	s30 =	sadd.s32 s3, s8;
	s1 =	sadd.s32 s1, s8;
	v25 =	vmul.f32 $1.442695020e+00, v25;
	v27 =	vpop (erf);
	(erf) = vpow2.f32 v29;
	[tilespmem:s19+$0x0] =	vst v23  }
0x2fb: {  	s3 =	sadd.s32 s7, s8;
	s8 =	sadd.s32 s25, s8;
	v28 =	vmul.f32 $1.442695020e+00, v30;
	v21 =	vpop (erf);
	v24 =	vadd.f32 $1.000000020e-16, v24;
	(erf) = vrcp.f32 v14;
	v30 =	vld [tilespmem:s21+$0x0];
	[dreg:$0x11] =	wrdreg s1  }
0x2fc: {  	v15 =	vmul.f32 $1.442695020e+00, v16;
	v29 =	vpop (erf);
	v14 =	vadd.f32 $1.000000020e-16, v20;
	s21 =	sadd.s32 s10, s4;
	(erf) = vpow2.f32 v25;
	s1 =	sadd.s32 $0x100, s15;
	v20 =	vld.idx.msk [tilespmem:v26+s23+$0x0], $0xffff;
	[dreg:$0x15] =	wrdreg s8  }
0x2fd: {  	v31 =	vmul.f32 v29, v21;
	v16 =	vpop (erf);
	(erf) = vrcp.f32 v24;
	s25 =	sadd.s32 s10, s1;
	v21 =	vld [tilespmem:s21+$0x0]  }
0x2fe: {  	s7 =	sadd.s32 $0x180, s15;
	v23 =	vpop (erf);
	(erf) = vrcp.f32 v14;
	v14 =	vmul.f32 $1.442695020e+00, v19;
	v19 =	vld [tilespmem:s17+$0x0];
	s17 =	sadd.s32 s11, s1;
	[dreg:$0x10] =	wrdreg s25  }
0x2ff: {  	s21 =	sadd.s32 s11, s7;
	[dreg:$0x13] =	wrdreg s17  }
0x300: {  	s29 =	sadd.s32 s13, s1;
	s1 =	sadd.s32 s16, s1;
	[dreg:$0xb] =	wrdreg s21  }
0x301: {  	[dreg:$0xe] =	wrdreg s1  }
0x302: {  	v22 =	vadd.f32 $1.000000020e-16, v22;
	s9 =	sadd.s32 s10, s7;
	v24 =	vpop (erf);
	(erf) = vpow2.f32 v15;
	v15 =	vld.idx.msk [tilespmem:v10+s23+$0x0], $0xffff  }
0x303: {  	s15 =	sadd.s32 s13, s7;
	s13 =	sadd.s32 s6, s18;
	s7 =	sadd.s32 s16, s7;
	v23 =	vmul.f32 v24, v23;
	v24 =	vpop (erf);
	(erf) = vpow2.f32 v14;
	v14 =	vld.idx.msk [tilespmem:v11+s23+$0x0], $0xffff  }
0x304: {  	v26 =	vadd.f32 $1.000000020e-16, v12;
	v12 =	vpop (erf);
	(erf) = vrcp.f32 v22;
	v22 =	vld [tilespmem:s13+$0x0];
	[dreg:$0xa] =	wrdreg s7  }
0x305: {  	v24 =	vmul.f32 v16, v24;
	[tilespmem:s24+$0x80] =	vst v23  }
0x306: {  	s21 =	smov.u32 s24;
	s17 =	sadd.s32 $0x80, s18;
	s24 =	rddreg [dreg:$0x1f]  }
0x307: {  	s11 =	smov.u32 s26;
	s26 =	simm.s32 $0x300;
	s25 =	sadd.s32 s28, s17;
	v27 =	vmul.f32 v12, v27;
	v61 =	vld.idx.msk [tilespmem:v5+s23+$0x0], $0xffff;
	[tilespmem:s24+$0x100] =	vst v24  }
0x308: {  	s1 =	sand.u32 $0x3FFFFE00, s26;
	s26 =	sadd.s32 s2, s17;
	v12 =	vpop (erf);
	(erf) = vrcp.f32 v26;
	v26 =	vmul.f32 $1.442695020e+00, v21;
	v21 =	vld [tilespmem:s14+$0x0];
	[dreg:$0x16] =	wrdreg s25  }
0x309: {  	s4 =	sadd.s32 s16, s4;
	[dreg:$0x12] =	wrdreg s26  }
0x30a: {  	v25 =	vadd.s32 $0x2800, v2;
	v17 =	vadd.f32 $1.000000020e-16, v17;
	s16 =	sor.u32 s16, s0;
	s0 =	sadd.s32 s6, s17;
	s8 =	sld [smem:$0x7E3]  }
0x30b: {  	v62 =	vmul.f32 $1.442695020e+00, v18;
	v18 =	vld [tilespmem:s3+$0x0];
	[dreg:$0x14] =	wrdreg s0;
	s3 =	sadd.s32 s2, s18  }
0x30c: {  	[dreg:$0x18] =	wrdreg s3  }
0x30d: {  	v29 =	vadd.s32 $0x5000, v8;
	s7 =	sadd.s32 $0x100, s18;
	v20 =	vadd.f32 $1.000000020e-16, v20;
	v23 =	vpop (erf);
	[tilespmem:s8+$0x180] =	vst v27  }
0x30e: {  	s10 =	sadd.s32 s12, s7;
	(erf) = vrcp.f32 v17;
	s14 =	smov.u32 s24;
	v17 =	vpop (erf);
	s25 =	sld [smem:$0x7E4]  }
0x30f: {  	s24 =	sadd.s32 s12, s17;
	s17 =	sadd.s32 s28, s7;
	(erf) = vrcp.f32 v20;
	v20 =	vmul.f32 v17, v23;
	v23 =	vld.idx.msk [tilespmem:v25+s23+$0x0], $0xffff;
	[dreg:$0xd] =	wrdreg s10  }
0x310: {  	v13 =	vadd.s32 $0x7800, v13;
	s13 =	sadd.s32 $0xFA00, s1;
	s1 =	sadd.s32 $0x180, s18;
	[dreg:$0xf] =	wrdreg s17  }
0x311: {  	s26 =	sadd.s32 s12, s1;
	[tilespmem:s25+$0x180] =	vst v20  }
0x312: {  	v16 =	vadd.s32 $0x2800, v9;
	v63 =	vmul.f32 $1.442695020e+00, v19;
	v24 =	vpop (erf);
	(erf) = vpow2.f32 v28;
	v25 =	vld.idx.msk [tilespmem:v29+s23+$0x0], $0xffff;
	[dreg:$0x9] =	wrdreg s26  }
0x313: {  	v15 =	vadd.f32 $1.000000020e-16, v15;
	v14 =	vadd.f32 $1.000000020e-16, v14;
	v17 =	vpop (erf);
	(erf) = vpow2.f32 v26;
	s3 =	sadd.s32 s28, s1;
	[dreg:$0xc] =	wrdreg s28;
	s28 =	sadd.s32 s6, s1  }
0x314: {  	s18 =	smov.u32 s6;
	v19 =	vmul.f32 $1.442695020e+00, v22;
	v26 =	vadd.s32 $0x5000, v6;
	v27 =	vpop (erf);
	(erf) = vpow2.f32 v62;
	[dreg:$0x8] =	wrdreg s28  }
0x315: {  	v22 =	vadd.f32 $1.000000020e-16, v61;
	s8 =	sadd.s32 s2, s1;
	s10 =	sadd.s32 s6, s7;
	s7 =	sadd.s32 s2, s7;
	v28 =	vpop (erf);
	(erf) = vpow2.f32 v63;
	v29 =	vmul.f32 $1.442695020e+00, v30;
	[tilespmem:s16+$0x0] =	vst v31;
	v20 =	vld.idx.msk [tilespmem:v13+s23+$0x0], $0xffff  }
.LBB2_39:
0x316: {  	[smem:$0x7DD] =	sst s24  }
0x317: {  	[dreg:$0x1f] =	wrdreg s14  }
0x318: {  	[dreg:$0x1e] =	wrdreg s15  }
0x319: {  	[dreg:$0x1c] =	wrdreg s2  }
0x31a: {  	[dreg:$0x1b] =	wrdreg s10  }
0x31b: {  	[dreg:$0x1a] =	wrdreg s7  }
0x31c: {  	[dreg:$0x19] =	wrdreg s3  }
0x31d: {  	[smem:$0x7E0] =	sst s19  }
0x31e: {  	s5 =	sadd.s32 $0x40, s5;
	s22 =	sadd.s32 $0x40, s22;
	s3 =	rddreg [dreg:$0x18]  }
0x31f: {  	s15 =	smov.u32 s19;
	s17 =	smov.u32 s31;
	s7 =	rddreg [dreg:$0x6]  }
0x320: {  	s28 =	smov.u32 s9;
	s14 =	smov.u32 s11;
	s24 =	rddreg [dreg:$0x17]  }
0x321: {  	s2 =	sand.u32 $0x40, s5;
	s0 =	sshll.u32 s5, $0x3;
	s1 =	sand.u32 $0xF80, s5  }
0x322: {  	v30 =	vmul.f32 v27, v24;
	v24 =	vpop (erf);
	(erf) = vrcp.f32 v14;
	s26 =	sshll.u32 s5, $0x2;
	s10 =	sor.u32 $0x10, s2;
	s0 =	sand.u32 $0x3FFFFC00, s0  }
0x323: {  	v16 =	vld.idx.msk [tilespmem:v16+s23+$0x0], $0xffff;
	(erf) = vpow2.f32 v29;
	v29 =	vpop (erf);
	s1 =	sor.u32 $0xA000, s1;
	s25 =	sor.u32 $0x20, s2;
	s7 =	sadd.s32 s0, s7  }
0x324: {  	v13 =	vadd.f32 $1.000000020e-16, v23;
	v27 =	vld.idx.msk [tilespmem:v4+s23+$0x0], $0xffff;
	[tilespmem:s20+$0x80] =	vst v30;
	s31 =	sor.u32 $0x30, s2;
	(erf) = vrcp.f32 v15;
	v23 =	vpop (erf);
	s6 =	sor.u32 s10, s1;
	s19 =	sadd.s32 s2, s7  }
0x325: {  	v15 =	vmul.f32 v29, v28;
	s9 =	sor.u32 s25, s1;
	v30 =	vmul.f32 v23, v24;
	v24 =	vld.idx.msk [tilespmem:v26+s23+$0x0], $0xffff;
	s23 =	sadd.s32 s10, s7;
	[smem:$0x7DC] =	sst s19  }
0x326: {  	v28 =	vld [tilespmem:s3+$0x0];
	s0 =	sor.u32 s31, s1;
	s3 =	smov.u32 s12;
	[dreg:$0x18] =	wrdreg s23  }
0x327: {  	v14 =	vld [tilespmem:s22+$0x0];
	v23 =	vpop (erf);
	s1 =	sadd.s32 s25, s7;
	s12 =	sadd.s32 $0x80, s7;
	[tilespmem:s11+$0x100] =	vst v15;
	v15 =	vmul.f32 $1.442695020e+00, v18;
	s19 =	rddreg [dreg:$0x7]  }
0x328: {  	v18 =	vmul.f32 v23, v12;
	v12 =	vadd.f32 $1.000000020e-16, v20;
	v20 =	vld [tilespmem:s0+$0x0];
	s23 =	sand.u32 $0x3FFFFE00, s26;
	s0 =	sadd.s32 s2, s12;
	[tilespmem:s24+$0x180] =	vst v30;
	s24 =	smov.u32 s8  }
0x329: {  	s8 =	smov.u32 s18;
	s18 =	smov.u32 s14;
	s14 =	sadd.s32 s31, s7  }
0x32a: {  	v21 =	vmul.f32 $1.442695020e+00, v21;
	s11 =	sadd.s32 s25, s12;
	v29 =	vld [tilespmem:s30+$0x0];
	s26 =	sadd.s32 $0xFA00, s23;
	[dreg:$0x1d] =	wrdreg s14  }
0x32b: {  	v26 =	vpop (erf);
	s30 =	sadd.s32 s10, s12;
	[tilespmem:s19+$0x180] =	vst v18;
	v18 =	vld [tilespmem:s6+$0x0];
	[smem:$0x7DE] =	sst s26;
	s6 =	sadd.s32 s31, s12  }
0x32c: {  	(erf) = vrcp.f32 v13;
	v23 =	vpop (erf);
	s12 =	sadd.s32 $0x100, s7;
	s19 =	sadd.s32 $0x180, s7;
	s26 =	smov.u32 s20  }
0x32d: {  	v25 =	vadd.f32 $1.000000020e-16, v25;
	(erf) = vpow2.f32 v21;
	v13 =	vpop (erf);
	s20 =	sadd.s32 s2, s12;
	s23 =	sadd.s32 s25, s12;
	s7 =	sadd.s32 s31, s12  }
0x32e: {  	v32 =	vld [tilespmem:s1+$0x0];
	(erf) = vrcp.f32 v22;
	v22 =	vadd.s32 $0x5000, v3;
	v21 =	vpop (erf);
	v26 =	vmul.f32 v26, v13;
	s14 =	sadd.s32 s2, s19;
	s1 =	sadd.s32 s10, s12;
	s12 =	sadd.s32 s25, s19  }
0x32f: {  	(erf) = vrcp.f32 v25;
	v25 =	vmul.f32 $1.442695020e+00, v28;
	v28 =	vadd.s32 $0x7800, v7;
	v13 =	vld [tilespmem:s9+$0x0];
	s9 =	smov.u32 s25;
	s25 =	smov.u32 s30;
	v7 =	vpop (erf);
	[smem:$0x7DF] =	sst s12  }
0x330: {  	s12 =	sadd.s32 s10, s19;
	v30 =	vpop (erf);
	[tilespmem:s15+$0x80] =	vst v26;
	s15 =	sadd.s32 s31, s19;
	s19 =	rddreg [dreg:$0x12]  }
0x331: {  	[dreg:$0x12] =	wrdreg s25;
	v33 =	vpop (erf)  }
0x332: {  	v31 =	vld [tilespmem:s29+$0x0];
	v17 =	vmul.f32 v17, v7;
	v7 =	vmov v3;
	s25 =	rddreg [dreg:$0x15];
	v3 =	vpop (erf)  }
0x333: {  	s29 =	simm.s32 $0x0;
	(erf) = vpow2.f32 v19;
	v19 =	vld [tilespmem:s4+$0x0];
	s4 =	smov.u32 s19;
	s19 =	rddreg [dreg:$0xc];
	v23 =	vmul.f32 v3, v23  }
0x334: {  	[dreg:$0xc] =	wrdreg s9;
	v22 =	vld.idx.msk [tilespmem:v22+s29+$0x0], $0xffff;
	[tilespmem:s17+$0x100] =	vst v17;
	s19 =	sor.u32 s19, s13  }
0x335: {  	s9 =	smov.u32 s11;
	[tilespmem:s19+$0x0] =	vst v23;
	v23 =	vld [tilespmem:s25+$0x0];
	s25 =	rddreg [dreg:$0xf]  }
0x336: {  	s11 =	rddreg [dreg:$0x9];
	v26 =	vld.idx.msk [tilespmem:v28+s29+$0x0], $0xffff;
	s29 =	smov.u32 s25;
	s25 =	smov.u32 s23  }
0x337: {  	v27 =	vadd.f32 $1.000000020e-16, v27;
	(erf) = vpow2.f32 v15;
	[dreg:$0xf] =	wrdreg s25  }
0x338: {  	(erf) = vpow2.f32 v25;
	s25 =	rddreg [dreg:$0xb]  }
0x339: {  	(erf) = vrcp.f32 v27;
	v27 =	vadd.f32 $1.000000020e-16, v24;
	s30 =	smov.u32 s25;
	s25 =	rddreg [dreg:$0x16]  }
0x33a: {  	[dreg:$0x16] =	wrdreg s9  }
0x33b: {  	v3 =	vpop (erf);
	(erf) = vrcp.f32 v27;
	s9 =	smov.u32 s11;
	v27 =	vld [tilespmem:s25+$0x0];
	s25 =	rddreg [dreg:$0x5]  }
0x33c: {  	s3 =	sor.u32 s3, s13;
	[dreg:$0xb] =	wrdreg s9  }
0x33d: {  	s9 =	smov.u32 s14;
	s14 =	smov.u32 s28;
	s28 =	rddreg [dreg:$0x8]  }
0x33e: {  	[dreg:$0x5] =	wrdreg s3  }
0x33f: {  	[dreg:$0x9] =	wrdreg s9  }
0x340: {  	[dreg:$0x15] =	wrdreg s14  }
0x341: {  	s14 =	smov.u32 s15;
	s15 =	smov.u32 s18;
	s18 =	rddreg [dreg:$0x13]  }
0x342: {  	s9 =	smov.u32 s28;
	s28 =	smov.u32 s21;
	s21 =	rddreg [dreg:$0xd]  }
0x343: {  	[dreg:$0x8] =	wrdreg s14  }
0x344: {  	[dreg:$0x7] =	wrdreg s15  }
0x345: {  	v15 =	vadd.s32 $0x2800, v10;
	v17 =	vmul.f32 v3, v33;
	v19 =	vmul.f32 $1.442695020e+00, v19;
	v24 =	vpop (erf);
	[dreg:$0x17] =	wrdreg s28  }
0x346: {  	v16 =	vadd.f32 $1.000000020e-16, v16;
	v25 =	vadd.s32 $0x5000, v2;
	v28 =	vpop (erf);
	s15 =	smov.u32 s20;
	s20 =	rddreg [dreg:$0xa]  }
0x347: {  	(erf) = vpow2.f32 v19;
	v19 =	vadd.s32 $0x7800, v8;
	v8 =	vpop (erf);
	[tilespmem:s25+$0x80] =	vst v17;
	s11 =	smov.u32 s25;
	s25 =	smov.u32 s21;
	s14 =	sld [smem:$0x7DC]  }
0x348: {  	v3 =	vmovc v5;
	v5 =	vmovc v20;
	v20 =	vadd.s32 $0x7800, v1;
	(erf) = vrcp.f32 v16;
	v16 =	vmul.f32 v8, v24;
	[dreg:$0x13] =	wrdreg s25  }
0x349: {  	s23 =	simm.s32 $0x0;
	v17 =	vmul.f32 $1.442695020e+00, v31;
	[dreg:$0xd] =	wrdreg s15  }
0x34a: {  	v29 =	vmul.f32 $1.442695020e+00, v29;
	v15 =	vld.idx.msk [tilespmem:v15+s23+$0x0], $0xffff;
	[tilespmem:s28+$0x100] =	vst v16;
	s28 =	smov.u32 s24;
	s15 =	smov.u32 s16;
	s16 =	rddreg [dreg:$0x11]  }
0x34b: {  	v1 =	vmov v2;
	v2 =	vmov v11;
	v11 =	vpop (erf);
	v25 =	vld.idx.msk [tilespmem:v25+s23+$0x0], $0xffff;
	(erf) = vpow2.f32 v17;
	[dreg:$0xa] =	wrdreg s28  }
0x34c: {  	v21 =	vmul.f32 v30, v21;
	v30 =	vadd.s32 $0x2800, v3;
	v8 =	vmovc v9;
	v31 =	vmul.f32 v28, v11;
	v28 =	vld [tilespmem:s18+$0x0];
	s21 =	smov.u32 s20;
	s20 =	rddreg [dreg:$0x1c]  }
0x34d: {  	v11 =	vmov v14;
	v14 =	vld.idx.msk [tilespmem:v20+s23+$0x0], $0xffff;
	v16 =	vmul.f32 $1.442695020e+00, v23;
	v23 =	vpop (erf);
	s25 =	sor.u32 s8, s13;
	s8 =	smov.u32 s12;
	s28 =	sld [smem:$0x7DE];
	(erf) = vrcp.f32 v12  }
0x34e: {  	v9 =	vmov v4;
	v20 =	vadd.f32 $1.000000020e-16, v26;
	v19 =	vld.idx.msk [tilespmem:v19+s23+$0x0], $0xffff;
	s12 =	smov.u32 s2;
	s2 =	smov.u32 s10;
	s10 =	rddreg [dreg:$0x10];
	v12 =	vpop (erf);
	(erf) = vpow2.f32 v29  }
0x34f: {  	v4 =	vmov v18;
	v26 =	vld [tilespmem:s16+$0x0];
	[dreg:$0x11] =	wrdreg s21;
	v18 =	vmul.f32 $1.442695020e+00, v27;
	v24 =	vpop (erf);
	(erf) = vpow2.f32 v16  }
0x350: {  	v22 =	vadd.f32 $1.000000020e-16, v22;
	[tilespmem:s25+$0x0] =	vst v31;
	s16 =	sld [smem:$0x7DD];
	v27 =	vld [tilespmem:s14+$0x0];
	(erf) = vrcp.f32 v20  }
0x351: {  	v31 =	vadd.f32 $1.000000020e-16, v15;
	s21 =	rddreg [dreg:$0x14];
	[tilespmem:s3+$0x0] =	vst v21;
	v21 =	vld.idx.msk [tilespmem:v30+s23+$0x0], $0xffff;
	v12 =	vmul.f32 v24, v12;
	v24 =	vpop (erf);
	(erf) = vpow2.f32 v18  }
0x352: {  	v30 =	vld [tilespmem:s21+$0x0];
	s14 =	rddreg [dreg:$0x1b];
	v18 =	vmul.f32 $1.442695020e+00, v28;
	v28 =	vpop (erf);
	(erf) = vrcp.f32 v22  }
0x353: {  	v29 =	vadd.s32 $0x2800, v2;
	s3 =	smov.u32 s6;
	v62 =	vld.idx.msk [tilespmem:v5+s23+$0x0], $0xffff;
	s6 =	rddreg [dreg:$0x1a];
	v25 =	vadd.f32 $1.000000020e-16, v25;
	v15 =	vpop (erf);
	(erf) = vrcp.f32 v31  }
0x354: {  	[dreg:$0x14] =	wrdreg s3;
	v20 =	vld.idx.msk [tilespmem:v13+s23+$0x0], $0xffff;
	v19 =	vadd.f32 $1.000000020e-16, v19;
	v26 =	vmul.f32 $1.442695020e+00, v26;
	v61 =	vmul.f32 v15, v28;
	v15 =	vpop (erf)  }
0x355: {  	s3 =	rddreg [dreg:$0xe];
	v14 =	vadd.f32 $1.000000020e-16, v14;
	v22 =	vld [tilespmem:s16+$0x0];
	s16 =	sor.u32 s20, s13;
	(erf) = vpow2.f32 v18;
	v15 =	vmul.f32 v24, v15  }
0x356: {  	v17 =	vmul.f32 $1.442695020e+00, v32;
	s20 =	rddreg [dreg:$0x1d];
	[tilespmem:s16+$0x0] =	vst v12;
	v28 =	vld.idx.msk [tilespmem:v11+s23+$0x0], $0xffff;
	(erf) = vpow2.f32 v26;
	v12 =	vpop (erf)  }
0x357: {  	s21 =	smov.u32 s15;
	s13 =	smov.u32 s28;
	s28 =	rddreg [dreg:$0x1f];
	v31 =	vadd.s32 $0x5000, v8;
	v26 =	vld [tilespmem:s10+$0x0];
	(erf) = vrcp.f32 v25;
	[tilespmem:s26+$0x100] =	vst v15;
	v15 =	vmul.f32 v12, v23;
	v12 =	vpop (erf)  }
0x358: {  	v16 =	vadd.s32 $0x2800, v9;
	v63 =	vld [tilespmem:s20+$0x0];
	s20 =	smov.u32 s19;
	s19 =	rddreg [dreg:$0x19];
	[tilespmem:s15+$0x80] =	vst v61;
	s15 =	smov.u32 s14;
	v18 =	vadd.f32 $1.000000020e-16, v21;
	(erf) = vrcp.f32 v19;
	v19 =	vpop (erf)  }
0x359: {  	p0 =	slt.u32 s5, $0x9C0;
	[dreg:$0x10] =	wrdreg s15;
	v23 =	vld.idx.msk [tilespmem:v29+s23+$0x0], $0xffff;
	v29 =	vmul.f32 $1.442695020e+00, v30;
	v30 =	vadd.s32 $0x7800, v6;
	(erf) = vrcp.f32 v14;
	v14 =	vpop (erf)  }
.Ltmp18:
0x35a: {  	v34 =	vmul.f32 $1.442695020e+00, v27;
	s14 =	smov.u32 s26;
	v6 =	vmov v10;
	s26 =	sld [smem:$0x7DF];
	v24 =	vpop (erf);
	(erf) = vrcp.f32 v18;
	(pc) =	sbr.rel @p0 .LBB2_39-.Ltmp18, $4  }
0x35b: {  	s18 =	smov.u32 s31;
	s24 =	smov.u32 s0;
	v21 =	vld [tilespmem:s3+$0x0];
	[tilespmem:s28+$0x180] =	vst v15;
	v15 =	vadd.f32 $1.000000020e-16, v20;
	s28 =	sld [smem:$0x7E0];
	v19 =	vmul.f32 v14, v19;
	(erf) = vpow2.f32 v17;
	v17 =	vpop (erf)  }
0x35c: {  	s10 =	smov.u32 s7;
	s7 =	smov.u32 s6;
	s15 =	rddreg [dreg:$0x1e];
	v25 =	vld.idx.msk [tilespmem:v31+s23+$0x0], $0xffff;
	v14 =	vadd.f32 $1.000000020e-16, v28;
	v31 =	vmul.f32 $1.442695020e+00, v26;
	v27 =	vpop (erf);
	(erf) = vpow2.f32 v29  }
0x35d: {  	[dreg:$0xe] =	wrdreg s7;
	s7 =	smov.u32 s1;
	v10 =	vmovc v13;
	v18 =	vld [tilespmem:s15+$0x0];
	s15 =	smov.u32 s19;
	v26 =	vadd.s32 $0x5000, v6;
	v29 =	vmul.f32 $1.442695020e+00, v22;
	(erf) = vpow2.f32 v34  }
0x35e: {  	s3 =	smov.u32 s26;
	s19 =	smov.u32 s25;
	[tilespmem:s17+$0x180] =	vst v19;
	s31 =	smov.u32 s28;
	v19 =	vmul.f32 $1.442695020e+00, v63;
	v22 =	vadd.f32 $1.000000020e-16, v62;
	v20 =	vld.idx.msk [tilespmem:v30+s23+$0x0], $0xffff;
	v28 =	vpop (erf);
	(erf) = vpow2.f32 v31  }
0x35f: {  	(erf) = vrcp.f32 v14;
	v13 =	vpop (erf)  }
0x360: {  	(erf) = vpow2.f32 v29;
	v40 =	vpop (erf)  }
0x361: {  	(erf) = vrcp.f32 v15;
	v15 =	vpop (erf)  }
0x362: {  	s0 =	rddreg [dreg:$0x18];
	v21 =	vmul.f32 $1.442695020e+00, v21;
	v14 =	vpop (erf)  }
0x363: {  	v23 =	vadd.f32 $1.000000020e-16, v23;
	v30 =	vld [tilespmem:s0+$0x0];
	v41 =	vpop (erf)  }
0x364: {  	v24 =	vmul.f32 v27, v24;
	v32 =	vpop (erf)  }
0x365: {  	v31 =	vld.idx.msk [tilespmem:v4+s23+$0x0], $0xffff;
	(erf) = vrcp.f32 v23;
	v42 =	vpop (erf)  }
0x366: {  	v45 =	vld [tilespmem:s4+$0x0];
	[tilespmem:s20+$0x80] =	vst v24;
	(erf) = vpow2.f32 v21;
	v21 =	vpop (erf)  }
0x367: {  	v43 =	vadd.f32 $1.000000020e-16, v25;
	v44 =	vmul.f32 v40, v28;
	v26 =	vld.idx.msk [tilespmem:v26+s23+$0x0], $0xffff;
	(erf) = vrcp.f32 v22;
	v47 =	vpop (erf)  }
0x368: {  	v48 =	vmul.f32 $1.442695020e+00, v30;
	v30 =	vpop (erf);
	v17 =	vmul.f32 v17, v47  }
0x369: {  	v16 =	vld.idx.msk [tilespmem:v16+s23+$0x0], $0xffff;
	v7 =	vadd.s32 $0x7800, v7;
	v18 =	vmul.f32 $1.442695020e+00, v18;
	[tilespmem:s11+$0x100] =	vst v44;
	(erf) = vrcp.f32 v43;
	v50 =	vpop (erf)  }
0x36a: {  	v46 =	vadd.s32 $0x5000, v3;
	v52 =	vadd.s32 $0x2800, v10;
	v33 =	vld [tilespmem:s29+$0x0];
	(erf) = vpow2.f32 v19;
	v53 =	vpop (erf);
	[tilespmem:s31+$0x100] =	vst v17  }
0x36b: {  	v49 =	vadd.f32 $1.000000020e-16, v31;
	v51 =	vld [tilespmem:s30+$0x0];
	(erf) = vpow2.f32 v18;
	v54 =	vmul.f32 v53, v32;
	s22 =	rddreg [dreg:$0xc]  }
0x36c: {  	v55 =	vmul.f32 $1.442695020e+00, v45;
	v26 =	vadd.f32 $1.000000020e-16, v26;
	(erf) = vpow2.f32 v48;
	s17 =	rddreg [dreg:$0x15];
	s0 =	sor.u32 s22, s13  }
0x36d: {  	v23 =	vmul.f32 v41, v42;
	(erf) = vrcp.f32 v49;
	v17 =	vld [tilespmem:s17+$0x0];
	[tilespmem:s0+$0x0] =	vst v54  }
0x36e: {  	v16 =	vadd.f32 $1.000000020e-16, v16;
	v7 =	vld.idx.msk [tilespmem:v7+s23+$0x0], $0xffff;
	(erf) = vrcp.f32 v26;
	s1 =	rddreg [dreg:$0x16]  }
0x36f: {  	v57 =	vmul.f32 $1.442695020e+00, v33;
	v56 =	vpop (erf);
	(erf) = vpow2.f32 v55;
	[tilespmem:s19+$0x80] =	vst v23;
	v24 =	vld [tilespmem:s1+$0x0]  }
0x370: {  	v58 =	vadd.f32 $1.000000020e-16, v20;
	v59 =	vmul.f32 $1.442695020e+00, v51;
	v60 =	vpop (erf);
	(erf) = vrcp.f32 v16;
	v22 =	vld.idx.msk [tilespmem:v46+s23+$0x0], $0xffff  }
0x371: {  	v1 =	vadd.s32 $0x7800, v1;
	v61 =	vmul.f32 v56, v50;
	v62 =	vpop (erf);
	v18 =	vld.idx.msk [tilespmem:v52+s23+$0x0], $0xffff;
	(erf) = vpow2.f32 v57  }
0x372: {  	v63 =	vadd.s32 $0x5000, v2;
	v31 =	vpop (erf);
	s1 =	rddreg [dreg:$0x5];
	(erf) = vrcp.f32 v58;
	v17 =	vmul.f32 $1.442695020e+00, v17  }
0x373: {  	v32 =	vpop (erf);
	v26 =	vmul.f32 v31, v60;
	v33 =	vadd.f32 $1.000000020e-16, v7;
	[tilespmem:s1+$0x80] =	vst v61;
	(erf) = vpow2.f32 v59  }
0x374: {  	v8 =	vadd.s32 $0x7800, v8;
	s25 =	rddreg [dreg:$0x13];
	v7 =	vpop (erf);
	(erf) = vpow2.f32 v17;
	v34 =	vmul.f32 $1.442695020e+00, v24  }
0x375: {  	v40 =	vadd.s32 $0x2800, v5;
	[tilespmem:s21+$0x100] =	vst v26;
	v37 =	vld [tilespmem:s25+$0x0];
	v36 =	vpop (erf);
	v35 =	vadd.f32 $1.000000020e-16, v22;
	(erf) = vrcp.f32 v33  }
0x376: {  	v47 =	vld.idx.msk [tilespmem:v1+s23+$0x0], $0xffff;
	s26 =	rddreg [dreg:$0x11];
	v18 =	vadd.f32 $1.000000020e-16, v18;
	v38 =	vpop (erf);
	(erf) = vpow2.f32 v34  }
0x377: {  	v44 =	vmul.f32 v62, v32;
	v39 =	vld [tilespmem:s26+$0x0];
	v41 =	vpop (erf);
	(erf) = vrcp.f32 v35  }
0x378: {  	s28 =	sor.u32 s18, s13;
	v42 =	vld.idx.msk [tilespmem:v63+s23+$0x0], $0xffff;
	v43 =	vpop (erf);
	(erf) = vrcp.f32 v18  }
0x379: {  	v49 =	vadd.s32 $0x2800, v11;
	v45 =	vld.idx.msk [tilespmem:v8+s23+$0x0], $0xffff;
	[tilespmem:s28+$0x0] =	vst v44;
	v46 =	vpop (erf)  }
0x37a: {  	v21 =	vmul.f32 v30, v21;
	v26 =	vld.idx.msk [tilespmem:v40+s23+$0x0], $0xffff;
	s5 =	rddreg [dreg:$0x14];
	v17 =	vmul.f32 $1.442695020e+00, v37;
	v48 =	vpop (erf)  }
0x37b: {  	s29 =	sor.u32 s12, s13;
	s6 =	rddreg [dreg:$0x10];
	v50 =	vld [tilespmem:s5+$0x0];
	v8 =	vpop (erf)  }
0x37c: {  	v52 =	vadd.s32 $0x5000, v9;
	[tilespmem:s29+$0x0] =	vst v21;
	v53 =	vld [tilespmem:s6+$0x0];
	v20 =	vmul.f32 $1.442695020e+00, v39;
	v54 =	vmul.f32 v46, v43;
	v1 =	vpop (erf)  }
0x37d: {  	v56 =	vadd.f32 $1.000000020e-16, v47;
	v55 =	vld [tilespmem:s24+$0x0];
	v51 =	vadd.f32 $1.000000020e-16, v42;
	(erf) = vpow2.f32 v17;
	v16 =	vpop (erf)  }
0x37e: {  	v22 =	vmul.f32 v38, v36;
	v19 =	vadd.f32 $1.000000020e-16, v45;
	v18 =	vld.idx.msk [tilespmem:v49+s23+$0x0], $0xffff;
	[tilespmem:s16+$0x80] =	vst v54;
	(erf) = vpow2.f32 v20;
	v17 =	vpop (erf)  }
0x37f: {  	v59 =	vadd.s32 $0x5000, v10;
	v27 =	vmul.f32 v41, v48;
	s12 =	rddreg [dreg:$0xe];
	(erf) = vrcp.f32 v51;
	v57 =	vpop (erf)  }
0x380: {  	v26 =	vadd.f32 $1.000000020e-16, v26;
	v63 =	vmul.f32 $1.442695020e+00, v50;
	v60 =	vld [tilespmem:s12+$0x0];
	(erf) = vrcp.f32 v19;
	v58 =	vpop (erf)  }
0x381: {  	v34 =	vmul.f32 $1.442695020e+00, v53;
	v32 =	vld.idx.msk [tilespmem:v52+s23+$0x0], $0xffff;
	(erf) = vrcp.f32 v56;
	v61 =	vpop (erf)  }
0x382: {  	s2 =	sor.u32 s2, s13;
	v62 =	vadd.s32 $0x2800, v4;
	[tilespmem:s20+$0x100] =	vst v27;
	(erf) = vrcp.f32 v26;
	v23 =	vmul.f32 v61, v57  }
0x383: {  	[tilespmem:s2+$0x0] =	vst v22;
	v20 =	vmul.f32 $1.442695020e+00, v55;
	v18 =	vadd.f32 $1.000000020e-16, v18;
	(erf) = vpow2.f32 v63  }
0x384: {  	v27 =	vld [tilespmem:s15+$0x0];
	(erf) = vpow2.f32 v34;
	[tilespmem:s0+$0x80] =	vst v23  }
0x385: {  	v37 =	vmul.f32 $1.442695020e+00, v60;
	(erf) = vpow2.f32 v20;
	v35 =	vld.idx.msk [tilespmem:v59+s23+$0x0], $0xffff;
	s13 =	rddreg [dreg:$0x12]  }
0x386: {  	v40 =	vadd.f32 $1.000000020e-16, v32;
	v38 =	vpop (erf);
	(erf) = vrcp.f32 v18;
	v36 =	vld [tilespmem:s13+$0x0]  }
0x387: {  	v39 =	vld.idx.msk [tilespmem:v62+s23+$0x0], $0xffff;
	v18 =	vpop (erf);
	(erf) = vpow2.f32 v37  }
0x388: {  	v41 =	vpop (erf);
	(erf) = vrcp.f32 v40  }
0x389: {  	v27 =	vmul.f32 $1.442695020e+00, v27;
	v19 =	vpop (erf)  }
0x38a: {  	v42 =	vadd.s32 $0x7800, v6;
	v6 =	vpop (erf);
	v22 =	vadd.f32 $1.000000020e-16, v35  }
0x38b: {  	(erf) = vpow2.f32 v27;
	v43 =	vpop (erf);
	v23 =	vmul.f32 $1.442695020e+00, v36  }
0x38c: {  	v24 =	vadd.f32 $1.000000020e-16, v39;
	v44 =	vpop (erf);
	(erf) = vrcp.f32 v22  }
0x38d: {  	v20 =	vmul.f32 v41, v38;
	v45 =	vpop (erf);
	(erf) = vpow2.f32 v23  }
0x38e: {  	v3 =	vadd.s32 $0x7800, v3;
	s15 =	rddreg [dreg:$0xf];
	v48 =	vpop (erf);
	(erf) = vrcp.f32 v24  }
0x38f: {  	v47 =	vadd.s32 $0x5000, v5;
	v46 =	vld [tilespmem:s15+$0x0];
	[tilespmem:s1+$0x100] =	vst v20;
	v21 =	vmul.f32 v58, v45;
	v49 =	vpop (erf)  }
0x390: {  	v25 =	vld.idx.msk [tilespmem:v42+s23+$0x0], $0xffff;
	s17 =	rddreg [dreg:$0xb];
	v22 =	vmul.f32 v43, v44;
	v51 =	vpop (erf)  }
0x391: {  	v50 =	vld [tilespmem:s17+$0x0];
	[tilespmem:s19+$0x100] =	vst v21;
	v20 =	vmul.f32 v49, v48;
	v54 =	vpop (erf)  }
0x392: {  	v53 =	vadd.s32 $0x5000, v11;
	[tilespmem:s28+$0x80] =	vst v22;
	v52 =	vld [tilespmem:s9+$0x0];
	v21 =	vmul.f32 v54, v51  }
0x393: {  	v55 =	vadd.s32 $0x7800, v9;
	v3 =	vld.idx.msk [tilespmem:v3+s23+$0x0], $0xffff;
	[tilespmem:s29+$0x80] =	vst v20  }
0x394: {  	v2 =	vadd.s32 $0x7800, v2;
	v56 =	vmul.f32 $1.442695020e+00, v46;
	v22 =	vld.idx.msk [tilespmem:v47+s23+$0x0], $0xffff;
	v23 =	vpop (erf);
	s18 =	rddreg [dreg:$0xd];
	[tilespmem:s16+$0x100] =	vst v21  }
0x395: {  	v25 =	vadd.f32 $1.000000020e-16, v25;
	v57 =	vld [tilespmem:s18+$0x0];
	s22 =	rddreg [dreg:$0xa];
	v58 =	vpop (erf)  }
0x396: {  	(erf) = vpow2.f32 v56;
	v28 =	vmul.f32 $1.442695020e+00, v50;
	v59 =	vld [tilespmem:s22+$0x0];
	v60 =	vpop (erf)  }
0x397: {  	v62 =	vadd.s32 $0x5000, v4;
	(erf) = vrcp.f32 v25;
	v29 =	vld.idx.msk [tilespmem:v53+s23+$0x0], $0xffff;
	v27 =	vmul.f32 $1.442695020e+00, v52;
	v61 =	vpop (erf)  }
0x398: {  	(erf) = vpow2.f32 v28;
	v9 =	vld.idx.msk [tilespmem:v55+s23+$0x0], $0xffff;
	v3 =	vadd.f32 $1.000000020e-16, v3;
	v20 =	vmul.f32 v61, v60  }
0x399: {  	v2 =	vld.idx.msk [tilespmem:v2+s23+$0x0], $0xffff;
	v22 =	vadd.f32 $1.000000020e-16, v22;
	(erf) = vpow2.f32 v27  }
0x39a: {  	v63 =	vld [tilespmem:s10+$0x0];
	(erf) = vrcp.f32 v3;
	v3 =	vmul.f32 $1.442695020e+00, v57;
	[tilespmem:s2+$0x80] =	vst v20  }
0x39b: {  	(erf) = vrcp.f32 v22;
	v28 =	vmul.f32 $1.442695020e+00, v59;
	v20 =	vld [tilespmem:s7+$0x0]  }
0x39c: {  	v29 =	vadd.f32 $1.000000020e-16, v29;
	(erf) = vpow2.f32 v3;
	v3 =	vld.idx.msk [tilespmem:v62+s23+$0x0], $0xffff  }
0x39d: {  	v9 =	vadd.f32 $1.000000020e-16, v9;
	(erf) = vpow2.f32 v28  }
0x39e: {  	v2 =	vadd.f32 $1.000000020e-16, v2;
	(erf) = vrcp.f32 v29  }
0x39f: {  	v31 =	vmul.f32 $1.442695020e+00, v63;
	v30 =	vpop (erf);
	(erf) = vrcp.f32 v9  }
0x3a0: {  	v32 =	vpop (erf);
	(erf) = vrcp.f32 v2;
	v2 =	vmul.f32 $1.442695020e+00, v20  }
0x3a1: {  	v3 =	vadd.f32 $1.000000020e-16, v3  }
0x3a2: {  	v33 =	vpop (erf);
	(erf) = vpow2.f32 v31  }
0x3a3: {  	v34 =	vpop (erf)  }
0x3a4: {  	(erf) = vpow2.f32 v2;
	v2 =	vpop (erf)  }
0x3a5: {  	(erf) = vrcp.f32 v3;
	v3 =	vpop (erf)  }
0x3a6: {  	v35 =	vpop (erf)  }
0x3a7: {  	v36 =	vpop (erf)  }
0x3a8: {  	v38 =	vpop (erf)  }
0x3a9: {  	v37 =	vadd.s32 $0x7800, v10;
	v39 =	vpop (erf)  }
0x3aa: {  	v21 =	vmul.f32 v58, v30;
	v40 =	vpop (erf)  }
0x3ab: {  	v41 =	vmul.f32 v38, v35;
	v43 =	vpop (erf)  }
0x3ac: {  	v42 =	vadd.s32 $0x7800, v5;
	[tilespmem:s0+$0x100] =	vst v21;
	v3 =	vmul.f32 v3, v43  }
0x3ad: {  	v44 =	vld [tilespmem:s3+$0x0];
	[tilespmem:s29+$0x100] =	vst v41;
	v45 =	vpop (erf)  }
0x3ae: {  	v46 =	vadd.s32 $0x7800, v4;
	v10 =	vld.idx.msk [tilespmem:v37+s23+$0x0], $0xffff;
	s24 =	rddreg [dreg:$0x9];
	v47 =	vpop (erf);
	[tilespmem:s28+$0x100] =	vst v3  }
0x3af: {  	v48 =	vld [tilespmem:s24+$0x0];
	v3 =	vadd.s32 $0x7800, v11;
	v49 =	vmul.f32 v47, v45;
	s25 =	rddreg [dreg:$0x8]  }
0x3b0: {  	v50 =	vld [tilespmem:s25+$0x0]  }
0x3b1: {  	v5 =	vld.idx.msk [tilespmem:v42+s23+$0x0], $0xffff;
	[tilespmem:s2+$0x100] =	vst v49  }
0x3b2: {  	v51 =	vmul.f32 $1.442695020e+00, v44;
	v11 =	vld [tilespmem:s8+$0x0]  }
0x3b3: {  	v10 =	vadd.f32 $1.000000020e-16, v10;
	v4 =	vld.idx.msk [tilespmem:v46+s23+$0x0], $0xffff  }
0x3b4: {  	(erf) = vpow2.f32 v51;
	v52 =	vmul.f32 $1.442695020e+00, v48;
	v3 =	vld.idx.msk [tilespmem:v3+s23+$0x0], $0xffff  }
0x3b5: {  	(erf) = vrcp.f32 v10;
	v21 =	vmul.f32 $1.442695020e+00, v50  }
0x3b6: {  	v5 =	vadd.f32 $1.000000020e-16, v5;
	(erf) = vpow2.f32 v52  }
0x3b7: {  	v53 =	vmul.f32 $1.442695020e+00, v11;
	(erf) = vpow2.f32 v21  }
0x3b8: {  	v54 =	vmul.f32 v15, v13;
	v4 =	vadd.f32 $1.000000020e-16, v4;
	(erf) = vrcp.f32 v5  }
0x3b9: {  	v7 =	vmul.f32 v8, v7;
	s26 =	rddreg [dreg:$0x17];
	v3 =	vadd.f32 $1.000000020e-16, v3;
	(erf) = vpow2.f32 v53  }
0x3ba: {  	v56 =	vmul.f32 v17, v16;
	[tilespmem:s26+$0x180] =	vst v54;
	(erf) = vrcp.f32 v4  }
0x3bb: {  	v1 =	vmul.f32 v6, v1;
	s3 =	rddreg [dreg:$0x7];
	[tilespmem:s14+$0x180] =	vst v7;
	(erf) = vrcp.f32 v3  }
0x3bc: {  	[tilespmem:s31+$0x180] =	vst v56;
	v3 =	vmul.f32 v19, v18  }
0x3bd: {  	v55 =	vmul.f32 v14, v12;
	v57 =	vpop (erf);
	[tilespmem:s11+$0x180] =	vst v1  }
0x3be: {  	v58 =	vpop (erf);
	[tilespmem:s21+$0x180] =	vst v3;
	v3 =	vmul.f32 v32, v23  }
0x3bf: {  	v1 =	vmul.f32 v2, v34;
	[tilespmem:s3+$0x180] =	vst v55;
	v2 =	vpop (erf)  }
0x3c0: {  	[tilespmem:s20+$0x180] =	vst v3;
	v3 =	vmul.f32 v39, v36;
	v59 =	vpop (erf)  }
0x3c1: {  	[tilespmem:s19+$0x180] =	vst v1;
	v1 =	vmul.f32 v40, v33;
	v60 =	vpop (erf)  }
0x3c2: {  	[tilespmem:s16+$0x180] =	vst v3;
	v3 =	vmul.f32 v58, v57;
	v61 =	vpop (erf)  }
0x3c3: {  	[tilespmem:s1+$0x180] =	vst v1;
	v1 =	vmul.f32 v60, v59;
	v62 =	vpop (erf)  }
0x3c4: {  	[tilespmem:s0+$0x180] =	vst v3;
	v3 =	vmul.f32 v62, v61;
	v63 =	vpop (erf)  }
0x3c5: {  	[tilespmem:s28+$0x180] =	vst v1;
	v1 =	vmul.f32 v63, v2  }
0x3c6: {  	[tilespmem:s2+$0x180] =	vst v3  }
0x3c7: {  	s0 =	sld [smem:$0x7E2];
	[tilespmem:s29+$0x180] =	vst v1  }
0x3c8: {  	s1 =	sld [smem:$0x7F4]  }
0x3c9: {  	s28 =	sld [smem:$0x7F5]  }
0x3ca: {  	s0 =	sshrl.u32 s0, $0x1  }
0x3cb: {  	s29 =	simm.s32 $0xFA00;
	s0 =	sadd.s32 s1, s0  }
0x3cc: {  	[hbm4b:s0+s23] =	stream.linear.scatter [tilespmem:s29], [sflag:s28], $0x2800, $0x38;
	[tilespmem:$0x1E000] =	vst v63  }
0x3cd: {  	_ =	swait.ge [sflag:s28], $0x2800  }
0x3ce: {  	s31 =	sld [smem:$0x7E1];
	_ =	sdelay $0x2  }
0x3cf: {  	s2 =	sadd.s32 $0x1, s31  }
0x3d0: {  	p0 =	sne.s32 s2, $0x8  }
.Ltmp19:
0x3d1: {  	_ = 	snop;
	(pc) =	sbr.rel @p0 .LBB2_38-.Ltmp19, $4  }
0x3d2: {  	s24 =	sld [smem:$0x7FB]  }
0x3d3: {  	[sflag:s28] =	ssyncset.done $0x0;
	s25 =	sld [smem:$0x7FC]  }
0x3d4: {  	s26 =	sld [smem:$0x7FD];
	[sflag:s28] =	ssyncadd.s32 $0xFFFFD800  }
0x3d5: {  	s30 =	simm.s32 $0xAA00;
	s22 =	rddreg [dreg:$0x0]  }
0x3d6: {  	s1 =	sld [smem:$0x7E5]  }
0x3d7: {  	s0 =	sld [smem:$0x7F3];
	_ =	sdelay $0x1  }
0x3d8: {  	s1 =	sadd.s32 $0x1, s1  }
0x3d9: {  	p0 =	sne.s32 s1, s0  }
.Ltmp20:
0x3da: {  	_ = 	snop;
	(pc) =	sbr.rel @p0 .LBB2_1-.Ltmp20, $2  }
0x3db: {  	_ =	sdelay $0x2  }
0x3dc: {  	s29 =	simm.s32 $0x1;
	s31 =	simm.s32 $0x12C00  }
0x3dd: {  	_ =	sfence.sel $0x180000  }
0x3de: {  	[bflag:$0x0] =	sbarrier.arrive $0xFFFF  }
0x3df: {  	_ =	strace $0x90000047  }
0x3e0: {  	s0 =	stileid.u32;
	[bflag:$0x2] =	sbarrier.arrive $0xFFFF  }
0x3e1: {  	p0 =	sne.s32 s0, $0x0;
	s0 =	rddreg [dreg:$0x4]  }
0x3e2: {  	s0 =	sadd.s32 @!p0 $0x100000, s0  }
0x3e3: {  	[sflag:s0] =	ssyncadd.tile.s32 @!p0 $0x1;
	_ =	shalt  }
.Lfunc_end2:
_tile_overlayer_lowered:
.L_overlay_start_2:
0x3e4: {  	(tag) =	ssettag $0x2  }
0x3e5: {  	s0 =	rddreg [dreg:$0x0];
	s2 =	stileid.u32  }
0x3e6: {  	s1 =	rddreg [dreg:$0x1];
	p0 =	sne.s32 s2, $0x0  }
0x3e7: {  	s3 =	rddreg [dreg:$0x2];
	[bflag:$0x3] =	sbarrier.arrive $0xFFFF;
	s2 =	simm.s32 @!p0 $0x1C01  }
0x3e8: {  	[timem:s3], [sflag:s2] =	dma.local @!p0 [hbm:s0], s1  }
0x3e9: {  	s0 =	simm.s32 @!p0 $0x1  }
0x3ea: {  	_ =	swait.ge @!p0 [sflag:s0], s1  }
0x3eb: {  	s1 =	ssub.s32 @!p0 $0x0, s1;
	[sflag:s0] =	ssyncset.done @!p0 $0x0  }
0x3ec: {  	[sflag:s0] =	ssyncadd.s32 @!p0 s1  }
0x3ed: {  	[bflag:$0x3] =	sbarrier.arrive $0xFFFF  }
0x3ee: {  	_ =	shalt  }

</sc_bundles>
